<compile_context>
chip_gen: v7x
topology: tpu7x:2x2x1
jax: 0.10.2.dev20260603
libtpu: 0.0.44.dev20260713+nightly
codegen_flags: <defaults>
</compile_context>

<pallas_src>
import functools

import jax
import jax.numpy as jnp
from jax import lax
from jax.experimental import pallas as pl
from jax.experimental.pallas import tpu as pltpu
from jax.experimental.pallas import tpu_sc as plsc

B = 1024
IN_DIM = 4096
OUT_DIM = 4096
FAN_IN = 8
L = 16
NC, NS = 2, 16
NW = NC * NS
RPW = B // NW
G = OUT_DIM // L
C = IN_DIM // L
PB = 4
RB = 2 * PB
NPASS = RPW // RB


def _tec_body(x_hbm, ip_hbm, wp_hbm, b_hbm, out_hbm,
              x0, x1, x2, x3, y0, y1, y2, y3, y4, y5, y6, y7,
              stg, ipv, wv, bv, sem_i, sem_o):
    xp = (x0, x1, x2, x3)
    yr = (y0, y1, y2, y3, y4, y5, y6, y7)
    wid = lax.axis_index("s") * NC + lax.axis_index("c")
    base = wid * RPW
    for r in range(RB):
        pltpu.async_copy(x_hbm.at[base + r], stg.at[r], sem_i)
    pltpu.sync_copy(ip_hbm, ipv)
    pltpu.sync_copy(wp_hbm, wv)
    pltpu.sync_copy(b_hbm, bv)

    def pass_body(p, carry):
        row = base + p * RB
        for r in range(RB):
            pltpu.make_async_copy(x_hbm.at[base + r], stg.at[r], sem_i).wait()

        @plsc.parallel_loop(0, C, 1, unroll=4)
        def pack_body(c):
            o = c * L
            for j in range(PB):
                pk = plsc.pack(stg[2 * j, pl.ds(o, L)],
                               stg[2 * j + 1, pl.ds(o, L)],
                               format=plsc.PackFormat.INTERLEAVED)
                xp[j][pl.ds(o, L)] = plsc.bitcast(pk, jnp.int32)

        rown = base + jnp.minimum(p + 1, NPASS - 1) * RB
        for r in range(RB):
            pltpu.async_copy(x_hbm.at[rown + r], stg.at[r], sem_i)

        @pl.when(p > 0)
        def _():
            for r in range(RB):
                pltpu.make_async_copy(yr[r], out_hbm.at[base + r],
                                      sem_o).wait()

        @plsc.parallel_loop(0, G, 1, unroll=2)
        def grp_body(g):
            o = g * L
            acc = [None] * PB
            for t in range(FAN_IN // 2):
                iw = plsc.bitcast(ipv[t, pl.ds(o, L)], jnp.int16)
                iv0, iv1 = plsc.unpack(iw, format=plsc.PackFormat.INTERLEAVED)
                ww = plsc.bitcast(wv[t, pl.ds(o, L)], jnp.bfloat16)
                wa, wb = plsc.unpack(ww, format=plsc.PackFormat.INTERLEAVED)
                for k, ivec, wf in ((2 * t, iv0, wa), (2 * t + 1, iv1, wb)):
                    wvec = plsc.pack(wf, wf,
                                     format=plsc.PackFormat.INTERLEAVED)
                    for j in range(PB):
                        gb = plsc.bitcast(plsc.load_gather(xp[j], [ivec]),
                                          jnp.bfloat16)
                        t2 = gb * wvec
                        acc[j] = t2 if k == 0 else acc[j] + t2
            bb = plsc.bitcast(bv[pl.ds(o, L)], jnp.bfloat16)
            for j in range(PB):
                ypk = 1.0 / (1.0 + jnp.exp(bb - acc[j]))
                lo, hi = plsc.unpack(ypk,
                                     format=plsc.PackFormat.INTERLEAVED)
                yr[2 * j][pl.ds(o, L)] = lo
                yr[2 * j + 1][pl.ds(o, L)] = hi

        for r in range(RB):
            pltpu.async_copy(yr[r], out_hbm.at[row + r], sem_o)
        return carry

    lax.fori_loop(0, NPASS, pass_body, 0)
    for r in range(RB):
        pltpu.make_async_copy(yr[r], out_hbm.at[base + r], sem_o).wait()
        pltpu.make_async_copy(x_hbm.at[base + r], stg.at[r], sem_i).wait()


def kernel(x, idx, w, theta, s_raw):
    s = jax.nn.softplus(s_raw) + 1e-6
    bu = lax.bitcast_convert_type((s * theta).astype(jnp.bfloat16),
                                  jnp.uint16).astype(jnp.uint32)
    bterm = lax.bitcast_convert_type(bu | (bu << 16), jnp.int32)

    iu = jnp.asarray(idx, jnp.uint32).T
    ipack = lax.bitcast_convert_type(iu[0::2] | (iu[1::2] << 16), jnp.int32)

    wu = lax.bitcast_convert_type((w * s[:, None]).T.astype(jnp.bfloat16),
                                  jnp.uint16).astype(jnp.uint32)
    wpack = lax.bitcast_convert_type(wu[0::2] | (wu[1::2] << 16), jnp.int32)

    mesh = plsc.VectorSubcoreMesh(core_axis_name="c", subcore_axis_name="s")
    run = functools.partial(
        pl.kernel,
        mesh=mesh,
        compiler_params=pltpu.CompilerParams(needs_layout_passes=False),
        out_type=jax.ShapeDtypeStruct((B, OUT_DIM), jnp.float32),
        scratch_types=(
            [pltpu.VMEM((IN_DIM,), jnp.int32) for _ in range(PB)]
            + [pltpu.VMEM((OUT_DIM,), jnp.float32) for _ in range(RB)]
            + [
                pltpu.VMEM((RB, IN_DIM), jnp.float32),
                pltpu.VMEM((FAN_IN // 2, OUT_DIM), jnp.int32),
                pltpu.VMEM((FAN_IN // 2, OUT_DIM), jnp.int32),
                pltpu.VMEM((OUT_DIM,), jnp.int32),
                pltpu.SemaphoreType.DMA,
                pltpu.SemaphoreType.DMA,
            ]
        ),
    )(_tec_body)
    return run(x, ipack, wpack, bterm)

# --- scband reference (transcript-rebuilt; emitter-appended) ---
"""Pipeline reference for scband-weighted-threshold-gate-53085795778563 (READ-ONLY COPY).

The authoritative reference and input builder live on the scoring server;
editing this copy changes nothing except your own understanding.
"""

import jax, jax.numpy as jnp
import numpy as np
import math

B = 1024
IN_DIM = 4096
OUT_DIM = 4096
FAN_IN = 8


def setup_inputs(seed: int = 0) -> dict:
    key = jax.random.key(seed)
    kx, ki, kw = jax.random.split(key, 3)
    x = jax.random.normal(kx, (B, IN_DIM), dtype=jnp.float32)
    # connection indices: buffer, (out_dim, fan_in), values in [0, in_dim)
    idx = jax.random.randint(ki, (OUT_DIM, FAN_IN), 0, IN_DIM, dtype=jnp.int64 if jax.config.jax_enable_x64 else jnp.int32)
    # xavier_uniform on torch tensor of shape (out_dim, fan_in):
    # fan_in_t = FAN_IN (cols), fan_out_t = OUT_DIM (rows)
    bound = math.sqrt(6.0 / (FAN_IN + OUT_DIM))
    w = jax.random.uniform(kw, (OUT_DIM, FAN_IN), minval=-bound, maxval=bound, dtype=jnp.float32)
    # theta_init = 'mean_abs_w'
    theta = jnp.abs(w).mean(axis=1) * (FAN_IN / 2.0)
    # s_init = 1.0
    s_raw = jnp.full((OUT_DIM,), 1.0, dtype=jnp.float32)
    return {"x": x, "idx": idx, "w": w, "theta": theta, "s_raw": s_raw}


def reference(x, idx, w, theta, s_raw):
    # x: (B, in_dim); idx: (out_dim, fan_in) int
    b = x.shape[0]
    out_dim, fan_in = w.shape
    # gather: x[:, idx.reshape(-1)] -> (B, out_dim*fan_in) -> (B, out_dim, fan_in)
    x_sel = jnp.take(x, idx.reshape(-1), axis=1).reshape(b, out_dim, fan_in)
    sum_ = (x_sel * w[None, :, :]).sum(axis=2)
    z = sum_ - theta[None, :]
    s = jax.nn.softplus(s_raw) + 1e-06
    y_soft = jax.nn.sigmoid(s[None, :] * z)
    return y_soft

if __name__ == "__main__":
    import jax
    _d = setup_inputs()
    print(jax.jit(kernel)(*tuple(_d.values())))

</pallas_src>

<mosaic_0001>
#map = affine_map<(d0, d1) -> (0, 0)>
#map1 = affine_map<(d0, d1) -> (0)>
module attributes {stable_mosaic.version = 14 : i64} {
  func.func @_tec_body(%arg0: i32, %arg1: i32, %arg2: memref<1024x4096xf32, #tpu.memory_space<hbm>>, %arg3: memref<4x4096xi32, #tpu.memory_space<hbm>>, %arg4: memref<4x4096xi32, #tpu.memory_space<hbm>>, %arg5: memref<4096xi32, #tpu.memory_space<hbm>>, %arg6: memref<1024x4096xf32, #tpu.memory_space<hbm>>, %arg7: memref<4096xi32, #tpu.memory_space<vmem>>, %arg8: memref<4096xi32, #tpu.memory_space<vmem>>, %arg9: memref<4096xi32, #tpu.memory_space<vmem>>, %arg10: memref<4096xi32, #tpu.memory_space<vmem>>, %arg11: memref<4096xf32, #tpu.memory_space<vmem>>, %arg12: memref<4096xf32, #tpu.memory_space<vmem>>, %arg13: memref<4096xf32, #tpu.memory_space<vmem>>, %arg14: memref<4096xf32, #tpu.memory_space<vmem>>, %arg15: memref<4096xf32, #tpu.memory_space<vmem>>, %arg16: memref<4096xf32, #tpu.memory_space<vmem>>, %arg17: memref<4096xf32, #tpu.memory_space<vmem>>, %arg18: memref<4096xf32, #tpu.memory_space<vmem>>, %arg19: memref<8x4096xf32, #tpu.memory_space<vmem>>, %arg20: memref<4x4096xi32, #tpu.memory_space<vmem>>, %arg21: memref<4x4096xi32, #tpu.memory_space<vmem>>, %arg22: memref<4096xi32, #tpu.memory_space<vmem>>, %arg23: memref<!tpu.dma_semaphore, #tpu.memory_space<semaphore_mem>>, %arg24: memref<!tpu.dma_semaphore, #tpu.memory_space<semaphore_mem>>) attributes {dimension_semantics = [#tpu.dimension_semantics<core_parallel>, #tpu.dimension_semantics<subcore_parallel>], iteration_bounds = array<i64: 2, 16>, scalar_prefetch = 0 : i64, scratch_operands = 18 : i64, tpu.core_type = #tpu.core_type<sc_vector_subcore>, window_params = [{transform_indices = #map}, {transform_indices = #map}, {transform_indices = #map}, {transform_indices = #map1}, {transform_indices = #map}]} {
    %mul3A = arith.constant 2 : i32
    %mul3A_0 = arith.muli %arg1, %mul3A : i32
    %add3A = arith.addi %mul3A_0, %arg0 : i32
    %mul3A_1 = arith.constant 32 : i32
    %mul3A_2 = arith.muli %add3A, %mul3A_1 : i32
    %add3A_3 = arith.constant 0 : i32
    %add3A_4 = arith.addi %mul3A_2, %add3A_3 : i32
    %dma_start3A = arith.constant 0 : i32
    %dma_start3A_5 = arith.constant 0 : i32
    %dma_start3A_6 = tpu.memref_slice %arg19[%dma_start3A, %dma_start3A_5] : memref<8x4096xf32, #tpu.memory_space<vmem>> -> memref<1x4096xf32, #tpu.memory_space<vmem>>
    %dma_start3A_7 = tpu.memref_squeeze %dma_start3A_6 : memref<1x4096xf32, #tpu.memory_space<vmem>> -> memref<4096xf32, #tpu.memory_space<vmem>>
    %dma_start3A_8 = arith.constant 0 : i32
    %dma_start3A_9 = tpu.memref_slice %arg2[%add3A_4, %dma_start3A_8] : memref<1024x4096xf32, #tpu.memory_space<hbm>> -> memref<1x4096xf32, #tpu.memory_space<hbm>>
    %dma_start3A_10 = tpu.memref_squeeze %dma_start3A_9 : memref<1x4096xf32, #tpu.memory_space<hbm>> -> memref<4096xf32, #tpu.memory_space<hbm>>
    %dma_start3A_11 = arith.constant 0 : i32
    %dma_start3A_12 = tpu.memref_slice %arg19[%dma_start3A, %dma_start3A_11] : memref<8x4096xf32, #tpu.memory_space<vmem>> -> memref<1x4096xf32, #tpu.memory_space<vmem>>
    %dma_start3A_13 = tpu.memref_squeeze %dma_start3A_12 : memref<1x4096xf32, #tpu.memory_space<vmem>> -> memref<4096xf32, #tpu.memory_space<vmem>>
    %dma_start3A_14 = arith.constant 0 : i32
    %dma_start3A_15 = tpu.memref_slice %arg2[%add3A_4, %dma_start3A_14] : memref<1024x4096xf32, #tpu.memory_space<hbm>> -> memref<1x4096xf32, #tpu.memory_space<hbm>>
    %dma_start3A_16 = tpu.memref_squeeze %dma_start3A_15 : memref<1x4096xf32, #tpu.memory_space<hbm>> -> memref<4096xf32, #tpu.memory_space<hbm>>
    tpu.enqueue_dma source(%dma_start3A_16 : memref<4096xf32, #tpu.memory_space<hbm>>) target(%dma_start3A_13 : memref<4096xf32, #tpu.memory_space<vmem>>) target_semaphore(%arg23 : memref<!tpu.dma_semaphore, #tpu.memory_space<semaphore_mem>>)
    %add3A_17 = arith.constant 1 : i32
    %add3A_18 = arith.addi %mul3A_2, %add3A_17 : i32
    %dma_start3A_19 = arith.constant 1 : i32
    %dma_start3A_20 = arith.constant 0 : i32
    %dma_start3A_21 = tpu.memref_slice %arg19[%dma_start3A_19, %dma_start3A_20] : memref<8x4096xf32, #tpu.memory_space<vmem>> -> memref<1x4096xf32, #tpu.memory_space<vmem>>
    %dma_start3A_22 = tpu.memref_squeeze %dma_start3A_21 : memref<1x4096xf32, #tpu.memory_space<vmem>> -> memref<4096xf32, #tpu.memory_space<vmem>>
    %dma_start3A_23 = arith.constant 0 : i32
    %dma_start3A_24 = tpu.memref_slice %arg2[%add3A_18, %dma_start3A_23] : memref<1024x4096xf32, #tpu.memory_space<hbm>> -> memref<1x4096xf32, #tpu.memory_space<hbm>>
    %dma_start3A_25 = tpu.memref_squeeze %dma_start3A_24 : memref<1x4096xf32, #tpu.memory_space<hbm>> -> memref<4096xf32, #tpu.memory_space<hbm>>
    %dma_start3A_26 = arith.constant 0 : i32
    %dma_start3A_27 = tpu.memref_slice %arg19[%dma_start3A_19, %dma_start3A_26] : memref<8x4096xf32, #tpu.memory_space<vmem>> -> memref<1x4096xf32, #tpu.memory_space<vmem>>
    %dma_start3A_28 = tpu.memref_squeeze %dma_start3A_27 : memref<1x4096xf32, #tpu.memory_space<vmem>> -> memref<4096xf32, #tpu.memory_space<vmem>>
    %dma_start3A_29 = arith.constant 0 : i32
    %dma_start3A_30 = tpu.memref_slice %arg2[%add3A_18, %dma_start3A_29] : memref<1024x4096xf32, #tpu.memory_space<hbm>> -> memref<1x4096xf32, #tpu.memory_space<hbm>>
    %dma_start3A_31 = tpu.memref_squeeze %dma_start3A_30 : memref<1x4096xf32, #tpu.memory_space<hbm>> -> memref<4096xf32, #tpu.memory_space<hbm>>
    tpu.enqueue_dma source(%dma_start3A_31 : memref<4096xf32, #tpu.memory_space<hbm>>) target(%dma_start3A_28 : memref<4096xf32, #tpu.memory_space<vmem>>) target_semaphore(%arg23 : memref<!tpu.dma_semaphore, #tpu.memory_space<semaphore_mem>>)
    %add3A_32 = arith.constant 2 : i32
    %add3A_33 = arith.addi %mul3A_2, %add3A_32 : i32
    %dma_start3A_34 = arith.constant 2 : i32
    %dma_start3A_35 = arith.constant 0 : i32
    %dma_start3A_36 = tpu.memref_slice %arg19[%dma_start3A_34, %dma_start3A_35] : memref<8x4096xf32, #tpu.memory_space<vmem>> -> memref<1x4096xf32, #tpu.memory_space<vmem>>
    %dma_start3A_37 = tpu.memref_squeeze %dma_start3A_36 : memref<1x4096xf32, #tpu.memory_space<vmem>> -> memref<4096xf32, #tpu.memory_space<vmem>>
    %dma_start3A_38 = arith.constant 0 : i32
    %dma_start3A_39 = tpu.memref_slice %arg2[%add3A_33, %dma_start3A_38] : memref<1024x4096xf32, #tpu.memory_space<hbm>> -> memref<1x4096xf32, #tpu.memory_space<hbm>>
    %dma_start3A_40 = tpu.memref_squeeze %dma_start3A_39 : memref<1x4096xf32, #tpu.memory_space<hbm>> -> memref<4096xf32, #tpu.memory_space<hbm>>
    %dma_start3A_41 = arith.constant 0 : i32
    %dma_start3A_42 = tpu.memref_slice %arg19[%dma_start3A_34, %dma_start3A_41] : memref<8x4096xf32, #tpu.memory_space<vmem>> -> memref<1x4096xf32, #tpu.memory_space<vmem>>
    %dma_start3A_43 = tpu.memref_squeeze %dma_start3A_42 : memref<1x4096xf32, #tpu.memory_space<vmem>> -> memref<4096xf32, #tpu.memory_space<vmem>>
    %dma_start3A_44 = arith.constant 0 : i32
    %dma_start3A_45 = tpu.memref_slice %arg2[%add3A_33, %dma_start3A_44] : memref<1024x4096xf32, #tpu.memory_space<hbm>> -> memref<1x4096xf32, #tpu.memory_space<hbm>>
    %dma_start3A_46 = tpu.memref_squeeze %dma_start3A_45 : memref<1x4096xf32, #tpu.memory_space<hbm>> -> memref<4096xf32, #tpu.memory_space<hbm>>
    tpu.enqueue_dma source(%dma_start3A_46 : memref<4096xf32, #tpu.memory_space<hbm>>) target(%dma_start3A_43 : memref<4096xf32, #tpu.memory_space<vmem>>) target_semaphore(%arg23 : memref<!tpu.dma_semaphore, #tpu.memory_space<semaphore_mem>>)
    %add3A_47 = arith.constant 3 : i32
    %add3A_48 = arith.addi %mul3A_2, %add3A_47 : i32
    %dma_start3A_49 = arith.constant 3 : i32
    %dma_start3A_50 = arith.constant 0 : i32
    %dma_start3A_51 = tpu.memref_slice %arg19[%dma_start3A_49, %dma_start3A_50] : memref<8x4096xf32, #tpu.memory_space<vmem>> -> memref<1x4096xf32, #tpu.memory_space<vmem>>
    %dma_start3A_52 = tpu.memref_squeeze %dma_start3A_51 : memref<1x4096xf32, #tpu.memory_space<vmem>> -> memref<4096xf32, #tpu.memory_space<vmem>>
    %dma_start3A_53 = arith.constant 0 : i32
    %dma_start3A_54 = tpu.memref_slice %arg2[%add3A_48, %dma_start3A_53] : memref<1024x4096xf32, #tpu.memory_space<hbm>> -> memref<1x4096xf32, #tpu.memory_space<hbm>>
    %dma_start3A_55 = tpu.memref_squeeze %dma_start3A_54 : memref<1x4096xf32, #tpu.memory_space<hbm>> -> memref<4096xf32, #tpu.memory_space<hbm>>
    %dma_start3A_56 = arith.constant 0 : i32
    %dma_start3A_57 = tpu.memref_slice %arg19[%dma_start3A_49, %dma_start3A_56] : memref<8x4096xf32, #tpu.memory_space<vmem>> -> memref<1x4096xf32, #tpu.memory_space<vmem>>
    %dma_start3A_58 = tpu.memref_squeeze %dma_start3A_57 : memref<1x4096xf32, #tpu.memory_space<vmem>> -> memref<4096xf32, #tpu.memory_space<vmem>>
    %dma_start3A_59 = arith.constant 0 : i32
    %dma_start3A_60 = tpu.memref_slice %arg2[%add3A_48, %dma_start3A_59] : memref<1024x4096xf32, #tpu.memory_space<hbm>> -> memref<1x4096xf32, #tpu.memory_space<hbm>>
    %dma_start3A_61 = tpu.memref_squeeze %dma_start3A_60 : memref<1x4096xf32, #tpu.memory_space<hbm>> -> memref<4096xf32, #tpu.memory_space<hbm>>
    tpu.enqueue_dma source(%dma_start3A_61 : memref<4096xf32, #tpu.memory_space<hbm>>) target(%dma_start3A_58 : memref<4096xf32, #tpu.memory_space<vmem>>) target_semaphore(%arg23 : memref<!tpu.dma_semaphore, #tpu.memory_space<semaphore_mem>>)
    %add3A_62 = arith.constant 4 : i32
    %add3A_63 = arith.addi %mul3A_2, %add3A_62 : i32
    %dma_start3A_64 = arith.constant 4 : i32
    %dma_start3A_65 = arith.constant 0 : i32
    %dma_start3A_66 = tpu.memref_slice %arg19[%dma_start3A_64, %dma_start3A_65] : memref<8x4096xf32, #tpu.memory_space<vmem>> -> memref<1x4096xf32, #tpu.memory_space<vmem>>
    %dma_start3A_67 = tpu.memref_squeeze %dma_start3A_66 : memref<1x4096xf32, #tpu.memory_space<vmem>> -> memref<4096xf32, #tpu.memory_space<vmem>>
    %dma_start3A_68 = arith.constant 0 : i32
    %dma_start3A_69 = tpu.memref_slice %arg2[%add3A_63, %dma_start3A_68] : memref<1024x4096xf32, #tpu.memory_space<hbm>> -> memref<1x4096xf32, #tpu.memory_space<hbm>>
    %dma_start3A_70 = tpu.memref_squeeze %dma_start3A_69 : memref<1x4096xf32, #tpu.memory_space<hbm>> -> memref<4096xf32, #tpu.memory_space<hbm>>
    %dma_start3A_71 = arith.constant 0 : i32
    %dma_start3A_72 = tpu.memref_slice %arg19[%dma_start3A_64, %dma_start3A_71] : memref<8x4096xf32, #tpu.memory_space<vmem>> -> memref<1x4096xf32, #tpu.memory_space<vmem>>
    %dma_start3A_73 = tpu.memref_squeeze %dma_start3A_72 : memref<1x4096xf32, #tpu.memory_space<vmem>> -> memref<4096xf32, #tpu.memory_space<vmem>>
    %dma_start3A_74 = arith.constant 0 : i32
    %dma_start3A_75 = tpu.memref_slice %arg2[%add3A_63, %dma_start3A_74] : memref<1024x4096xf32, #tpu.memory_space<hbm>> -> memref<1x4096xf32, #tpu.memory_space<hbm>>
    %dma_start3A_76 = tpu.memref_squeeze %dma_start3A_75 : memref<1x4096xf32, #tpu.memory_space<hbm>> -> memref<4096xf32, #tpu.memory_space<hbm>>
    tpu.enqueue_dma source(%dma_start3A_76 : memref<4096xf32, #tpu.memory_space<hbm>>) target(%dma_start3A_73 : memref<4096xf32, #tpu.memory_space<vmem>>) target_semaphore(%arg23 : memref<!tpu.dma_semaphore, #tpu.memory_space<semaphore_mem>>)
    %add3A_77 = arith.constant 5 : i32
    %add3A_78 = arith.addi %mul3A_2, %add3A_77 : i32
    %dma_start3A_79 = arith.constant 5 : i32
    %dma_start3A_80 = arith.constant 0 : i32
    %dma_start3A_81 = tpu.memref_slice %arg19[%dma_start3A_79, %dma_start3A_80] : memref<8x4096xf32, #tpu.memory_space<vmem>> -> memref<1x4096xf32, #tpu.memory_space<vmem>>
    %dma_start3A_82 = tpu.memref_squeeze %dma_start3A_81 : memref<1x4096xf32, #tpu.memory_space<vmem>> -> memref<4096xf32, #tpu.memory_space<vmem>>
    %dma_start3A_83 = arith.constant 0 : i32
    %dma_start3A_84 = tpu.memref_slice %arg2[%add3A_78, %dma_start3A_83] : memref<1024x4096xf32, #tpu.memory_space<hbm>> -> memref<1x4096xf32, #tpu.memory_space<hbm>>
    %dma_start3A_85 = tpu.memref_squeeze %dma_start3A_84 : memref<1x4096xf32, #tpu.memory_space<hbm>> -> memref<4096xf32, #tpu.memory_space<hbm>>
    %dma_start3A_86 = arith.constant 0 : i32
    %dma_start3A_87 = tpu.memref_slice %arg19[%dma_start3A_79, %dma_start3A_86] : memref<8x4096xf32, #tpu.memory_space<vmem>> -> memref<1x4096xf32, #tpu.memory_space<vmem>>
    %dma_start3A_88 = tpu.memref_squeeze %dma_start3A_87 : memref<1x4096xf32, #tpu.memory_space<vmem>> -> memref<4096xf32, #tpu.memory_space<vmem>>
    %dma_start3A_89 = arith.constant 0 : i32
    %dma_start3A_90 = tpu.memref_slice %arg2[%add3A_78, %dma_start3A_89] : memref<1024x4096xf32, #tpu.memory_space<hbm>> -> memref<1x4096xf32, #tpu.memory_space<hbm>>
    %dma_start3A_91 = tpu.memref_squeeze %dma_start3A_90 : memref<1x4096xf32, #tpu.memory_space<hbm>> -> memref<4096xf32, #tpu.memory_space<hbm>>
    tpu.enqueue_dma source(%dma_start3A_91 : memref<4096xf32, #tpu.memory_space<hbm>>) target(%dma_start3A_88 : memref<4096xf32, #tpu.memory_space<vmem>>) target_semaphore(%arg23 : memref<!tpu.dma_semaphore, #tpu.memory_space<semaphore_mem>>)
    %add3A_92 = arith.constant 6 : i32
    %add3A_93 = arith.addi %mul3A_2, %add3A_92 : i32
    %dma_start3A_94 = arith.constant 6 : i32
    %dma_start3A_95 = arith.constant 0 : i32
    %dma_start3A_96 = tpu.memref_slice %arg19[%dma_start3A_94, %dma_start3A_95] : memref<8x4096xf32, #tpu.memory_space<vmem>> -> memref<1x4096xf32, #tpu.memory_space<vmem>>
    %dma_start3A_97 = tpu.memref_squeeze %dma_start3A_96 : memref<1x4096xf32, #tpu.memory_space<vmem>> -> memref<4096xf32, #tpu.memory_space<vmem>>
    %dma_start3A_98 = arith.constant 0 : i32
    %dma_start3A_99 = tpu.memref_slice %arg2[%add3A_93, %dma_start3A_98] : memref<1024x4096xf32, #tpu.memory_space<hbm>> -> memref<1x4096xf32, #tpu.memory_space<hbm>>
    %dma_start3A_100 = tpu.memref_squeeze %dma_start3A_99 : memref<1x4096xf32, #tpu.memory_space<hbm>> -> memref<4096xf32, #tpu.memory_space<hbm>>
    %dma_start3A_101 = arith.constant 0 : i32
    %dma_start3A_102 = tpu.memref_slice %arg19[%dma_start3A_94, %dma_start3A_101] : memref<8x4096xf32, #tpu.memory_space<vmem>> -> memref<1x4096xf32, #tpu.memory_space<vmem>>
    %dma_start3A_103 = tpu.memref_squeeze %dma_start3A_102 : memref<1x4096xf32, #tpu.memory_space<vmem>> -> memref<4096xf32, #tpu.memory_space<vmem>>
    %dma_start3A_104 = arith.constant 0 : i32
    %dma_start3A_105 = tpu.memref_slice %arg2[%add3A_93, %dma_start3A_104] : memref<1024x4096xf32, #tpu.memory_space<hbm>> -> memref<1x4096xf32, #tpu.memory_space<hbm>>
    %dma_start3A_106 = tpu.memref_squeeze %dma_start3A_105 : memref<1x4096xf32, #tpu.memory_space<hbm>> -> memref<4096xf32, #tpu.memory_space<hbm>>
    tpu.enqueue_dma source(%dma_start3A_106 : memref<4096xf32, #tpu.memory_space<hbm>>) target(%dma_start3A_103 : memref<4096xf32, #tpu.memory_space<vmem>>) target_semaphore(%arg23 : memref<!tpu.dma_semaphore, #tpu.memory_space<semaphore_mem>>)
    %add3A_107 = arith.constant 7 : i32
    %add3A_108 = arith.addi %mul3A_2, %add3A_107 : i32
    %dma_start3A_109 = arith.constant 7 : i32
    %dma_start3A_110 = arith.constant 0 : i32
    %dma_start3A_111 = tpu.memref_slice %arg19[%dma_start3A_109, %dma_start3A_110] : memref<8x4096xf32, #tpu.memory_space<vmem>> -> memref<1x4096xf32, #tpu.memory_space<vmem>>
    %dma_start3A_112 = tpu.memref_squeeze %dma_start3A_111 : memref<1x4096xf32, #tpu.memory_space<vmem>> -> memref<4096xf32, #tpu.memory_space<vmem>>
    %dma_start3A_113 = arith.constant 0 : i32
    %dma_start3A_114 = tpu.memref_slice %arg2[%add3A_108, %dma_start3A_113] : memref<1024x4096xf32, #tpu.memory_space<hbm>> -> memref<1x4096xf32, #tpu.memory_space<hbm>>
    %dma_start3A_115 = tpu.memref_squeeze %dma_start3A_114 : memref<1x4096xf32, #tpu.memory_space<hbm>> -> memref<4096xf32, #tpu.memory_space<hbm>>
    %dma_start3A_116 = arith.constant 0 : i32
    %dma_start3A_117 = tpu.memref_slice %arg19[%dma_start3A_109, %dma_start3A_116] : memref<8x4096xf32, #tpu.memory_space<vmem>> -> memref<1x4096xf32, #tpu.memory_space<vmem>>
    %dma_start3A_118 = tpu.memref_squeeze %dma_start3A_117 : memref<1x4096xf32, #tpu.memory_space<vmem>> -> memref<4096xf32, #tpu.memory_space<vmem>>
    %dma_start3A_119 = arith.constant 0 : i32
    %dma_start3A_120 = tpu.memref_slice %arg2[%add3A_108, %dma_start3A_119] : memref<1024x4096xf32, #tpu.memory_space<hbm>> -> memref<1x4096xf32, #tpu.memory_space<hbm>>
    %dma_start3A_121 = tpu.memref_squeeze %dma_start3A_120 : memref<1x4096xf32, #tpu.memory_space<hbm>> -> memref<4096xf32, #tpu.memory_space<hbm>>
    tpu.enqueue_dma source(%dma_start3A_121 : memref<4096xf32, #tpu.memory_space<hbm>>) target(%dma_start3A_118 : memref<4096xf32, #tpu.memory_space<vmem>>) target_semaphore(%arg23 : memref<!tpu.dma_semaphore, #tpu.memory_space<semaphore_mem>>)
    "tpu.region"() ({
      %run_scoped3A = tpu.sem_alloc : memref<!tpu.dma_semaphore, #tpu.memory_space<semaphore_mem>>
      tpu.enqueue_dma source(%arg3 : memref<4x4096xi32, #tpu.memory_space<hbm>>) target(%arg20 : memref<4x4096xi32, #tpu.memory_space<vmem>>) target_semaphore(%run_scoped3A : memref<!tpu.dma_semaphore, #tpu.memory_space<semaphore_mem>>)
      tpu.wait_dma2 semaphore(%run_scoped3A : memref<!tpu.dma_semaphore, #tpu.memory_space<semaphore_mem>>) src(%arg3 : memref<4x4096xi32, #tpu.memory_space<hbm>>) dst(%arg20 : memref<4x4096xi32, #tpu.memory_space<vmem>>)
      tpu.yield
    }) : () -> ()
    "tpu.region"() ({
      %run_scoped3A = tpu.sem_alloc : memref<!tpu.dma_semaphore, #tpu.memory_space<semaphore_mem>>
      tpu.enqueue_dma source(%arg4 : memref<4x4096xi32, #tpu.memory_space<hbm>>) target(%arg21 : memref<4x4096xi32, #tpu.memory_space<vmem>>) target_semaphore(%run_scoped3A : memref<!tpu.dma_semaphore, #tpu.memory_space<semaphore_mem>>)
      tpu.wait_dma2 semaphore(%run_scoped3A : memref<!tpu.dma_semaphore, #tpu.memory_space<semaphore_mem>>) src(%arg4 : memref<4x4096xi32, #tpu.memory_space<hbm>>) dst(%arg21 : memref<4x4096xi32, #tpu.memory_space<vmem>>)
      tpu.yield
    }) : () -> ()
    "tpu.region"() ({
      %run_scoped3A = tpu.sem_alloc : memref<!tpu.dma_semaphore, #tpu.memory_space<semaphore_mem>>
      tpu.enqueue_dma source(%arg5 : memref<4096xi32, #tpu.memory_space<hbm>>) target(%arg22 : memref<4096xi32, #tpu.memory_space<vmem>>) target_semaphore(%run_scoped3A : memref<!tpu.dma_semaphore, #tpu.memory_space<semaphore_mem>>)
      tpu.wait_dma2 semaphore(%run_scoped3A : memref<!tpu.dma_semaphore, #tpu.memory_space<semaphore_mem>>) src(%arg5 : memref<4096xi32, #tpu.memory_space<hbm>>) dst(%arg22 : memref<4096xi32, #tpu.memory_space<vmem>>)
      tpu.yield
    }) : () -> ()
    %scan3A = arith.constant 0 : i32
    %scan3A_122 = arith.constant 0 : i32
    %scan3A_123 = arith.constant 4 : i32
    %scan3A_124 = arith.addi %scan3A_122, %scan3A_123 : i32
    %scan3A_125 = arith.constant 1 : i32
    scf.for %scan3A_310 = %scan3A_122 to %scan3A_124 step %scan3A_125  : i32 {
      %mul3A_311 = arith.constant 8 : i32
      %mul3A_312 = arith.muli %scan3A_310, %mul3A_311 : i32
      %add3A_313 = arith.addi %mul3A_2, %mul3A_312 : i32
      %add3A_314 = arith.constant 0 : i32
      %add3A_315 = arith.addi %mul3A_2, %add3A_314 : i32
      %dma_wait3A_316 = arith.constant 0 : i32
      %dma_wait3A_317 = arith.constant 0 : i32
      %dma_wait3A_318 = tpu.memref_slice %arg19[%dma_wait3A_316, %dma_wait3A_317] : memref<8x4096xf32, #tpu.memory_space<vmem>> -> memref<1x4096xf32, #tpu.memory_space<vmem>>
      %dma_wait3A_319 = tpu.memref_squeeze %dma_wait3A_318 : memref<1x4096xf32, #tpu.memory_space<vmem>> -> memref<4096xf32, #tpu.memory_space<vmem>>
      %dma_wait3A_320 = arith.constant 0 : i32
      %dma_wait3A_321 = tpu.memref_slice %arg2[%add3A_315, %dma_wait3A_320] : memref<1024x4096xf32, #tpu.memory_space<hbm>> -> memref<1x4096xf32, #tpu.memory_space<hbm>>
      %dma_wait3A_322 = tpu.memref_squeeze %dma_wait3A_321 : memref<1x4096xf32, #tpu.memory_space<hbm>> -> memref<4096xf32, #tpu.memory_space<hbm>>
      %dma_wait3A_323 = arith.constant 0 : i32
      %dma_wait3A_324 = tpu.memref_slice %arg19[%dma_wait3A_316, %dma_wait3A_323] : memref<8x4096xf32, #tpu.memory_space<vmem>> -> memref<1x4096xf32, #tpu.memory_space<vmem>>
      %dma_wait3A_325 = tpu.memref_squeeze %dma_wait3A_324 : memref<1x4096xf32, #tpu.memory_space<vmem>> -> memref<4096xf32, #tpu.memory_space<vmem>>
      %dma_wait3A_326 = arith.constant 0 : i32
      %dma_wait3A_327 = tpu.memref_slice %arg2[%add3A_315, %dma_wait3A_326] : memref<1024x4096xf32, #tpu.memory_space<hbm>> -> memref<1x4096xf32, #tpu.memory_space<hbm>>
      %dma_wait3A_328 = tpu.memref_squeeze %dma_wait3A_327 : memref<1x4096xf32, #tpu.memory_space<hbm>> -> memref<4096xf32, #tpu.memory_space<hbm>>
      tpu.wait_dma2 semaphore(%arg23 : memref<!tpu.dma_semaphore, #tpu.memory_space<semaphore_mem>>) src(%dma_wait3A_328 : memref<4096xf32, #tpu.memory_space<hbm>>) dst(%dma_wait3A_325 : memref<4096xf32, #tpu.memory_space<vmem>>)
      %add3A_329 = arith.constant 1 : i32
      %add3A_330 = arith.addi %mul3A_2, %add3A_329 : i32
      %dma_wait3A_331 = arith.constant 1 : i32
      %dma_wait3A_332 = arith.constant 0 : i32
      %dma_wait3A_333 = tpu.memref_slice %arg19[%dma_wait3A_331, %dma_wait3A_332] : memref<8x4096xf32, #tpu.memory_space<vmem>> -> memref<1x4096xf32, #tpu.memory_space<vmem>>
      %dma_wait3A_334 = tpu.memref_squeeze %dma_wait3A_333 : memref<1x4096xf32, #tpu.memory_space<vmem>> -> memref<4096xf32, #tpu.memory_space<vmem>>
      %dma_wait3A_335 = arith.constant 0 : i32
      %dma_wait3A_336 = tpu.memref_slice %arg2[%add3A_330, %dma_wait3A_335] : memref<1024x4096xf32, #tpu.memory_space<hbm>> -> memref<1x4096xf32, #tpu.memory_space<hbm>>
      %dma_wait3A_337 = tpu.memref_squeeze %dma_wait3A_336 : memref<1x4096xf32, #tpu.memory_space<hbm>> -> memref<4096xf32, #tpu.memory_space<hbm>>
      %dma_wait3A_338 = arith.constant 0 : i32
      %dma_wait3A_339 = tpu.memref_slice %arg19[%dma_wait3A_331, %dma_wait3A_338] : memref<8x4096xf32, #tpu.memory_space<vmem>> -> memref<1x4096xf32, #tpu.memory_space<vmem>>
      %dma_wait3A_340 = tpu.memref_squeeze %dma_wait3A_339 : memref<1x4096xf32, #tpu.memory_space<vmem>> -> memref<4096xf32, #tpu.memory_space<vmem>>
      %dma_wait3A_341 = arith.constant 0 : i32
      %dma_wait3A_342 = tpu.memref_slice %arg2[%add3A_330, %dma_wait3A_341] : memref<1024x4096xf32, #tpu.memory_space<hbm>> -> memref<1x4096xf32, #tpu.memory_space<hbm>>
      %dma_wait3A_343 = tpu.memref_squeeze %dma_wait3A_342 : memref<1x4096xf32, #tpu.memory_space<hbm>> -> memref<4096xf32, #tpu.memory_space<hbm>>
      tpu.wait_dma2 semaphore(%arg23 : memref<!tpu.dma_semaphore, #tpu.memory_space<semaphore_mem>>) src(%dma_wait3A_343 : memref<4096xf32, #tpu.memory_space<hbm>>) dst(%dma_wait3A_340 : memref<4096xf32, #tpu.memory_space<vmem>>)
      %add3A_344 = arith.constant 2 : i32
      %add3A_345 = arith.addi %mul3A_2, %add3A_344 : i32
      %dma_wait3A_346 = arith.constant 2 : i32
      %dma_wait3A_347 = arith.constant 0 : i32
      %dma_wait3A_348 = tpu.memref_slice %arg19[%dma_wait3A_346, %dma_wait3A_347] : memref<8x4096xf32, #tpu.memory_space<vmem>> -> memref<1x4096xf32, #tpu.memory_space<vmem>>
      %dma_wait3A_349 = tpu.memref_squeeze %dma_wait3A_348 : memref<1x4096xf32, #tpu.memory_space<vmem>> -> memref<4096xf32, #tpu.memory_space<vmem>>
      %dma_wait3A_350 = arith.constant 0 : i32
      %dma_wait3A_351 = tpu.memref_slice %arg2[%add3A_345, %dma_wait3A_350] : memref<1024x4096xf32, #tpu.memory_space<hbm>> -> memref<1x4096xf32, #tpu.memory_space<hbm>>
      %dma_wait3A_352 = tpu.memref_squeeze %dma_wait3A_351 : memref<1x4096xf32, #tpu.memory_space<hbm>> -> memref<4096xf32, #tpu.memory_space<hbm>>
      %dma_wait3A_353 = arith.constant 0 : i32
      %dma_wait3A_354 = tpu.memref_slice %arg19[%dma_wait3A_346, %dma_wait3A_353] : memref<8x4096xf32, #tpu.memory_space<vmem>> -> memref<1x4096xf32, #tpu.memory_space<vmem>>
      %dma_wait3A_355 = tpu.memref_squeeze %dma_wait3A_354 : memref<1x4096xf32, #tpu.memory_space<vmem>> -> memref<4096xf32, #tpu.memory_space<vmem>>
      %dma_wait3A_356 = arith.constant 0 : i32
      %dma_wait3A_357 = tpu.memref_slice %arg2[%add3A_345, %dma_wait3A_356] : memref<1024x4096xf32, #tpu.memory_space<hbm>> -> memref<1x4096xf32, #tpu.memory_space<hbm>>
      %dma_wait3A_358 = tpu.memref_squeeze %dma_wait3A_357 : memref<1x4096xf32, #tpu.memory_space<hbm>> -> memref<4096xf32, #tpu.memory_space<hbm>>
      tpu.wait_dma2 semaphore(%arg23 : memref<!tpu.dma_semaphore, #tpu.memory_space<semaphore_mem>>) src(%dma_wait3A_358 : memref<4096xf32, #tpu.memory_space<hbm>>) dst(%dma_wait3A_355 : memref<4096xf32, #tpu.memory_space<vmem>>)
      %add3A_359 = arith.constant 3 : i32
      %add3A_360 = arith.addi %mul3A_2, %add3A_359 : i32
      %dma_wait3A_361 = arith.constant 3 : i32
      %dma_wait3A_362 = arith.constant 0 : i32
      %dma_wait3A_363 = tpu.memref_slice %arg19[%dma_wait3A_361, %dma_wait3A_362] : memref<8x4096xf32, #tpu.memory_space<vmem>> -> memref<1x4096xf32, #tpu.memory_space<vmem>>
      %dma_wait3A_364 = tpu.memref_squeeze %dma_wait3A_363 : memref<1x4096xf32, #tpu.memory_space<vmem>> -> memref<4096xf32, #tpu.memory_space<vmem>>
      %dma_wait3A_365 = arith.constant 0 : i32
      %dma_wait3A_366 = tpu.memref_slice %arg2[%add3A_360, %dma_wait3A_365] : memref<1024x4096xf32, #tpu.memory_space<hbm>> -> memref<1x4096xf32, #tpu.memory_space<hbm>>
      %dma_wait3A_367 = tpu.memref_squeeze %dma_wait3A_366 : memref<1x4096xf32, #tpu.memory_space<hbm>> -> memref<4096xf32, #tpu.memory_space<hbm>>
      %dma_wait3A_368 = arith.constant 0 : i32
      %dma_wait3A_369 = tpu.memref_slice %arg19[%dma_wait3A_361, %dma_wait3A_368] : memref<8x4096xf32, #tpu.memory_space<vmem>> -> memref<1x4096xf32, #tpu.memory_space<vmem>>
      %dma_wait3A_370 = tpu.memref_squeeze %dma_wait3A_369 : memref<1x4096xf32, #tpu.memory_space<vmem>> -> memref<4096xf32, #tpu.memory_space<vmem>>
      %dma_wait3A_371 = arith.constant 0 : i32
      %dma_wait3A_372 = tpu.memref_slice %arg2[%add3A_360, %dma_wait3A_371] : memref<1024x4096xf32, #tpu.memory_space<hbm>> -> memref<1x4096xf32, #tpu.memory_space<hbm>>
      %dma_wait3A_373 = tpu.memref_squeeze %dma_wait3A_372 : memref<1x4096xf32, #tpu.memory_space<hbm>> -> memref<4096xf32, #tpu.memory_space<hbm>>
      tpu.wait_dma2 semaphore(%arg23 : memref<!tpu.dma_semaphore, #tpu.memory_space<semaphore_mem>>) src(%dma_wait3A_373 : memref<4096xf32, #tpu.memory_space<hbm>>) dst(%dma_wait3A_370 : memref<4096xf32, #tpu.memory_space<vmem>>)
      %add3A_374 = arith.constant 4 : i32
      %add3A_375 = arith.addi %mul3A_2, %add3A_374 : i32
      %dma_wait3A_376 = arith.constant 4 : i32
      %dma_wait3A_377 = arith.constant 0 : i32
      %dma_wait3A_378 = tpu.memref_slice %arg19[%dma_wait3A_376, %dma_wait3A_377] : memref<8x4096xf32, #tpu.memory_space<vmem>> -> memref<1x4096xf32, #tpu.memory_space<vmem>>
      %dma_wait3A_379 = tpu.memref_squeeze %dma_wait3A_378 : memref<1x4096xf32, #tpu.memory_space<vmem>> -> memref<4096xf32, #tpu.memory_space<vmem>>
      %dma_wait3A_380 = arith.constant 0 : i32
      %dma_wait3A_381 = tpu.memref_slice %arg2[%add3A_375, %dma_wait3A_380] : memref<1024x4096xf32, #tpu.memory_space<hbm>> -> memref<1x4096xf32, #tpu.memory_space<hbm>>
      %dma_wait3A_382 = tpu.memref_squeeze %dma_wait3A_381 : memref<1x4096xf32, #tpu.memory_space<hbm>> -> memref<4096xf32, #tpu.memory_space<hbm>>
      %dma_wait3A_383 = arith.constant 0 : i32
      %dma_wait3A_384 = tpu.memref_slice %arg19[%dma_wait3A_376, %dma_wait3A_383] : memref<8x4096xf32, #tpu.memory_space<vmem>> -> memref<1x4096xf32, #tpu.memory_space<vmem>>
      %dma_wait3A_385 = tpu.memref_squeeze %dma_wait3A_384 : memref<1x4096xf32, #tpu.memory_space<vmem>> -> memref<4096xf32, #tpu.memory_space<vmem>>
      %dma_wait3A_386 = arith.constant 0 : i32
      %dma_wait3A_387 = tpu.memref_slice %arg2[%add3A_375, %dma_wait3A_386] : memref<1024x4096xf32, #tpu.memory_space<hbm>> -> memref<1x4096xf32, #tpu.memory_space<hbm>>
      %dma_wait3A_388 = tpu.memref_squeeze %dma_wait3A_387 : memref<1x4096xf32, #tpu.memory_space<hbm>> -> memref<4096xf32, #tpu.memory_space<hbm>>
      tpu.wait_dma2 semaphore(%arg23 : memref<!tpu.dma_semaphore, #tpu.memory_space<semaphore_mem>>) src(%dma_wait3A_388 : memref<4096xf32, #tpu.memory_space<hbm>>) dst(%dma_wait3A_385 : memref<4096xf32, #tpu.memory_space<vmem>>)
      %add3A_389 = arith.constant 5 : i32
      %add3A_390 = arith.addi %mul3A_2, %add3A_389 : i32
      %dma_wait3A_391 = arith.constant 5 : i32
      %dma_wait3A_392 = arith.constant 0 : i32
      %dma_wait3A_393 = tpu.memref_slice %arg19[%dma_wait3A_391, %dma_wait3A_392] : memref<8x4096xf32, #tpu.memory_space<vmem>> -> memref<1x4096xf32, #tpu.memory_space<vmem>>
      %dma_wait3A_394 = tpu.memref_squeeze %dma_wait3A_393 : memref<1x4096xf32, #tpu.memory_space<vmem>> -> memref<4096xf32, #tpu.memory_space<vmem>>
      %dma_wait3A_395 = arith.constant 0 : i32
      %dma_wait3A_396 = tpu.memref_slice %arg2[%add3A_390, %dma_wait3A_395] : memref<1024x4096xf32, #tpu.memory_space<hbm>> -> memref<1x4096xf32, #tpu.memory_space<hbm>>
      %dma_wait3A_397 = tpu.memref_squeeze %dma_wait3A_396 : memref<1x4096xf32, #tpu.memory_space<hbm>> -> memref<4096xf32, #tpu.memory_space<hbm>>
      %dma_wait3A_398 = arith.constant 0 : i32
      %dma_wait3A_399 = tpu.memref_slice %arg19[%dma_wait3A_391, %dma_wait3A_398] : memref<8x4096xf32, #tpu.memory_space<vmem>> -> memref<1x4096xf32, #tpu.memory_space<vmem>>
      %dma_wait3A_400 = tpu.memref_squeeze %dma_wait3A_399 : memref<1x4096xf32, #tpu.memory_space<vmem>> -> memref<4096xf32, #tpu.memory_space<vmem>>
      %dma_wait3A_401 = arith.constant 0 : i32
      %dma_wait3A_402 = tpu.memref_slice %arg2[%add3A_390, %dma_wait3A_401] : memref<1024x4096xf32, #tpu.memory_space<hbm>> -> memref<1x4096xf32, #tpu.memory_space<hbm>>
      %dma_wait3A_403 = tpu.memref_squeeze %dma_wait3A_402 : memref<1x4096xf32, #tpu.memory_space<hbm>> -> memref<4096xf32, #tpu.memory_space<hbm>>
      tpu.wait_dma2 semaphore(%arg23 : memref<!tpu.dma_semaphore, #tpu.memory_space<semaphore_mem>>) src(%dma_wait3A_403 : memref<4096xf32, #tpu.memory_space<hbm>>) dst(%dma_wait3A_400 : memref<4096xf32, #tpu.memory_space<vmem>>)
      %add3A_404 = arith.constant 6 : i32
      %add3A_405 = arith.addi %mul3A_2, %add3A_404 : i32
      %dma_wait3A_406 = arith.constant 6 : i32
      %dma_wait3A_407 = arith.constant 0 : i32
      %dma_wait3A_408 = tpu.memref_slice %arg19[%dma_wait3A_406, %dma_wait3A_407] : memref<8x4096xf32, #tpu.memory_space<vmem>> -> memref<1x4096xf32, #tpu.memory_space<vmem>>
      %dma_wait3A_409 = tpu.memref_squeeze %dma_wait3A_408 : memref<1x4096xf32, #tpu.memory_space<vmem>> -> memref<4096xf32, #tpu.memory_space<vmem>>
      %dma_wait3A_410 = arith.constant 0 : i32
      %dma_wait3A_411 = tpu.memref_slice %arg2[%add3A_405, %dma_wait3A_410] : memref<1024x4096xf32, #tpu.memory_space<hbm>> -> memref<1x4096xf32, #tpu.memory_space<hbm>>
      %dma_wait3A_412 = tpu.memref_squeeze %dma_wait3A_411 : memref<1x4096xf32, #tpu.memory_space<hbm>> -> memref<4096xf32, #tpu.memory_space<hbm>>
      %dma_wait3A_413 = arith.constant 0 : i32
      %dma_wait3A_414 = tpu.memref_slice %arg19[%dma_wait3A_406, %dma_wait3A_413] : memref<8x4096xf32, #tpu.memory_space<vmem>> -> memref<1x4096xf32, #tpu.memory_space<vmem>>
      %dma_wait3A_415 = tpu.memref_squeeze %dma_wait3A_414 : memref<1x4096xf32, #tpu.memory_space<vmem>> -> memref<4096xf32, #tpu.memory_space<vmem>>
      %dma_wait3A_416 = arith.constant 0 : i32
      %dma_wait3A_417 = tpu.memref_slice %arg2[%add3A_405, %dma_wait3A_416] : memref<1024x4096xf32, #tpu.memory_space<hbm>> -> memref<1x4096xf32, #tpu.memory_space<hbm>>
      %dma_wait3A_418 = tpu.memref_squeeze %dma_wait3A_417 : memref<1x4096xf32, #tpu.memory_space<hbm>> -> memref<4096xf32, #tpu.memory_space<hbm>>
      tpu.wait_dma2 semaphore(%arg23 : memref<!tpu.dma_semaphore, #tpu.memory_space<semaphore_mem>>) src(%dma_wait3A_418 : memref<4096xf32, #tpu.memory_space<hbm>>) dst(%dma_wait3A_415 : memref<4096xf32, #tpu.memory_space<vmem>>)
      %add3A_419 = arith.constant 7 : i32
      %add3A_420 = arith.addi %mul3A_2, %add3A_419 : i32
      %dma_wait3A_421 = arith.constant 7 : i32
      %dma_wait3A_422 = arith.constant 0 : i32
      %dma_wait3A_423 = tpu.memref_slice %arg19[%dma_wait3A_421, %dma_wait3A_422] : memref<8x4096xf32, #tpu.memory_space<vmem>> -> memref<1x4096xf32, #tpu.memory_space<vmem>>
      %dma_wait3A_424 = tpu.memref_squeeze %dma_wait3A_423 : memref<1x4096xf32, #tpu.memory_space<vmem>> -> memref<4096xf32, #tpu.memory_space<vmem>>
      %dma_wait3A_425 = arith.constant 0 : i32
      %dma_wait3A_426 = tpu.memref_slice %arg2[%add3A_420, %dma_wait3A_425] : memref<1024x4096xf32, #tpu.memory_space<hbm>> -> memref<1x4096xf32, #tpu.memory_space<hbm>>
      %dma_wait3A_427 = tpu.memref_squeeze %dma_wait3A_426 : memref<1x4096xf32, #tpu.memory_space<hbm>> -> memref<4096xf32, #tpu.memory_space<hbm>>
      %dma_wait3A_428 = arith.constant 0 : i32
      %dma_wait3A_429 = tpu.memref_slice %arg19[%dma_wait3A_421, %dma_wait3A_428] : memref<8x4096xf32, #tpu.memory_space<vmem>> -> memref<1x4096xf32, #tpu.memory_space<vmem>>
      %dma_wait3A_430 = tpu.memref_squeeze %dma_wait3A_429 : memref<1x4096xf32, #tpu.memory_space<vmem>> -> memref<4096xf32, #tpu.memory_space<vmem>>
      %dma_wait3A_431 = arith.constant 0 : i32
      %dma_wait3A_432 = tpu.memref_slice %arg2[%add3A_420, %dma_wait3A_431] : memref<1024x4096xf32, #tpu.memory_space<hbm>> -> memref<1x4096xf32, #tpu.memory_space<hbm>>
      %dma_wait3A_433 = tpu.memref_squeeze %dma_wait3A_432 : memref<1x4096xf32, #tpu.memory_space<hbm>> -> memref<4096xf32, #tpu.memory_space<hbm>>
      tpu.wait_dma2 semaphore(%arg23 : memref<!tpu.dma_semaphore, #tpu.memory_space<semaphore_mem>>) src(%dma_wait3A_433 : memref<4096xf32, #tpu.memory_space<hbm>>) dst(%dma_wait3A_430 : memref<4096xf32, #tpu.memory_space<vmem>>)
      %parallel_loop3A = arith.constant 0 : i32
      %parallel_loop3A_434 = arith.constant 256 : i32
      %parallel_loop3A_435 = arith.constant 1 : i32
      scf.for %parallel_loop3A_631 = %parallel_loop3A to %parallel_loop3A_434 step %parallel_loop3A_435  : i32 {
        %parallel_loop3A_632 = arith.constant 16 : i32
        %parallel_loop3A_633 = arith.muli %parallel_loop3A_631, %parallel_loop3A_632 : i32
        %parallel_loop3A_634 = arith.constant 0 : i32
        %parallel_loop3A_635 = arith.index_cast %parallel_loop3A_634 : i32 to index
        %parallel_loop3A_636 = arith.index_cast %parallel_loop3A_633 : i32 to index
        %parallel_loop3A_637 = tpu.vector_load %arg19[%parallel_loop3A_635, %parallel_loop3A_636] {strides = array<i32>} : memref<8x4096xf32, #tpu.memory_space<vmem>>, vector<16xf32>,
        %parallel_loop3A_638 = arith.constant 1 : i32
        %parallel_loop3A_639 = arith.index_cast %parallel_loop3A_638 : i32 to index
        %parallel_loop3A_640 = arith.index_cast %parallel_loop3A_633 : i32 to index
        %parallel_loop3A_641 = tpu.vector_load %arg19[%parallel_loop3A_639, %parallel_loop3A_640] {strides = array<i32>} : memref<8x4096xf32, #tpu.memory_space<vmem>>, vector<16xf32>,
        %parallel_loop3A_642 = tpu.pack_subelements %parallel_loop3A_637, %parallel_loop3A_641 {pack_format = #tpu.pack_format<interleaved>, positions = array<i32: 0, 1>} : vector<16xf32>, vector<16xf32> -> vector<32xbf16>
        %parallel_loop3A_643 = vector.bitcast %parallel_loop3A_642 : vector<32xbf16> to vector<16xi32>
        %parallel_loop3A_644 = arith.index_cast %parallel_loop3A_633 : i32 to index
        %parallel_loop3A_645 = tpu.vector_load %arg7[%parallel_loop3A_644] {strides = array<i32>} : memref<4096xi32, #tpu.memory_space<vmem>>, vector<16xi32>,
        tpu.vector_store %arg7[%parallel_loop3A_644], %parallel_loop3A_643 {strides = array<i32>} : memref<4096xi32, #tpu.memory_space<vmem>>, vector<16xi32>,
        %parallel_loop3A_646 = arith.constant 2 : i32
        %parallel_loop3A_647 = arith.index_cast %parallel_loop3A_646 : i32 to index
        %parallel_loop3A_648 = arith.index_cast %parallel_loop3A_633 : i32 to index
        %parallel_loop3A_649 = tpu.vector_load %arg19[%parallel_loop3A_647, %parallel_loop3A_648] {strides = array<i32>} : memref<8x4096xf32, #tpu.memory_space<vmem>>, vector<16xf32>,
        %parallel_loop3A_650 = arith.constant 3 : i32
        %parallel_loop3A_651 = arith.index_cast %parallel_loop3A_650 : i32 to index
        %parallel_loop3A_652 = arith.index_cast %parallel_loop3A_633 : i32 to index
        %parallel_loop3A_653 = tpu.vector_load %arg19[%parallel_loop3A_651, %parallel_loop3A_652] {strides = array<i32>} : memref<8x4096xf32, #tpu.memory_space<vmem>>, vector<16xf32>,
        %parallel_loop3A_654 = tpu.pack_subelements %parallel_loop3A_649, %parallel_loop3A_653 {pack_format = #tpu.pack_format<interleaved>, positions = array<i32: 0, 1>} : vector<16xf32>, vector<16xf32> -> vector<32xbf16>
        %parallel_loop3A_655 = vector.bitcast %parallel_loop3A_654 : vector<32xbf16> to vector<16xi32>
        %parallel_loop3A_656 = arith.index_cast %parallel_loop3A_633 : i32 to index
        %parallel_loop3A_657 = tpu.vector_load %arg8[%parallel_loop3A_656] {strides = array<i32>} : memref<4096xi32, #tpu.memory_space<vmem>>, vector<16xi32>,
        tpu.vector_store %arg8[%parallel_loop3A_656], %parallel_loop3A_655 {strides = array<i32>} : memref<4096xi32, #tpu.memory_space<vmem>>, vector<16xi32>,
        %parallel_loop3A_658 = arith.constant 4 : i32
        %parallel_loop3A_659 = arith.index_cast %parallel_loop3A_658 : i32 to index
        %parallel_loop3A_660 = arith.index_cast %parallel_loop3A_633 : i32 to index
        %parallel_loop3A_661 = tpu.vector_load %arg19[%parallel_loop3A_659, %parallel_loop3A_660] {strides = array<i32>} : memref<8x4096xf32, #tpu.memory_space<vmem>>, vector<16xf32>,
        %parallel_loop3A_662 = arith.constant 5 : i32
        %parallel_loop3A_663 = arith.index_cast %parallel_loop3A_662 : i32 to index
        %parallel_loop3A_664 = arith.index_cast %parallel_loop3A_633 : i32 to index
        %parallel_loop3A_665 = tpu.vector_load %arg19[%parallel_loop3A_663, %parallel_loop3A_664] {strides = array<i32>} : memref<8x4096xf32, #tpu.memory_space<vmem>>, vector<16xf32>,
        %parallel_loop3A_666 = tpu.pack_subelements %parallel_loop3A_661, %parallel_loop3A_665 {pack_format = #tpu.pack_format<interleaved>, positions = array<i32: 0, 1>} : vector<16xf32>, vector<16xf32> -> vector<32xbf16>
        %parallel_loop3A_667 = vector.bitcast %parallel_loop3A_666 : vector<32xbf16> to vector<16xi32>
        %parallel_loop3A_668 = arith.index_cast %parallel_loop3A_633 : i32 to index
        %parallel_loop3A_669 = tpu.vector_load %arg9[%parallel_loop3A_668] {strides = array<i32>} : memref<4096xi32, #tpu.memory_space<vmem>>, vector<16xi32>,
        tpu.vector_store %arg9[%parallel_loop3A_668], %parallel_loop3A_667 {strides = array<i32>} : memref<4096xi32, #tpu.memory_space<vmem>>, vector<16xi32>,
        %parallel_loop3A_670 = arith.constant 6 : i32
        %parallel_loop3A_671 = arith.index_cast %parallel_loop3A_670 : i32 to index
        %parallel_loop3A_672 = arith.index_cast %parallel_loop3A_633 : i32 to index
        %parallel_loop3A_673 = tpu.vector_load %arg19[%parallel_loop3A_671, %parallel_loop3A_672] {strides = array<i32>} : memref<8x4096xf32, #tpu.memory_space<vmem>>, vector<16xf32>,
        %parallel_loop3A_674 = arith.constant 7 : i32
        %parallel_loop3A_675 = arith.index_cast %parallel_loop3A_674 : i32 to index
        %parallel_loop3A_676 = arith.index_cast %parallel_loop3A_633 : i32 to index
        %parallel_loop3A_677 = tpu.vector_load %arg19[%parallel_loop3A_675, %parallel_loop3A_676] {strides = array<i32>} : memref<8x4096xf32, #tpu.memory_space<vmem>>, vector<16xf32>,
        %parallel_loop3A_678 = tpu.pack_subelements %parallel_loop3A_673, %parallel_loop3A_677 {pack_format = #tpu.pack_format<interleaved>, positions = array<i32: 0, 1>} : vector<16xf32>, vector<16xf32> -> vector<32xbf16>
        %parallel_loop3A_679 = vector.bitcast %parallel_loop3A_678 : vector<32xbf16> to vector<16xi32>
        %parallel_loop3A_680 = arith.index_cast %parallel_loop3A_633 : i32 to index
        %parallel_loop3A_681 = tpu.vector_load %arg10[%parallel_loop3A_680] {strides = array<i32>} : memref<4096xi32, #tpu.memory_space<vmem>>, vector<16xi32>,
        tpu.vector_store %arg10[%parallel_loop3A_680], %parallel_loop3A_679 {strides = array<i32>} : memref<4096xi32, #tpu.memory_space<vmem>>, vector<16xi32>,
      } {sc.loop_unroll_factor = 4 : i64, sc.parallel_access}
      %add3A_436 = arith.constant 1 : i32
      %add3A_437 = arith.addi %scan3A_310, %add3A_436 : i32
      %min3A = arith.constant 3 : i32
      %min3A_438 = arith.minsi %add3A_437, %min3A : i32
      %mul3A_439 = arith.constant 8 : i32
      %mul3A_440 = arith.muli %min3A_438, %mul3A_439 : i32
      %add3A_441 = arith.addi %mul3A_2, %mul3A_440 : i32
      %add3A_442 = arith.constant 0 : i32
      %add3A_443 = arith.addi %add3A_441, %add3A_442 : i32
      %dma_start3A_444 = arith.constant 0 : i32
      %dma_start3A_445 = arith.constant 0 : i32
      %dma_start3A_446 = tpu.memref_slice %arg19[%dma_start3A_444, %dma_start3A_445] : memref<8x4096xf32, #tpu.memory_space<vmem>> -> memref<1x4096xf32, #tpu.memory_space<vmem>>
      %dma_start3A_447 = tpu.memref_squeeze %dma_start3A_446 : memref<1x4096xf32, #tpu.memory_space<vmem>> -> memref<4096xf32, #tpu.memory_space<vmem>>
      %dma_start3A_448 = arith.constant 0 : i32
      %dma_start3A_449 = tpu.memref_slice %arg2[%add3A_443, %dma_start3A_448] : memref<1024x4096xf32, #tpu.memory_space<hbm>> -> memref<1x4096xf32, #tpu.memory_space<hbm>>
      %dma_start3A_450 = tpu.memref_squeeze %dma_start3A_449 : memref<1x4096xf32, #tpu.memory_space<hbm>> -> memref<4096xf32, #tpu.memory_space<hbm>>
      %dma_start3A_451 = arith.constant 0 : i32
      %dma_start3A_452 = tpu.memref_slice %arg19[%dma_start3A_444, %dma_start3A_451] : memref<8x4096xf32, #tpu.memory_space<vmem>> -> memref<1x4096xf32, #tpu.memory_space<vmem>>
      %dma_start3A_453 = tpu.memref_squeeze %dma_start3A_452 : memref<1x4096xf32, #tpu.memory_space<vmem>> -> memref<4096xf32, #tpu.memory_space<vmem>>
      %dma_start3A_454 = arith.constant 0 : i32
      %dma_start3A_455 = tpu.memref_slice %arg2[%add3A_443, %dma_start3A_454] : memref<1024x4096xf32, #tpu.memory_space<hbm>> -> memref<1x4096xf32, #tpu.memory_space<hbm>>
      %dma_start3A_456 = tpu.memref_squeeze %dma_start3A_455 : memref<1x4096xf32, #tpu.memory_space<hbm>> -> memref<4096xf32, #tpu.memory_space<hbm>>
      tpu.enqueue_dma source(%dma_start3A_456 : memref<4096xf32, #tpu.memory_space<hbm>>) target(%dma_start3A_453 : memref<4096xf32, #tpu.memory_space<vmem>>) target_semaphore(%arg23 : memref<!tpu.dma_semaphore, #tpu.memory_space<semaphore_mem>>)
      %add3A_457 = arith.constant 1 : i32
      %add3A_458 = arith.addi %add3A_441, %add3A_457 : i32
      %dma_start3A_459 = arith.constant 1 : i32
      %dma_start3A_460 = arith.constant 0 : i32
      %dma_start3A_461 = tpu.memref_slice %arg19[%dma_start3A_459, %dma_start3A_460] : memref<8x4096xf32, #tpu.memory_space<vmem>> -> memref<1x4096xf32, #tpu.memory_space<vmem>>
      %dma_start3A_462 = tpu.memref_squeeze %dma_start3A_461 : memref<1x4096xf32, #tpu.memory_space<vmem>> -> memref<4096xf32, #tpu.memory_space<vmem>>
      %dma_start3A_463 = arith.constant 0 : i32
      %dma_start3A_464 = tpu.memref_slice %arg2[%add3A_458, %dma_start3A_463] : memref<1024x4096xf32, #tpu.memory_space<hbm>> -> memref<1x4096xf32, #tpu.memory_space<hbm>>
      %dma_start3A_465 = tpu.memref_squeeze %dma_start3A_464 : memref<1x4096xf32, #tpu.memory_space<hbm>> -> memref<4096xf32, #tpu.memory_space<hbm>>
      %dma_start3A_466 = arith.constant 0 : i32
      %dma_start3A_467 = tpu.memref_slice %arg19[%dma_start3A_459, %dma_start3A_466] : memref<8x4096xf32, #tpu.memory_space<vmem>> -> memref<1x4096xf32, #tpu.memory_space<vmem>>
      %dma_start3A_468 = tpu.memref_squeeze %dma_start3A_467 : memref<1x4096xf32, #tpu.memory_space<vmem>> -> memref<4096xf32, #tpu.memory_space<vmem>>
      %dma_start3A_469 = arith.constant 0 : i32
      %dma_start3A_470 = tpu.memref_slice %arg2[%add3A_458, %dma_start3A_469] : memref<1024x4096xf32, #tpu.memory_space<hbm>> -> memref<1x4096xf32, #tpu.memory_space<hbm>>
      %dma_start3A_471 = tpu.memref_squeeze %dma_start3A_470 : memref<1x4096xf32, #tpu.memory_space<hbm>> -> memref<4096xf32, #tpu.memory_space<hbm>>
      tpu.enqueue_dma source(%dma_start3A_471 : memref<4096xf32, #tpu.memory_space<hbm>>) target(%dma_start3A_468 : memref<4096xf32, #tpu.memory_space<vmem>>) target_semaphore(%arg23 : memref<!tpu.dma_semaphore, #tpu.memory_space<semaphore_mem>>)
      %add3A_472 = arith.constant 2 : i32
      %add3A_473 = arith.addi %add3A_441, %add3A_472 : i32
      %dma_start3A_474 = arith.constant 2 : i32
      %dma_start3A_475 = arith.constant 0 : i32
      %dma_start3A_476 = tpu.memref_slice %arg19[%dma_start3A_474, %dma_start3A_475] : memref<8x4096xf32, #tpu.memory_space<vmem>> -> memref<1x4096xf32, #tpu.memory_space<vmem>>
      %dma_start3A_477 = tpu.memref_squeeze %dma_start3A_476 : memref<1x4096xf32, #tpu.memory_space<vmem>> -> memref<4096xf32, #tpu.memory_space<vmem>>
      %dma_start3A_478 = arith.constant 0 : i32
      %dma_start3A_479 = tpu.memref_slice %arg2[%add3A_473, %dma_start3A_478] : memref<1024x4096xf32, #tpu.memory_space<hbm>> -> memref<1x4096xf32, #tpu.memory_space<hbm>>
      %dma_start3A_480 = tpu.memref_squeeze %dma_start3A_479 : memref<1x4096xf32, #tpu.memory_space<hbm>> -> memref<4096xf32, #tpu.memory_space<hbm>>
      %dma_start3A_481 = arith.constant 0 : i32
      %dma_start3A_482 = tpu.memref_slice %arg19[%dma_start3A_474, %dma_start3A_481] : memref<8x4096xf32, #tpu.memory_space<vmem>> -> memref<1x4096xf32, #tpu.memory_space<vmem>>
      %dma_start3A_483 = tpu.memref_squeeze %dma_start3A_482 : memref<1x4096xf32, #tpu.memory_space<vmem>> -> memref<4096xf32, #tpu.memory_space<vmem>>
      %dma_start3A_484 = arith.constant 0 : i32
      %dma_start3A_485 = tpu.memref_slice %arg2[%add3A_473, %dma_start3A_484] : memref<1024x4096xf32, #tpu.memory_space<hbm>> -> memref<1x4096xf32, #tpu.memory_space<hbm>>
      %dma_start3A_486 = tpu.memref_squeeze %dma_start3A_485 : memref<1x4096xf32, #tpu.memory_space<hbm>> -> memref<4096xf32, #tpu.memory_space<hbm>>
      tpu.enqueue_dma source(%dma_start3A_486 : memref<4096xf32, #tpu.memory_space<hbm>>) target(%dma_start3A_483 : memref<4096xf32, #tpu.memory_space<vmem>>) target_semaphore(%arg23 : memref<!tpu.dma_semaphore, #tpu.memory_space<semaphore_mem>>)
      %add3A_487 = arith.constant 3 : i32
      %add3A_488 = arith.addi %add3A_441, %add3A_487 : i32
      %dma_start3A_489 = arith.constant 3 : i32
      %dma_start3A_490 = arith.constant 0 : i32
      %dma_start3A_491 = tpu.memref_slice %arg19[%dma_start3A_489, %dma_start3A_490] : memref<8x4096xf32, #tpu.memory_space<vmem>> -> memref<1x4096xf32, #tpu.memory_space<vmem>>
      %dma_start3A_492 = tpu.memref_squeeze %dma_start3A_491 : memref<1x4096xf32, #tpu.memory_space<vmem>> -> memref<4096xf32, #tpu.memory_space<vmem>>
      %dma_start3A_493 = arith.constant 0 : i32
      %dma_start3A_494 = tpu.memref_slice %arg2[%add3A_488, %dma_start3A_493] : memref<1024x4096xf32, #tpu.memory_space<hbm>> -> memref<1x4096xf32, #tpu.memory_space<hbm>>
      %dma_start3A_495 = tpu.memref_squeeze %dma_start3A_494 : memref<1x4096xf32, #tpu.memory_space<hbm>> -> memref<4096xf32, #tpu.memory_space<hbm>>
      %dma_start3A_496 = arith.constant 0 : i32
      %dma_start3A_497 = tpu.memref_slice %arg19[%dma_start3A_489, %dma_start3A_496] : memref<8x4096xf32, #tpu.memory_space<vmem>> -> memref<1x4096xf32, #tpu.memory_space<vmem>>
      %dma_start3A_498 = tpu.memref_squeeze %dma_start3A_497 : memref<1x4096xf32, #tpu.memory_space<vmem>> -> memref<4096xf32, #tpu.memory_space<vmem>>
      %dma_start3A_499 = arith.constant 0 : i32
      %dma_start3A_500 = tpu.memref_slice %arg2[%add3A_488, %dma_start3A_499] : memref<1024x4096xf32, #tpu.memory_space<hbm>> -> memref<1x4096xf32, #tpu.memory_space<hbm>>
      %dma_start3A_501 = tpu.memref_squeeze %dma_start3A_500 : memref<1x4096xf32, #tpu.memory_space<hbm>> -> memref<4096xf32, #tpu.memory_space<hbm>>
      tpu.enqueue_dma source(%dma_start3A_501 : memref<4096xf32, #tpu.memory_space<hbm>>) target(%dma_start3A_498 : memref<4096xf32, #tpu.memory_space<vmem>>) target_semaphore(%arg23 : memref<!tpu.dma_semaphore, #tpu.memory_space<semaphore_mem>>)
      %add3A_502 = arith.constant 4 : i32
      %add3A_503 = arith.addi %add3A_441, %add3A_502 : i32
      %dma_start3A_504 = arith.constant 4 : i32
      %dma_start3A_505 = arith.constant 0 : i32
      %dma_start3A_506 = tpu.memref_slice %arg19[%dma_start3A_504, %dma_start3A_505] : memref<8x4096xf32, #tpu.memory_space<vmem>> -> memref<1x4096xf32, #tpu.memory_space<vmem>>
      %dma_start3A_507 = tpu.memref_squeeze %dma_start3A_506 : memref<1x4096xf32, #tpu.memory_space<vmem>> -> memref<4096xf32, #tpu.memory_space<vmem>>
      %dma_start3A_508 = arith.constant 0 : i32
      %dma_start3A_509 = tpu.memref_slice %arg2[%add3A_503, %dma_start3A_508] : memref<1024x4096xf32, #tpu.memory_space<hbm>> -> memref<1x4096xf32, #tpu.memory_space<hbm>>
      %dma_start3A_510 = tpu.memref_squeeze %dma_start3A_509 : memref<1x4096xf32, #tpu.memory_space<hbm>> -> memref<4096xf32, #tpu.memory_space<hbm>>
      %dma_start3A_511 = arith.constant 0 : i32
      %dma_start3A_512 = tpu.memref_slice %arg19[%dma_start3A_504, %dma_start3A_511] : memref<8x4096xf32, #tpu.memory_space<vmem>> -> memref<1x4096xf32, #tpu.memory_space<vmem>>
      %dma_start3A_513 = tpu.memref_squeeze %dma_start3A_512 : memref<1x4096xf32, #tpu.memory_space<vmem>> -> memref<4096xf32, #tpu.memory_space<vmem>>
      %dma_start3A_514 = arith.constant 0 : i32
      %dma_start3A_515 = tpu.memref_slice %arg2[%add3A_503, %dma_start3A_514] : memref<1024x4096xf32, #tpu.memory_space<hbm>> -> memref<1x4096xf32, #tpu.memory_space<hbm>>
      %dma_start3A_516 = tpu.memref_squeeze %dma_start3A_515 : memref<1x4096xf32, #tpu.memory_space<hbm>> -> memref<4096xf32, #tpu.memory_space<hbm>>
      tpu.enqueue_dma source(%dma_start3A_516 : memref<4096xf32, #tpu.memory_space<hbm>>) target(%dma_start3A_513 : memref<4096xf32, #tpu.memory_space<vmem>>) target_semaphore(%arg23 : memref<!tpu.dma_semaphore, #tpu.memory_space<semaphore_mem>>)
      %add3A_517 = arith.constant 5 : i32
      %add3A_518 = arith.addi %add3A_441, %add3A_517 : i32
      %dma_start3A_519 = arith.constant 5 : i32
      %dma_start3A_520 = arith.constant 0 : i32
      %dma_start3A_521 = tpu.memref_slice %arg19[%dma_start3A_519, %dma_start3A_520] : memref<8x4096xf32, #tpu.memory_space<vmem>> -> memref<1x4096xf32, #tpu.memory_space<vmem>>
      %dma_start3A_522 = tpu.memref_squeeze %dma_start3A_521 : memref<1x4096xf32, #tpu.memory_space<vmem>> -> memref<4096xf32, #tpu.memory_space<vmem>>
      %dma_start3A_523 = arith.constant 0 : i32
      %dma_start3A_524 = tpu.memref_slice %arg2[%add3A_518, %dma_start3A_523] : memref<1024x4096xf32, #tpu.memory_space<hbm>> -> memref<1x4096xf32, #tpu.memory_space<hbm>>
      %dma_start3A_525 = tpu.memref_squeeze %dma_start3A_524 : memref<1x4096xf32, #tpu.memory_space<hbm>> -> memref<4096xf32, #tpu.memory_space<hbm>>
      %dma_start3A_526 = arith.constant 0 : i32
      %dma_start3A_527 = tpu.memref_slice %arg19[%dma_start3A_519, %dma_start3A_526] : memref<8x4096xf32, #tpu.memory_space<vmem>> -> memref<1x4096xf32, #tpu.memory_space<vmem>>
      %dma_start3A_528 = tpu.memref_squeeze %dma_start3A_527 : memref<1x4096xf32, #tpu.memory_space<vmem>> -> memref<4096xf32, #tpu.memory_space<vmem>>
      %dma_start3A_529 = arith.constant 0 : i32
      %dma_start3A_530 = tpu.memref_slice %arg2[%add3A_518, %dma_start3A_529] : memref<1024x4096xf32, #tpu.memory_space<hbm>> -> memref<1x4096xf32, #tpu.memory_space<hbm>>
      %dma_start3A_531 = tpu.memref_squeeze %dma_start3A_530 : memref<1x4096xf32, #tpu.memory_space<hbm>> -> memref<4096xf32, #tpu.memory_space<hbm>>
      tpu.enqueue_dma source(%dma_start3A_531 : memref<4096xf32, #tpu.memory_space<hbm>>) target(%dma_start3A_528 : memref<4096xf32, #tpu.memory_space<vmem>>) target_semaphore(%arg23 : memref<!tpu.dma_semaphore, #tpu.memory_space<semaphore_mem>>)
      %add3A_532 = arith.constant 6 : i32
      %add3A_533 = arith.addi %add3A_441, %add3A_532 : i32
      %dma_start3A_534 = arith.constant 6 : i32
      %dma_start3A_535 = arith.constant 0 : i32
      %dma_start3A_536 = tpu.memref_slice %arg19[%dma_start3A_534, %dma_start3A_535] : memref<8x4096xf32, #tpu.memory_space<vmem>> -> memref<1x4096xf32, #tpu.memory_space<vmem>>
      %dma_start3A_537 = tpu.memref_squeeze %dma_start3A_536 : memref<1x4096xf32, #tpu.memory_space<vmem>> -> memref<4096xf32, #tpu.memory_space<vmem>>
      %dma_start3A_538 = arith.constant 0 : i32
      %dma_start3A_539 = tpu.memref_slice %arg2[%add3A_533, %dma_start3A_538] : memref<1024x4096xf32, #tpu.memory_space<hbm>> -> memref<1x4096xf32, #tpu.memory_space<hbm>>
      %dma_start3A_540 = tpu.memref_squeeze %dma_start3A_539 : memref<1x4096xf32, #tpu.memory_space<hbm>> -> memref<4096xf32, #tpu.memory_space<hbm>>
      %dma_start3A_541 = arith.constant 0 : i32
      %dma_start3A_542 = tpu.memref_slice %arg19[%dma_start3A_534, %dma_start3A_541] : memref<8x4096xf32, #tpu.memory_space<vmem>> -> memref<1x4096xf32, #tpu.memory_space<vmem>>
      %dma_start3A_543 = tpu.memref_squeeze %dma_start3A_542 : memref<1x4096xf32, #tpu.memory_space<vmem>> -> memref<4096xf32, #tpu.memory_space<vmem>>
      %dma_start3A_544 = arith.constant 0 : i32
      %dma_start3A_545 = tpu.memref_slice %arg2[%add3A_533, %dma_start3A_544] : memref<1024x4096xf32, #tpu.memory_space<hbm>> -> memref<1x4096xf32, #tpu.memory_space<hbm>>
      %dma_start3A_546 = tpu.memref_squeeze %dma_start3A_545 : memref<1x4096xf32, #tpu.memory_space<hbm>> -> memref<4096xf32, #tpu.memory_space<hbm>>
      tpu.enqueue_dma source(%dma_start3A_546 : memref<4096xf32, #tpu.memory_space<hbm>>) target(%dma_start3A_543 : memref<4096xf32, #tpu.memory_space<vmem>>) target_semaphore(%arg23 : memref<!tpu.dma_semaphore, #tpu.memory_space<semaphore_mem>>)
      %add3A_547 = arith.constant 7 : i32
      %add3A_548 = arith.addi %add3A_441, %add3A_547 : i32
      %dma_start3A_549 = arith.constant 7 : i32
      %dma_start3A_550 = arith.constant 0 : i32
      %dma_start3A_551 = tpu.memref_slice %arg19[%dma_start3A_549, %dma_start3A_550] : memref<8x4096xf32, #tpu.memory_space<vmem>> -> memref<1x4096xf32, #tpu.memory_space<vmem>>
      %dma_start3A_552 = tpu.memref_squeeze %dma_start3A_551 : memref<1x4096xf32, #tpu.memory_space<vmem>> -> memref<4096xf32, #tpu.memory_space<vmem>>
      %dma_start3A_553 = arith.constant 0 : i32
      %dma_start3A_554 = tpu.memref_slice %arg2[%add3A_548, %dma_start3A_553] : memref<1024x4096xf32, #tpu.memory_space<hbm>> -> memref<1x4096xf32, #tpu.memory_space<hbm>>
      %dma_start3A_555 = tpu.memref_squeeze %dma_start3A_554 : memref<1x4096xf32, #tpu.memory_space<hbm>> -> memref<4096xf32, #tpu.memory_space<hbm>>
      %dma_start3A_556 = arith.constant 0 : i32
      %dma_start3A_557 = tpu.memref_slice %arg19[%dma_start3A_549, %dma_start3A_556] : memref<8x4096xf32, #tpu.memory_space<vmem>> -> memref<1x4096xf32, #tpu.memory_space<vmem>>
      %dma_start3A_558 = tpu.memref_squeeze %dma_start3A_557 : memref<1x4096xf32, #tpu.memory_space<vmem>> -> memref<4096xf32, #tpu.memory_space<vmem>>
      %dma_start3A_559 = arith.constant 0 : i32
      %dma_start3A_560 = tpu.memref_slice %arg2[%add3A_548, %dma_start3A_559] : memref<1024x4096xf32, #tpu.memory_space<hbm>> -> memref<1x4096xf32, #tpu.memory_space<hbm>>
      %dma_start3A_561 = tpu.memref_squeeze %dma_start3A_560 : memref<1x4096xf32, #tpu.memory_space<hbm>> -> memref<4096xf32, #tpu.memory_space<hbm>>
      tpu.enqueue_dma source(%dma_start3A_561 : memref<4096xf32, #tpu.memory_space<hbm>>) target(%dma_start3A_558 : memref<4096xf32, #tpu.memory_space<vmem>>) target_semaphore(%arg23 : memref<!tpu.dma_semaphore, #tpu.memory_space<semaphore_mem>>)
      %gt3A = arith.constant 0 : i32
      %gt3A_562 = arith.cmpi sgt, %scan3A_310, %gt3A : i32
      %convert_element_type3A = arith.extui %gt3A_562 : i1 to i32
      %cond3A = arith.constant 0 : i32
      %cond3A_563 = arith.cmpi ne, %convert_element_type3A, %cond3A : i32
      scf.if %cond3A_563 {
        %add3A_631 = arith.constant 0 : i32
        %add3A_632 = arith.addi %mul3A_2, %add3A_631 : i32
        %dma_wait3A_633 = arith.constant 0 : i32
        %dma_wait3A_634 = tpu.memref_slice %arg6[%add3A_632, %dma_wait3A_633] : memref<1024x4096xf32, #tpu.memory_space<hbm>> -> memref<1x4096xf32, #tpu.memory_space<hbm>>
        %dma_wait3A_635 = tpu.memref_squeeze %dma_wait3A_634 : memref<1x4096xf32, #tpu.memory_space<hbm>> -> memref<4096xf32, #tpu.memory_space<hbm>>
        %dma_wait3A_636 = arith.constant 0 : i32
        %dma_wait3A_637 = tpu.memref_slice %arg6[%add3A_632, %dma_wait3A_636] : memref<1024x4096xf32, #tpu.memory_space<hbm>> -> memref<1x4096xf32, #tpu.memory_space<hbm>>
        %dma_wait3A_638 = tpu.memref_squeeze %dma_wait3A_637 : memref<1x4096xf32, #tpu.memory_space<hbm>> -> memref<4096xf32, #tpu.memory_space<hbm>>
        tpu.wait_dma2 semaphore(%arg24 : memref<!tpu.dma_semaphore, #tpu.memory_space<semaphore_mem>>) src(%arg11 : memref<4096xf32, #tpu.memory_space<vmem>>) dst(%dma_wait3A_638 : memref<4096xf32, #tpu.memory_space<hbm>>)
        %add3A_639 = arith.constant 1 : i32
        %add3A_640 = arith.addi %mul3A_2, %add3A_639 : i32
        %dma_wait3A_641 = arith.constant 0 : i32
        %dma_wait3A_642 = tpu.memref_slice %arg6[%add3A_640, %dma_wait3A_641] : memref<1024x4096xf32, #tpu.memory_space<hbm>> -> memref<1x4096xf32, #tpu.memory_space<hbm>>
        %dma_wait3A_643 = tpu.memref_squeeze %dma_wait3A_642 : memref<1x4096xf32, #tpu.memory_space<hbm>> -> memref<4096xf32, #tpu.memory_space<hbm>>
        %dma_wait3A_644 = arith.constant 0 : i32
        %dma_wait3A_645 = tpu.memref_slice %arg6[%add3A_640, %dma_wait3A_644] : memref<1024x4096xf32, #tpu.memory_space<hbm>> -> memref<1x4096xf32, #tpu.memory_space<hbm>>
        %dma_wait3A_646 = tpu.memref_squeeze %dma_wait3A_645 : memref<1x4096xf32, #tpu.memory_space<hbm>> -> memref<4096xf32, #tpu.memory_space<hbm>>
        tpu.wait_dma2 semaphore(%arg24 : memref<!tpu.dma_semaphore, #tpu.memory_space<semaphore_mem>>) src(%arg12 : memref<4096xf32, #tpu.memory_space<vmem>>) dst(%dma_wait3A_646 : memref<4096xf32, #tpu.memory_space<hbm>>)
        %add3A_647 = arith.constant 2 : i32
        %add3A_648 = arith.addi %mul3A_2, %add3A_647 : i32
        %dma_wait3A_649 = arith.constant 0 : i32
        %dma_wait3A_650 = tpu.memref_slice %arg6[%add3A_648, %dma_wait3A_649] : memref<1024x4096xf32, #tpu.memory_space<hbm>> -> memref<1x4096xf32, #tpu.memory_space<hbm>>
        %dma_wait3A_651 = tpu.memref_squeeze %dma_wait3A_650 : memref<1x4096xf32, #tpu.memory_space<hbm>> -> memref<4096xf32, #tpu.memory_space<hbm>>
        %dma_wait3A_652 = arith.constant 0 : i32
        %dma_wait3A_653 = tpu.memref_slice %arg6[%add3A_648, %dma_wait3A_652] : memref<1024x4096xf32, #tpu.memory_space<hbm>> -> memref<1x4096xf32, #tpu.memory_space<hbm>>
        %dma_wait3A_654 = tpu.memref_squeeze %dma_wait3A_653 : memref<1x4096xf32, #tpu.memory_space<hbm>> -> memref<4096xf32, #tpu.memory_space<hbm>>
        tpu.wait_dma2 semaphore(%arg24 : memref<!tpu.dma_semaphore, #tpu.memory_space<semaphore_mem>>) src(%arg13 : memref<4096xf32, #tpu.memory_space<vmem>>) dst(%dma_wait3A_654 : memref<4096xf32, #tpu.memory_space<hbm>>)
        %add3A_655 = arith.constant 3 : i32
        %add3A_656 = arith.addi %mul3A_2, %add3A_655 : i32
        %dma_wait3A_657 = arith.constant 0 : i32
        %dma_wait3A_658 = tpu.memref_slice %arg6[%add3A_656, %dma_wait3A_657] : memref<1024x4096xf32, #tpu.memory_space<hbm>> -> memref<1x4096xf32, #tpu.memory_space<hbm>>
        %dma_wait3A_659 = tpu.memref_squeeze %dma_wait3A_658 : memref<1x4096xf32, #tpu.memory_space<hbm>> -> memref<4096xf32, #tpu.memory_space<hbm>>
        %dma_wait3A_660 = arith.constant 0 : i32
        %dma_wait3A_661 = tpu.memref_slice %arg6[%add3A_656, %dma_wait3A_660] : memref<1024x4096xf32, #tpu.memory_space<hbm>> -> memref<1x4096xf32, #tpu.memory_space<hbm>>
        %dma_wait3A_662 = tpu.memref_squeeze %dma_wait3A_661 : memref<1x4096xf32, #tpu.memory_space<hbm>> -> memref<4096xf32, #tpu.memory_space<hbm>>
        tpu.wait_dma2 semaphore(%arg24 : memref<!tpu.dma_semaphore, #tpu.memory_space<semaphore_mem>>) src(%arg14 : memref<4096xf32, #tpu.memory_space<vmem>>) dst(%dma_wait3A_662 : memref<4096xf32, #tpu.memory_space<hbm>>)
        %add3A_663 = arith.constant 4 : i32
        %add3A_664 = arith.addi %mul3A_2, %add3A_663 : i32
        %dma_wait3A_665 = arith.constant 0 : i32
        %dma_wait3A_666 = tpu.memref_slice %arg6[%add3A_664, %dma_wait3A_665] : memref<1024x4096xf32, #tpu.memory_space<hbm>> -> memref<1x4096xf32, #tpu.memory_space<hbm>>
        %dma_wait3A_667 = tpu.memref_squeeze %dma_wait3A_666 : memref<1x4096xf32, #tpu.memory_space<hbm>> -> memref<4096xf32, #tpu.memory_space<hbm>>
        %dma_wait3A_668 = arith.constant 0 : i32
        %dma_wait3A_669 = tpu.memref_slice %arg6[%add3A_664, %dma_wait3A_668] : memref<1024x4096xf32, #tpu.memory_space<hbm>> -> memref<1x4096xf32, #tpu.memory_space<hbm>>
        %dma_wait3A_670 = tpu.memref_squeeze %dma_wait3A_669 : memref<1x4096xf32, #tpu.memory_space<hbm>> -> memref<4096xf32, #tpu.memory_space<hbm>>
        tpu.wait_dma2 semaphore(%arg24 : memref<!tpu.dma_semaphore, #tpu.memory_space<semaphore_mem>>) src(%arg15 : memref<4096xf32, #tpu.memory_space<vmem>>) dst(%dma_wait3A_670 : memref<4096xf32, #tpu.memory_space<hbm>>)
        %add3A_671 = arith.constant 5 : i32
        %add3A_672 = arith.addi %mul3A_2, %add3A_671 : i32
        %dma_wait3A_673 = arith.constant 0 : i32
        %dma_wait3A_674 = tpu.memref_slice %arg6[%add3A_672, %dma_wait3A_673] : memref<1024x4096xf32, #tpu.memory_space<hbm>> -> memref<1x4096xf32, #tpu.memory_space<hbm>>
        %dma_wait3A_675 = tpu.memref_squeeze %dma_wait3A_674 : memref<1x4096xf32, #tpu.memory_space<hbm>> -> memref<4096xf32, #tpu.memory_space<hbm>>
        %dma_wait3A_676 = arith.constant 0 : i32
        %dma_wait3A_677 = tpu.memref_slice %arg6[%add3A_672, %dma_wait3A_676] : memref<1024x4096xf32, #tpu.memory_space<hbm>> -> memref<1x4096xf32, #tpu.memory_space<hbm>>
        %dma_wait3A_678 = tpu.memref_squeeze %dma_wait3A_677 : memref<1x4096xf32, #tpu.memory_space<hbm>> -> memref<4096xf32, #tpu.memory_space<hbm>>
        tpu.wait_dma2 semaphore(%arg24 : memref<!tpu.dma_semaphore, #tpu.memory_space<semaphore_mem>>) src(%arg16 : memref<4096xf32, #tpu.memory_space<vmem>>) dst(%dma_wait3A_678 : memref<4096xf32, #tpu.memory_space<hbm>>)
        %add3A_679 = arith.constant 6 : i32
        %add3A_680 = arith.addi %mul3A_2, %add3A_679 : i32
        %dma_wait3A_681 = arith.constant 0 : i32
        %dma_wait3A_682 = tpu.memref_slice %arg6[%add3A_680, %dma_wait3A_681] : memref<1024x4096xf32, #tpu.memory_space<hbm>> -> memref<1x4096xf32, #tpu.memory_space<hbm>>
        %dma_wait3A_683 = tpu.memref_squeeze %dma_wait3A_682 : memref<1x4096xf32, #tpu.memory_space<hbm>> -> memref<4096xf32, #tpu.memory_space<hbm>>
        %dma_wait3A_684 = arith.constant 0 : i32
        %dma_wait3A_685 = tpu.memref_slice %arg6[%add3A_680, %dma_wait3A_684] : memref<1024x4096xf32, #tpu.memory_space<hbm>> -> memref<1x4096xf32, #tpu.memory_space<hbm>>
        %dma_wait3A_686 = tpu.memref_squeeze %dma_wait3A_685 : memref<1x4096xf32, #tpu.memory_space<hbm>> -> memref<4096xf32, #tpu.memory_space<hbm>>
        tpu.wait_dma2 semaphore(%arg24 : memref<!tpu.dma_semaphore, #tpu.memory_space<semaphore_mem>>) src(%arg17 : memref<4096xf32, #tpu.memory_space<vmem>>) dst(%dma_wait3A_686 : memref<4096xf32, #tpu.memory_space<hbm>>)
        %add3A_687 = arith.constant 7 : i32
        %add3A_688 = arith.addi %mul3A_2, %add3A_687 : i32
        %dma_wait3A_689 = arith.constant 0 : i32
        %dma_wait3A_690 = tpu.memref_slice %arg6[%add3A_688, %dma_wait3A_689] : memref<1024x4096xf32, #tpu.memory_space<hbm>> -> memref<1x4096xf32, #tpu.memory_space<hbm>>
        %dma_wait3A_691 = tpu.memref_squeeze %dma_wait3A_690 : memref<1x4096xf32, #tpu.memory_space<hbm>> -> memref<4096xf32, #tpu.memory_space<hbm>>
        %dma_wait3A_692 = arith.constant 0 : i32
        %dma_wait3A_693 = tpu.memref_slice %arg6[%add3A_688, %dma_wait3A_692] : memref<1024x4096xf32, #tpu.memory_space<hbm>> -> memref<1x4096xf32, #tpu.memory_space<hbm>>
        %dma_wait3A_694 = tpu.memref_squeeze %dma_wait3A_693 : memref<1x4096xf32, #tpu.memory_space<hbm>> -> memref<4096xf32, #tpu.memory_space<hbm>>
        tpu.wait_dma2 semaphore(%arg24 : memref<!tpu.dma_semaphore, #tpu.memory_space<semaphore_mem>>) src(%arg18 : memref<4096xf32, #tpu.memory_space<vmem>>) dst(%dma_wait3A_694 : memref<4096xf32, #tpu.memory_space<hbm>>)
      } else {
      }
      %parallel_loop3A_564 = arith.constant 0 : i32
      %parallel_loop3A_565 = arith.constant 256 : i32
      %parallel_loop3A_566 = arith.constant 1 : i32
      scf.for %parallel_loop3A_631 = %parallel_loop3A_564 to %parallel_loop3A_565 step %parallel_loop3A_566  : i32 {
        %parallel_loop3A_632 = arith.constant 16 : i32
        %parallel_loop3A_633 = arith.muli %parallel_loop3A_631, %parallel_loop3A_632 : i32
        %parallel_loop3A_634 = arith.constant 0 : i32
        %parallel_loop3A_635 = arith.index_cast %parallel_loop3A_634 : i32 to index
        %parallel_loop3A_636 = arith.index_cast %parallel_loop3A_633 : i32 to index
        %parallel_loop3A_637 = tpu.vector_load %arg20[%parallel_loop3A_635, %parallel_loop3A_636] {strides = array<i32>} : memref<4x4096xi32, #tpu.memory_space<vmem>>, vector<16xi32>,
        %parallel_loop3A_638 = vector.bitcast %parallel_loop3A_637 : vector<16xi32> to vector<32xi16>
        %parallel_loop3A_639 = tpu.unpack_subelements %parallel_loop3A_638, 0 {pack_format = #tpu.pack_format<interleaved>} : vector<32xi16> -> vector<16xi32>
        %parallel_loop3A_640 = tpu.unpack_subelements %parallel_loop3A_638, 1 {pack_format = #tpu.pack_format<interleaved>} : vector<32xi16> -> vector<16xi32>
        %parallel_loop3A_641 = arith.constant 0 : i32
        %parallel_loop3A_642 = arith.index_cast %parallel_loop3A_641 : i32 to index
        %parallel_loop3A_643 = arith.index_cast %parallel_loop3A_633 : i32 to index
        %parallel_loop3A_644 = tpu.vector_load %arg21[%parallel_loop3A_642, %parallel_loop3A_643] {strides = array<i32>} : memref<4x4096xi32, #tpu.memory_space<vmem>>, vector<16xi32>,
        %parallel_loop3A_645 = vector.bitcast %parallel_loop3A_644 : vector<16xi32> to vector<32xbf16>
        %parallel_loop3A_646 = tpu.unpack_subelements %parallel_loop3A_645, 0 {pack_format = #tpu.pack_format<interleaved>} : vector<32xbf16> -> vector<16xf32>
        %parallel_loop3A_647 = tpu.unpack_subelements %parallel_loop3A_645, 1 {pack_format = #tpu.pack_format<interleaved>} : vector<32xbf16> -> vector<16xf32>
        %parallel_loop3A_648 = tpu.pack_subelements %parallel_loop3A_646, %parallel_loop3A_646 {pack_format = #tpu.pack_format<interleaved>, positions = array<i32: 0, 1>} : vector<16xf32>, vector<16xf32> -> vector<32xbf16>
        %parallel_loop3A_649 = tpu.vector_load_idx %arg7[%parallel_loop3A_639] : memref<4096xi32, #tpu.memory_space<vmem>>[vector<16xi32>], vector<16xi32>,
        %parallel_loop3A_650 = vector.bitcast %parallel_loop3A_649 : vector<16xi32> to vector<32xbf16>
        %parallel_loop3A_651 = arith.mulf %parallel_loop3A_650, %parallel_loop3A_648 : vector<32xbf16>
        %parallel_loop3A_652 = tpu.vector_load_idx %arg8[%parallel_loop3A_639] : memref<4096xi32, #tpu.memory_space<vmem>>[vector<16xi32>], vector<16xi32>,
        %parallel_loop3A_653 = vector.bitcast %parallel_loop3A_652 : vector<16xi32> to vector<32xbf16>
        %parallel_loop3A_654 = arith.mulf %parallel_loop3A_653, %parallel_loop3A_648 : vector<32xbf16>
        %parallel_loop3A_655 = tpu.vector_load_idx %arg9[%parallel_loop3A_639] : memref<4096xi32, #tpu.memory_space<vmem>>[vector<16xi32>], vector<16xi32>,
        %parallel_loop3A_656 = vector.bitcast %parallel_loop3A_655 : vector<16xi32> to vector<32xbf16>
        %parallel_loop3A_657 = arith.mulf %parallel_loop3A_656, %parallel_loop3A_648 : vector<32xbf16>
        %parallel_loop3A_658 = tpu.vector_load_idx %arg10[%parallel_loop3A_639] : memref<4096xi32, #tpu.memory_space<vmem>>[vector<16xi32>], vector<16xi32>,
        %parallel_loop3A_659 = vector.bitcast %parallel_loop3A_658 : vector<16xi32> to vector<32xbf16>
        %parallel_loop3A_660 = arith.mulf %parallel_loop3A_659, %parallel_loop3A_648 : vector<32xbf16>
        %parallel_loop3A_661 = tpu.pack_subelements %parallel_loop3A_647, %parallel_loop3A_647 {pack_format = #tpu.pack_format<interleaved>, positions = array<i32: 0, 1>} : vector<16xf32>, vector<16xf32> -> vector<32xbf16>
        %parallel_loop3A_662 = tpu.vector_load_idx %arg7[%parallel_loop3A_640] : memref<4096xi32, #tpu.memory_space<vmem>>[vector<16xi32>], vector<16xi32>,
        %parallel_loop3A_663 = vector.bitcast %parallel_loop3A_662 : vector<16xi32> to vector<32xbf16>
        %parallel_loop3A_664 = arith.mulf %parallel_loop3A_663, %parallel_loop3A_661 : vector<32xbf16>
        %parallel_loop3A_665 = arith.addf %parallel_loop3A_651, %parallel_loop3A_664 : vector<32xbf16>
        %parallel_loop3A_666 = tpu.vector_load_idx %arg8[%parallel_loop3A_640] : memref<4096xi32, #tpu.memory_space<vmem>>[vector<16xi32>], vector<16xi32>,
        %parallel_loop3A_667 = vector.bitcast %parallel_loop3A_666 : vector<16xi32> to vector<32xbf16>
        %parallel_loop3A_668 = arith.mulf %parallel_loop3A_667, %parallel_loop3A_661 : vector<32xbf16>
        %parallel_loop3A_669 = arith.addf %parallel_loop3A_654, %parallel_loop3A_668 : vector<32xbf16>
        %parallel_loop3A_670 = tpu.vector_load_idx %arg9[%parallel_loop3A_640] : memref<4096xi32, #tpu.memory_space<vmem>>[vector<16xi32>], vector<16xi32>,
        %parallel_loop3A_671 = vector.bitcast %parallel_loop3A_670 : vector<16xi32> to vector<32xbf16>
        %parallel_loop3A_672 = arith.mulf %parallel_loop3A_671, %parallel_loop3A_661 : vector<32xbf16>
        %parallel_loop3A_673 = arith.addf %parallel_loop3A_657, %parallel_loop3A_672 : vector<32xbf16>
        %parallel_loop3A_674 = tpu.vector_load_idx %arg10[%parallel_loop3A_640] : memref<4096xi32, #tpu.memory_space<vmem>>[vector<16xi32>], vector<16xi32>,
        %parallel_loop3A_675 = vector.bitcast %parallel_loop3A_674 : vector<16xi32> to vector<32xbf16>
        %parallel_loop3A_676 = arith.mulf %parallel_loop3A_675, %parallel_loop3A_661 : vector<32xbf16>
        %parallel_loop3A_677 = arith.addf %parallel_loop3A_660, %parallel_loop3A_676 : vector<32xbf16>
        %parallel_loop3A_678 = arith.constant 1 : i32
        %parallel_loop3A_679 = arith.index_cast %parallel_loop3A_678 : i32 to index
        %parallel_loop3A_680 = arith.index_cast %parallel_loop3A_633 : i32 to index
        %parallel_loop3A_681 = tpu.vector_load %arg20[%parallel_loop3A_679, %parallel_loop3A_680] {strides = array<i32>} : memref<4x4096xi32, #tpu.memory_space<vmem>>, vector<16xi32>,
        %parallel_loop3A_682 = vector.bitcast %parallel_loop3A_681 : vector<16xi32> to vector<32xi16>
        %parallel_loop3A_683 = tpu.unpack_subelements %parallel_loop3A_682, 0 {pack_format = #tpu.pack_format<interleaved>} : vector<32xi16> -> vector<16xi32>
        %parallel_loop3A_684 = tpu.unpack_subelements %parallel_loop3A_682, 1 {pack_format = #tpu.pack_format<interleaved>} : vector<32xi16> -> vector<16xi32>
        %parallel_loop3A_685 = arith.constant 1 : i32
        %parallel_loop3A_686 = arith.index_cast %parallel_loop3A_685 : i32 to index
        %parallel_loop3A_687 = arith.index_cast %parallel_loop3A_633 : i32 to index
        %parallel_loop3A_688 = tpu.vector_load %arg21[%parallel_loop3A_686, %parallel_loop3A_687] {strides = array<i32>} : memref<4x4096xi32, #tpu.memory_space<vmem>>, vector<16xi32>,
        %parallel_loop3A_689 = vector.bitcast %parallel_loop3A_688 : vector<16xi32> to vector<32xbf16>
        %parallel_loop3A_690 = tpu.unpack_subelements %parallel_loop3A_689, 0 {pack_format = #tpu.pack_format<interleaved>} : vector<32xbf16> -> vector<16xf32>
        %parallel_loop3A_691 = tpu.unpack_subelements %parallel_loop3A_689, 1 {pack_format = #tpu.pack_format<interleaved>} : vector<32xbf16> -> vector<16xf32>
        %parallel_loop3A_692 = tpu.pack_subelements %parallel_loop3A_690, %parallel_loop3A_690 {pack_format = #tpu.pack_format<interleaved>, positions = array<i32: 0, 1>} : vector<16xf32>, vector<16xf32> -> vector<32xbf16>
        %parallel_loop3A_693 = tpu.vector_load_idx %arg7[%parallel_loop3A_683] : memref<4096xi32, #tpu.memory_space<vmem>>[vector<16xi32>], vector<16xi32>,
        %parallel_loop3A_694 = vector.bitcast %parallel_loop3A_693 : vector<16xi32> to vector<32xbf16>
        %parallel_loop3A_695 = arith.mulf %parallel_loop3A_694, %parallel_loop3A_692 : vector<32xbf16>
        %parallel_loop3A_696 = arith.addf %parallel_loop3A_665, %parallel_loop3A_695 : vector<32xbf16>
        %parallel_loop3A_697 = tpu.vector_load_idx %arg8[%parallel_loop3A_683] : memref<4096xi32, #tpu.memory_space<vmem>>[vector<16xi32>], vector<16xi32>,
        %parallel_loop3A_698 = vector.bitcast %parallel_loop3A_697 : vector<16xi32> to vector<32xbf16>
        %parallel_loop3A_699 = arith.mulf %parallel_loop3A_698, %parallel_loop3A_692 : vector<32xbf16>
        %parallel_loop3A_700 = arith.addf %parallel_loop3A_669, %parallel_loop3A_699 : vector<32xbf16>
        %parallel_loop3A_701 = tpu.vector_load_idx %arg9[%parallel_loop3A_683] : memref<4096xi32, #tpu.memory_space<vmem>>[vector<16xi32>], vector<16xi32>,
        %parallel_loop3A_702 = vector.bitcast %parallel_loop3A_701 : vector<16xi32> to vector<32xbf16>
        %parallel_loop3A_703 = arith.mulf %parallel_loop3A_702, %parallel_loop3A_692 : vector<32xbf16>
        %parallel_loop3A_704 = arith.addf %parallel_loop3A_673, %parallel_loop3A_703 : vector<32xbf16>
        %parallel_loop3A_705 = tpu.vector_load_idx %arg10[%parallel_loop3A_683] : memref<4096xi32, #tpu.memory_space<vmem>>[vector<16xi32>], vector<16xi32>,
        %parallel_loop3A_706 = vector.bitcast %parallel_loop3A_705 : vector<16xi32> to vector<32xbf16>
        %parallel_loop3A_707 = arith.mulf %parallel_loop3A_706, %parallel_loop3A_692 : vector<32xbf16>
        %parallel_loop3A_708 = arith.addf %parallel_loop3A_677, %parallel_loop3A_707 : vector<32xbf16>
        %parallel_loop3A_709 = tpu.pack_subelements %parallel_loop3A_691, %parallel_loop3A_691 {pack_format = #tpu.pack_format<interleaved>, positions = array<i32: 0, 1>} : vector<16xf32>, vector<16xf32> -> vector<32xbf16>
        %parallel_loop3A_710 = tpu.vector_load_idx %arg7[%parallel_loop3A_684] : memref<4096xi32, #tpu.memory_space<vmem>>[vector<16xi32>], vector<16xi32>,
        %parallel_loop3A_711 = vector.bitcast %parallel_loop3A_710 : vector<16xi32> to vector<32xbf16>
        %parallel_loop3A_712 = arith.mulf %parallel_loop3A_711, %parallel_loop3A_709 : vector<32xbf16>
        %parallel_loop3A_713 = arith.addf %parallel_loop3A_696, %parallel_loop3A_712 : vector<32xbf16>
        %parallel_loop3A_714 = tpu.vector_load_idx %arg8[%parallel_loop3A_684] : memref<4096xi32, #tpu.memory_space<vmem>>[vector<16xi32>], vector<16xi32>,
        %parallel_loop3A_715 = vector.bitcast %parallel_loop3A_714 : vector<16xi32> to vector<32xbf16>
        %parallel_loop3A_716 = arith.mulf %parallel_loop3A_715, %parallel_loop3A_709 : vector<32xbf16>
        %parallel_loop3A_717 = arith.addf %parallel_loop3A_700, %parallel_loop3A_716 : vector<32xbf16>
        %parallel_loop3A_718 = tpu.vector_load_idx %arg9[%parallel_loop3A_684] : memref<4096xi32, #tpu.memory_space<vmem>>[vector<16xi32>], vector<16xi32>,
        %parallel_loop3A_719 = vector.bitcast %parallel_loop3A_718 : vector<16xi32> to vector<32xbf16>
        %parallel_loop3A_720 = arith.mulf %parallel_loop3A_719, %parallel_loop3A_709 : vector<32xbf16>
        %parallel_loop3A_721 = arith.addf %parallel_loop3A_704, %parallel_loop3A_720 : vector<32xbf16>
        %parallel_loop3A_722 = tpu.vector_load_idx %arg10[%parallel_loop3A_684] : memref<4096xi32, #tpu.memory_space<vmem>>[vector<16xi32>], vector<16xi32>,
        %parallel_loop3A_723 = vector.bitcast %parallel_loop3A_722 : vector<16xi32> to vector<32xbf16>
        %parallel_loop3A_724 = arith.mulf %parallel_loop3A_723, %parallel_loop3A_709 : vector<32xbf16>
        %parallel_loop3A_725 = arith.addf %parallel_loop3A_708, %parallel_loop3A_724 : vector<32xbf16>
        %parallel_loop3A_726 = arith.constant 2 : i32
        %parallel_loop3A_727 = arith.index_cast %parallel_loop3A_726 : i32 to index
        %parallel_loop3A_728 = arith.index_cast %parallel_loop3A_633 : i32 to index
        %parallel_loop3A_729 = tpu.vector_load %arg20[%parallel_loop3A_727, %parallel_loop3A_728] {strides = array<i32>} : memref<4x4096xi32, #tpu.memory_space<vmem>>, vector<16xi32>,
        %parallel_loop3A_730 = vector.bitcast %parallel_loop3A_729 : vector<16xi32> to vector<32xi16>
        %parallel_loop3A_731 = tpu.unpack_subelements %parallel_loop3A_730, 0 {pack_format = #tpu.pack_format<interleaved>} : vector<32xi16> -> vector<16xi32>
        %parallel_loop3A_732 = tpu.unpack_subelements %parallel_loop3A_730, 1 {pack_format = #tpu.pack_format<interleaved>} : vector<32xi16> -> vector<16xi32>
        %parallel_loop3A_733 = arith.constant 2 : i32
        %parallel_loop3A_734 = arith.index_cast %parallel_loop3A_733 : i32 to index
        %parallel_loop3A_735 = arith.index_cast %parallel_loop3A_633 : i32 to index
        %parallel_loop3A_736 = tpu.vector_load %arg21[%parallel_loop3A_734, %parallel_loop3A_735] {strides = array<i32>} : memref<4x4096xi32, #tpu.memory_space<vmem>>, vector<16xi32>,
        %parallel_loop3A_737 = vector.bitcast %parallel_loop3A_736 : vector<16xi32> to vector<32xbf16>
        %parallel_loop3A_738 = tpu.unpack_subelements %parallel_loop3A_737, 0 {pack_format = #tpu.pack_format<interleaved>} : vector<32xbf16> -> vector<16xf32>
        %parallel_loop3A_739 = tpu.unpack_subelements %parallel_loop3A_737, 1 {pack_format = #tpu.pack_format<interleaved>} : vector<32xbf16> -> vector<16xf32>
        %parallel_loop3A_740 = tpu.pack_subelements %parallel_loop3A_738, %parallel_loop3A_738 {pack_format = #tpu.pack_format<interleaved>, positions = array<i32: 0, 1>} : vector<16xf32>, vector<16xf32> -> vector<32xbf16>
        %parallel_loop3A_741 = tpu.vector_load_idx %arg7[%parallel_loop3A_731] : memref<4096xi32, #tpu.memory_space<vmem>>[vector<16xi32>], vector<16xi32>,
        %parallel_loop3A_742 = vector.bitcast %parallel_loop3A_741 : vector<16xi32> to vector<32xbf16>
        %parallel_loop3A_743 = arith.mulf %parallel_loop3A_742, %parallel_loop3A_740 : vector<32xbf16>
        %parallel_loop3A_744 = arith.addf %parallel_loop3A_713, %parallel_loop3A_743 : vector<32xbf16>
        %parallel_loop3A_745 = tpu.vector_load_idx %arg8[%parallel_loop3A_731] : memref<4096xi32, #tpu.memory_space<vmem>>[vector<16xi32>], vector<16xi32>,
        %parallel_loop3A_746 = vector.bitcast %parallel_loop3A_745 : vector<16xi32> to vector<32xbf16>
        %parallel_loop3A_747 = arith.mulf %parallel_loop3A_746, %parallel_loop3A_740 : vector<32xbf16>
        %parallel_loop3A_748 = arith.addf %parallel_loop3A_717, %parallel_loop3A_747 : vector<32xbf16>
        %parallel_loop3A_749 = tpu.vector_load_idx %arg9[%parallel_loop3A_731] : memref<4096xi32, #tpu.memory_space<vmem>>[vector<16xi32>], vector<16xi32>,
        %parallel_loop3A_750 = vector.bitcast %parallel_loop3A_749 : vector<16xi32> to vector<32xbf16>
        %parallel_loop3A_751 = arith.mulf %parallel_loop3A_750, %parallel_loop3A_740 : vector<32xbf16>
        %parallel_loop3A_752 = arith.addf %parallel_loop3A_721, %parallel_loop3A_751 : vector<32xbf16>
        %parallel_loop3A_753 = tpu.vector_load_idx %arg10[%parallel_loop3A_731] : memref<4096xi32, #tpu.memory_space<vmem>>[vector<16xi32>], vector<16xi32>,
        %parallel_loop3A_754 = vector.bitcast %parallel_loop3A_753 : vector<16xi32> to vector<32xbf16>
        %parallel_loop3A_755 = arith.mulf %parallel_loop3A_754, %parallel_loop3A_740 : vector<32xbf16>
        %parallel_loop3A_756 = arith.addf %parallel_loop3A_725, %parallel_loop3A_755 : vector<32xbf16>
        %parallel_loop3A_757 = tpu.pack_subelements %parallel_loop3A_739, %parallel_loop3A_739 {pack_format = #tpu.pack_format<interleaved>, positions = array<i32: 0, 1>} : vector<16xf32>, vector<16xf32> -> vector<32xbf16>
        %parallel_loop3A_758 = tpu.vector_load_idx %arg7[%parallel_loop3A_732] : memref<4096xi32, #tpu.memory_space<vmem>>[vector<16xi32>], vector<16xi32>,
        %parallel_loop3A_759 = vector.bitcast %parallel_loop3A_758 : vector<16xi32> to vector<32xbf16>
        %parallel_loop3A_760 = arith.mulf %parallel_loop3A_759, %parallel_loop3A_757 : vector<32xbf16>
        %parallel_loop3A_761 = arith.addf %parallel_loop3A_744, %parallel_loop3A_760 : vector<32xbf16>
        %parallel_loop3A_762 = tpu.vector_load_idx %arg8[%parallel_loop3A_732] : memref<4096xi32, #tpu.memory_space<vmem>>[vector<16xi32>], vector<16xi32>,
        %parallel_loop3A_763 = vector.bitcast %parallel_loop3A_762 : vector<16xi32> to vector<32xbf16>
        %parallel_loop3A_764 = arith.mulf %parallel_loop3A_763, %parallel_loop3A_757 : vector<32xbf16>
        %parallel_loop3A_765 = arith.addf %parallel_loop3A_748, %parallel_loop3A_764 : vector<32xbf16>
        %parallel_loop3A_766 = tpu.vector_load_idx %arg9[%parallel_loop3A_732] : memref<4096xi32, #tpu.memory_space<vmem>>[vector<16xi32>], vector<16xi32>,
        %parallel_loop3A_767 = vector.bitcast %parallel_loop3A_766 : vector<16xi32> to vector<32xbf16>
        %parallel_loop3A_768 = arith.mulf %parallel_loop3A_767, %parallel_loop3A_757 : vector<32xbf16>
        %parallel_loop3A_769 = arith.addf %parallel_loop3A_752, %parallel_loop3A_768 : vector<32xbf16>
        %parallel_loop3A_770 = tpu.vector_load_idx %arg10[%parallel_loop3A_732] : memref<4096xi32, #tpu.memory_space<vmem>>[vector<16xi32>], vector<16xi32>,
        %parallel_loop3A_771 = vector.bitcast %parallel_loop3A_770 : vector<16xi32> to vector<32xbf16>
        %parallel_loop3A_772 = arith.mulf %parallel_loop3A_771, %parallel_loop3A_757 : vector<32xbf16>
        %parallel_loop3A_773 = arith.addf %parallel_loop3A_756, %parallel_loop3A_772 : vector<32xbf16>
        %parallel_loop3A_774 = arith.constant 3 : i32
        %parallel_loop3A_775 = arith.index_cast %parallel_loop3A_774 : i32 to index
        %parallel_loop3A_776 = arith.index_cast %parallel_loop3A_633 : i32 to index
        %parallel_loop3A_777 = tpu.vector_load %arg20[%parallel_loop3A_775, %parallel_loop3A_776] {strides = array<i32>} : memref<4x4096xi32, #tpu.memory_space<vmem>>, vector<16xi32>,
        %parallel_loop3A_778 = vector.bitcast %parallel_loop3A_777 : vector<16xi32> to vector<32xi16>
        %parallel_loop3A_779 = tpu.unpack_subelements %parallel_loop3A_778, 0 {pack_format = #tpu.pack_format<interleaved>} : vector<32xi16> -> vector<16xi32>
        %parallel_loop3A_780 = tpu.unpack_subelements %parallel_loop3A_778, 1 {pack_format = #tpu.pack_format<interleaved>} : vector<32xi16> -> vector<16xi32>
        %parallel_loop3A_781 = arith.constant 3 : i32
        %parallel_loop3A_782 = arith.index_cast %parallel_loop3A_781 : i32 to index
        %parallel_loop3A_783 = arith.index_cast %parallel_loop3A_633 : i32 to index
        %parallel_loop3A_784 = tpu.vector_load %arg21[%parallel_loop3A_782, %parallel_loop3A_783] {strides = array<i32>} : memref<4x4096xi32, #tpu.memory_space<vmem>>, vector<16xi32>,
        %parallel_loop3A_785 = vector.bitcast %parallel_loop3A_784 : vector<16xi32> to vector<32xbf16>
        %parallel_loop3A_786 = tpu.unpack_subelements %parallel_loop3A_785, 0 {pack_format = #tpu.pack_format<interleaved>} : vector<32xbf16> -> vector<16xf32>
        %parallel_loop3A_787 = tpu.unpack_subelements %parallel_loop3A_785, 1 {pack_format = #tpu.pack_format<interleaved>} : vector<32xbf16> -> vector<16xf32>
        %parallel_loop3A_788 = tpu.pack_subelements %parallel_loop3A_786, %parallel_loop3A_786 {pack_format = #tpu.pack_format<interleaved>, positions = array<i32: 0, 1>} : vector<16xf32>, vector<16xf32> -> vector<32xbf16>
        %parallel_loop3A_789 = tpu.vector_load_idx %arg7[%parallel_loop3A_779] : memref<4096xi32, #tpu.memory_space<vmem>>[vector<16xi32>], vector<16xi32>,
        %parallel_loop3A_790 = vector.bitcast %parallel_loop3A_789 : vector<16xi32> to vector<32xbf16>
        %parallel_loop3A_791 = arith.mulf %parallel_loop3A_790, %parallel_loop3A_788 : vector<32xbf16>
        %parallel_loop3A_792 = arith.addf %parallel_loop3A_761, %parallel_loop3A_791 : vector<32xbf16>
        %parallel_loop3A_793 = tpu.vector_load_idx %arg8[%parallel_loop3A_779] : memref<4096xi32, #tpu.memory_space<vmem>>[vector<16xi32>], vector<16xi32>,
        %parallel_loop3A_794 = vector.bitcast %parallel_loop3A_793 : vector<16xi32> to vector<32xbf16>
        %parallel_loop3A_795 = arith.mulf %parallel_loop3A_794, %parallel_loop3A_788 : vector<32xbf16>
        %parallel_loop3A_796 = arith.addf %parallel_loop3A_765, %parallel_loop3A_795 : vector<32xbf16>
        %parallel_loop3A_797 = tpu.vector_load_idx %arg9[%parallel_loop3A_779] : memref<4096xi32, #tpu.memory_space<vmem>>[vector<16xi32>], vector<16xi32>,
        %parallel_loop3A_798 = vector.bitcast %parallel_loop3A_797 : vector<16xi32> to vector<32xbf16>
        %parallel_loop3A_799 = arith.mulf %parallel_loop3A_798, %parallel_loop3A_788 : vector<32xbf16>
        %parallel_loop3A_800 = arith.addf %parallel_loop3A_769, %parallel_loop3A_799 : vector<32xbf16>
        %parallel_loop3A_801 = tpu.vector_load_idx %arg10[%parallel_loop3A_779] : memref<4096xi32, #tpu.memory_space<vmem>>[vector<16xi32>], vector<16xi32>,
        %parallel_loop3A_802 = vector.bitcast %parallel_loop3A_801 : vector<16xi32> to vector<32xbf16>
        %parallel_loop3A_803 = arith.mulf %parallel_loop3A_802, %parallel_loop3A_788 : vector<32xbf16>
        %parallel_loop3A_804 = arith.addf %parallel_loop3A_773, %parallel_loop3A_803 : vector<32xbf16>
        %parallel_loop3A_805 = tpu.pack_subelements %parallel_loop3A_787, %parallel_loop3A_787 {pack_format = #tpu.pack_format<interleaved>, positions = array<i32: 0, 1>} : vector<16xf32>, vector<16xf32> -> vector<32xbf16>
        %parallel_loop3A_806 = tpu.vector_load_idx %arg7[%parallel_loop3A_780] : memref<4096xi32, #tpu.memory_space<vmem>>[vector<16xi32>], vector<16xi32>,
        %parallel_loop3A_807 = vector.bitcast %parallel_loop3A_806 : vector<16xi32> to vector<32xbf16>
        %parallel_loop3A_808 = arith.mulf %parallel_loop3A_807, %parallel_loop3A_805 : vector<32xbf16>
        %parallel_loop3A_809 = arith.addf %parallel_loop3A_792, %parallel_loop3A_808 : vector<32xbf16>
        %parallel_loop3A_810 = tpu.vector_load_idx %arg8[%parallel_loop3A_780] : memref<4096xi32, #tpu.memory_space<vmem>>[vector<16xi32>], vector<16xi32>,
        %parallel_loop3A_811 = vector.bitcast %parallel_loop3A_810 : vector<16xi32> to vector<32xbf16>
        %parallel_loop3A_812 = arith.mulf %parallel_loop3A_811, %parallel_loop3A_805 : vector<32xbf16>
        %parallel_loop3A_813 = arith.addf %parallel_loop3A_796, %parallel_loop3A_812 : vector<32xbf16>
        %parallel_loop3A_814 = tpu.vector_load_idx %arg9[%parallel_loop3A_780] : memref<4096xi32, #tpu.memory_space<vmem>>[vector<16xi32>], vector<16xi32>,
        %parallel_loop3A_815 = vector.bitcast %parallel_loop3A_814 : vector<16xi32> to vector<32xbf16>
        %parallel_loop3A_816 = arith.mulf %parallel_loop3A_815, %parallel_loop3A_805 : vector<32xbf16>
        %parallel_loop3A_817 = arith.addf %parallel_loop3A_800, %parallel_loop3A_816 : vector<32xbf16>
        %parallel_loop3A_818 = tpu.vector_load_idx %arg10[%parallel_loop3A_780] : memref<4096xi32, #tpu.memory_space<vmem>>[vector<16xi32>], vector<16xi32>,
        %parallel_loop3A_819 = vector.bitcast %parallel_loop3A_818 : vector<16xi32> to vector<32xbf16>
        %parallel_loop3A_820 = arith.mulf %parallel_loop3A_819, %parallel_loop3A_805 : vector<32xbf16>
        %parallel_loop3A_821 = arith.addf %parallel_loop3A_804, %parallel_loop3A_820 : vector<32xbf16>
        %parallel_loop3A_822 = arith.index_cast %parallel_loop3A_633 : i32 to index
        %parallel_loop3A_823 = tpu.vector_load %arg22[%parallel_loop3A_822] {strides = array<i32>} : memref<4096xi32, #tpu.memory_space<vmem>>, vector<16xi32>,
        %parallel_loop3A_824 = vector.bitcast %parallel_loop3A_823 : vector<16xi32> to vector<32xbf16>
        %parallel_loop3A_825 = arith.subf %parallel_loop3A_824, %parallel_loop3A_809 : vector<32xbf16>
        %parallel_loop3A_826 = math.exp %parallel_loop3A_825 : vector<32xbf16>
        %parallel_loop3A_827 = arith.constant 1.000000e+00 : bf16
        %parallel_loop3A_828 = vector.broadcast %parallel_loop3A_827 : bf16 to vector<32xbf16>
        %parallel_loop3A_829 = arith.addf %parallel_loop3A_828, %parallel_loop3A_826 : vector<32xbf16>
        %parallel_loop3A_830 = arith.constant 1.000000e+00 : bf16
        %parallel_loop3A_831 = vector.broadcast %parallel_loop3A_830 : bf16 to vector<32xbf16>
        %parallel_loop3A_832 = arith.divf %parallel_loop3A_831, %parallel_loop3A_829 : vector<32xbf16>
        %parallel_loop3A_833 = tpu.unpack_subelements %parallel_loop3A_832, 0 {pack_format = #tpu.pack_format<interleaved>} : vector<32xbf16> -> vector<16xf32>
        %parallel_loop3A_834 = tpu.unpack_subelements %parallel_loop3A_832, 1 {pack_format = #tpu.pack_format<interleaved>} : vector<32xbf16> -> vector<16xf32>
        %parallel_loop3A_835 = arith.index_cast %parallel_loop3A_633 : i32 to index
        %parallel_loop3A_836 = tpu.vector_load %arg11[%parallel_loop3A_835] {strides = array<i32>} : memref<4096xf32, #tpu.memory_space<vmem>>, vector<16xf32>,
        tpu.vector_store %arg11[%parallel_loop3A_835], %parallel_loop3A_833 {strides = array<i32>} : memref<4096xf32, #tpu.memory_space<vmem>>, vector<16xf32>,
        %parallel_loop3A_837 = arith.index_cast %parallel_loop3A_633 : i32 to index
        %parallel_loop3A_838 = tpu.vector_load %arg12[%parallel_loop3A_837] {strides = array<i32>} : memref<4096xf32, #tpu.memory_space<vmem>>, vector<16xf32>,
        tpu.vector_store %arg12[%parallel_loop3A_837], %parallel_loop3A_834 {strides = array<i32>} : memref<4096xf32, #tpu.memory_space<vmem>>, vector<16xf32>,
        %parallel_loop3A_839 = arith.subf %parallel_loop3A_824, %parallel_loop3A_813 : vector<32xbf16>
        %parallel_loop3A_840 = math.exp %parallel_loop3A_839 : vector<32xbf16>
        %parallel_loop3A_841 = arith.constant 1.000000e+00 : bf16
        %parallel_loop3A_842 = vector.broadcast %parallel_loop3A_841 : bf16 to vector<32xbf16>
        %parallel_loop3A_843 = arith.addf %parallel_loop3A_842, %parallel_loop3A_840 : vector<32xbf16>
        %parallel_loop3A_844 = arith.constant 1.000000e+00 : bf16
        %parallel_loop3A_845 = vector.broadcast %parallel_loop3A_844 : bf16 to vector<32xbf16>
        %parallel_loop3A_846 = arith.divf %parallel_loop3A_845, %parallel_loop3A_843 : vector<32xbf16>
        %parallel_loop3A_847 = tpu.unpack_subelements %parallel_loop3A_846, 0 {pack_format = #tpu.pack_format<interleaved>} : vector<32xbf16> -> vector<16xf32>
        %parallel_loop3A_848 = tpu.unpack_subelements %parallel_loop3A_846, 1 {pack_format = #tpu.pack_format<interleaved>} : vector<32xbf16> -> vector<16xf32>
        %parallel_loop3A_849 = arith.index_cast %parallel_loop3A_633 : i32 to index
        %parallel_loop3A_850 = tpu.vector_load %arg13[%parallel_loop3A_849] {strides = array<i32>} : memref<4096xf32, #tpu.memory_space<vmem>>, vector<16xf32>,
        tpu.vector_store %arg13[%parallel_loop3A_849], %parallel_loop3A_847 {strides = array<i32>} : memref<4096xf32, #tpu.memory_space<vmem>>, vector<16xf32>,
        %parallel_loop3A_851 = arith.index_cast %parallel_loop3A_633 : i32 to index
        %parallel_loop3A_852 = tpu.vector_load %arg14[%parallel_loop3A_851] {strides = array<i32>} : memref<4096xf32, #tpu.memory_space<vmem>>, vector<16xf32>,
        tpu.vector_store %arg14[%parallel_loop3A_851], %parallel_loop3A_848 {strides = array<i32>} : memref<4096xf32, #tpu.memory_space<vmem>>, vector<16xf32>,
        %parallel_loop3A_853 = arith.subf %parallel_loop3A_824, %parallel_loop3A_817 : vector<32xbf16>
        %parallel_loop3A_854 = math.exp %parallel_loop3A_853 : vector<32xbf16>
        %parallel_loop3A_855 = arith.constant 1.000000e+00 : bf16
        %parallel_loop3A_856 = vector.broadcast %parallel_loop3A_855 : bf16 to vector<32xbf16>
        %parallel_loop3A_857 = arith.addf %parallel_loop3A_856, %parallel_loop3A_854 : vector<32xbf16>
        %parallel_loop3A_858 = arith.constant 1.000000e+00 : bf16
        %parallel_loop3A_859 = vector.broadcast %parallel_loop3A_858 : bf16 to vector<32xbf16>
        %parallel_loop3A_860 = arith.divf %parallel_loop3A_859, %parallel_loop3A_857 : vector<32xbf16>
        %parallel_loop3A_861 = tpu.unpack_subelements %parallel_loop3A_860, 0 {pack_format = #tpu.pack_format<interleaved>} : vector<32xbf16> -> vector<16xf32>
        %parallel_loop3A_862 = tpu.unpack_subelements %parallel_loop3A_860, 1 {pack_format = #tpu.pack_format<interleaved>} : vector<32xbf16> -> vector<16xf32>
        %parallel_loop3A_863 = arith.index_cast %parallel_loop3A_633 : i32 to index
        %parallel_loop3A_864 = tpu.vector_load %arg15[%parallel_loop3A_863] {strides = array<i32>} : memref<4096xf32, #tpu.memory_space<vmem>>, vector<16xf32>,
        tpu.vector_store %arg15[%parallel_loop3A_863], %parallel_loop3A_861 {strides = array<i32>} : memref<4096xf32, #tpu.memory_space<vmem>>, vector<16xf32>,
        %parallel_loop3A_865 = arith.index_cast %parallel_loop3A_633 : i32 to index
        %parallel_loop3A_866 = tpu.vector_load %arg16[%parallel_loop3A_865] {strides = array<i32>} : memref<4096xf32, #tpu.memory_space<vmem>>, vector<16xf32>,
        tpu.vector_store %arg16[%parallel_loop3A_865], %parallel_loop3A_862 {strides = array<i32>} : memref<4096xf32, #tpu.memory_space<vmem>>, vector<16xf32>,
        %parallel_loop3A_867 = arith.subf %parallel_loop3A_824, %parallel_loop3A_821 : vector<32xbf16>
        %parallel_loop3A_868 = math.exp %parallel_loop3A_867 : vector<32xbf16>
        %parallel_loop3A_869 = arith.constant 1.000000e+00 : bf16
        %parallel_loop3A_870 = vector.broadcast %parallel_loop3A_869 : bf16 to vector<32xbf16>
        %parallel_loop3A_871 = arith.addf %parallel_loop3A_870, %parallel_loop3A_868 : vector<32xbf16>
        %parallel_loop3A_872 = arith.constant 1.000000e+00 : bf16
        %parallel_loop3A_873 = vector.broadcast %parallel_loop3A_872 : bf16 to vector<32xbf16>
        %parallel_loop3A_874 = arith.divf %parallel_loop3A_873, %parallel_loop3A_871 : vector<32xbf16>
        %parallel_loop3A_875 = tpu.unpack_subelements %parallel_loop3A_874, 0 {pack_format = #tpu.pack_format<interleaved>} : vector<32xbf16> -> vector<16xf32>
        %parallel_loop3A_876 = tpu.unpack_subelements %parallel_loop3A_874, 1 {pack_format = #tpu.pack_format<interleaved>} : vector<32xbf16> -> vector<16xf32>
        %parallel_loop3A_877 = arith.index_cast %parallel_loop3A_633 : i32 to index
        %parallel_loop3A_878 = tpu.vector_load %arg17[%parallel_loop3A_877] {strides = array<i32>} : memref<4096xf32, #tpu.memory_space<vmem>>, vector<16xf32>,
        tpu.vector_store %arg17[%parallel_loop3A_877], %parallel_loop3A_875 {strides = array<i32>} : memref<4096xf32, #tpu.memory_space<vmem>>, vector<16xf32>,
        %parallel_loop3A_879 = arith.index_cast %parallel_loop3A_633 : i32 to index
        %parallel_loop3A_880 = tpu.vector_load %arg18[%parallel_loop3A_879] {strides = array<i32>} : memref<4096xf32, #tpu.memory_space<vmem>>, vector<16xf32>,
        tpu.vector_store %arg18[%parallel_loop3A_879], %parallel_loop3A_876 {strides = array<i32>} : memref<4096xf32, #tpu.memory_space<vmem>>, vector<16xf32>,
      } {sc.loop_unroll_factor = 2 : i64, sc.parallel_access}
      %add3A_567 = arith.constant 0 : i32
      %add3A_568 = arith.addi %add3A_313, %add3A_567 : i32
      %dma_start3A_569 = arith.constant 0 : i32
      %dma_start3A_570 = tpu.memref_slice %arg6[%add3A_568, %dma_start3A_569] : memref<1024x4096xf32, #tpu.memory_space<hbm>> -> memref<1x4096xf32, #tpu.memory_space<hbm>>
      %dma_start3A_571 = tpu.memref_squeeze %dma_start3A_570 : memref<1x4096xf32, #tpu.memory_space<hbm>> -> memref<4096xf32, #tpu.memory_space<hbm>>
      %dma_start3A_572 = arith.constant 0 : i32
      %dma_start3A_573 = tpu.memref_slice %arg6[%add3A_568, %dma_start3A_572] : memref<1024x4096xf32, #tpu.memory_space<hbm>> -> memref<1x4096xf32, #tpu.memory_space<hbm>>
      %dma_start3A_574 = tpu.memref_squeeze %dma_start3A_573 : memref<1x4096xf32, #tpu.memory_space<hbm>> -> memref<4096xf32, #tpu.memory_space<hbm>>
      tpu.enqueue_dma source(%arg11 : memref<4096xf32, #tpu.memory_space<vmem>>) target(%dma_start3A_574 : memref<4096xf32, #tpu.memory_space<hbm>>) target_semaphore(%arg24 : memref<!tpu.dma_semaphore, #tpu.memory_space<semaphore_mem>>)
      %add3A_575 = arith.constant 1 : i32
      %add3A_576 = arith.addi %add3A_313, %add3A_575 : i32
      %dma_start3A_577 = arith.constant 0 : i32
      %dma_start3A_578 = tpu.memref_slice %arg6[%add3A_576, %dma_start3A_577] : memref<1024x4096xf32, #tpu.memory_space<hbm>> -> memref<1x4096xf32, #tpu.memory_space<hbm>>
      %dma_start3A_579 = tpu.memref_squeeze %dma_start3A_578 : memref<1x4096xf32, #tpu.memory_space<hbm>> -> memref<4096xf32, #tpu.memory_space<hbm>>
      %dma_start3A_580 = arith.constant 0 : i32
      %dma_start3A_581 = tpu.memref_slice %arg6[%add3A_576, %dma_start3A_580] : memref<1024x4096xf32, #tpu.memory_space<hbm>> -> memref<1x4096xf32, #tpu.memory_space<hbm>>
      %dma_start3A_582 = tpu.memref_squeeze %dma_start3A_581 : memref<1x4096xf32, #tpu.memory_space<hbm>> -> memref<4096xf32, #tpu.memory_space<hbm>>
      tpu.enqueue_dma source(%arg12 : memref<4096xf32, #tpu.memory_space<vmem>>) target(%dma_start3A_582 : memref<4096xf32, #tpu.memory_space<hbm>>) target_semaphore(%arg24 : memref<!tpu.dma_semaphore, #tpu.memory_space<semaphore_mem>>)
      %add3A_583 = arith.constant 2 : i32
      %add3A_584 = arith.addi %add3A_313, %add3A_583 : i32
      %dma_start3A_585 = arith.constant 0 : i32
      %dma_start3A_586 = tpu.memref_slice %arg6[%add3A_584, %dma_start3A_585] : memref<1024x4096xf32, #tpu.memory_space<hbm>> -> memref<1x4096xf32, #tpu.memory_space<hbm>>
      %dma_start3A_587 = tpu.memref_squeeze %dma_start3A_586 : memref<1x4096xf32, #tpu.memory_space<hbm>> -> memref<4096xf32, #tpu.memory_space<hbm>>
      %dma_start3A_588 = arith.constant 0 : i32
      %dma_start3A_589 = tpu.memref_slice %arg6[%add3A_584, %dma_start3A_588] : memref<1024x4096xf32, #tpu.memory_space<hbm>> -> memref<1x4096xf32, #tpu.memory_space<hbm>>
      %dma_start3A_590 = tpu.memref_squeeze %dma_start3A_589 : memref<1x4096xf32, #tpu.memory_space<hbm>> -> memref<4096xf32, #tpu.memory_space<hbm>>
      tpu.enqueue_dma source(%arg13 : memref<4096xf32, #tpu.memory_space<vmem>>) target(%dma_start3A_590 : memref<4096xf32, #tpu.memory_space<hbm>>) target_semaphore(%arg24 : memref<!tpu.dma_semaphore, #tpu.memory_space<semaphore_mem>>)
      %add3A_591 = arith.constant 3 : i32
      %add3A_592 = arith.addi %add3A_313, %add3A_591 : i32
      %dma_start3A_593 = arith.constant 0 : i32
      %dma_start3A_594 = tpu.memref_slice %arg6[%add3A_592, %dma_start3A_593] : memref<1024x4096xf32, #tpu.memory_space<hbm>> -> memref<1x4096xf32, #tpu.memory_space<hbm>>
      %dma_start3A_595 = tpu.memref_squeeze %dma_start3A_594 : memref<1x4096xf32, #tpu.memory_space<hbm>> -> memref<4096xf32, #tpu.memory_space<hbm>>
      %dma_start3A_596 = arith.constant 0 : i32
      %dma_start3A_597 = tpu.memref_slice %arg6[%add3A_592, %dma_start3A_596] : memref<1024x4096xf32, #tpu.memory_space<hbm>> -> memref<1x4096xf32, #tpu.memory_space<hbm>>
      %dma_start3A_598 = tpu.memref_squeeze %dma_start3A_597 : memref<1x4096xf32, #tpu.memory_space<hbm>> -> memref<4096xf32, #tpu.memory_space<hbm>>
      tpu.enqueue_dma source(%arg14 : memref<4096xf32, #tpu.memory_space<vmem>>) target(%dma_start3A_598 : memref<4096xf32, #tpu.memory_space<hbm>>) target_semaphore(%arg24 : memref<!tpu.dma_semaphore, #tpu.memory_space<semaphore_mem>>)
      %add3A_599 = arith.constant 4 : i32
      %add3A_600 = arith.addi %add3A_313, %add3A_599 : i32
      %dma_start3A_601 = arith.constant 0 : i32
      %dma_start3A_602 = tpu.memref_slice %arg6[%add3A_600, %dma_start3A_601] : memref<1024x4096xf32, #tpu.memory_space<hbm>> -> memref<1x4096xf32, #tpu.memory_space<hbm>>
      %dma_start3A_603 = tpu.memref_squeeze %dma_start3A_602 : memref<1x4096xf32, #tpu.memory_space<hbm>> -> memref<4096xf32, #tpu.memory_space<hbm>>
      %dma_start3A_604 = arith.constant 0 : i32
      %dma_start3A_605 = tpu.memref_slice %arg6[%add3A_600, %dma_start3A_604] : memref<1024x4096xf32, #tpu.memory_space<hbm>> -> memref<1x4096xf32, #tpu.memory_space<hbm>>
      %dma_start3A_606 = tpu.memref_squeeze %dma_start3A_605 : memref<1x4096xf32, #tpu.memory_space<hbm>> -> memref<4096xf32, #tpu.memory_space<hbm>>
      tpu.enqueue_dma source(%arg15 : memref<4096xf32, #tpu.memory_space<vmem>>) target(%dma_start3A_606 : memref<4096xf32, #tpu.memory_space<hbm>>) target_semaphore(%arg24 : memref<!tpu.dma_semaphore, #tpu.memory_space<semaphore_mem>>)
      %add3A_607 = arith.constant 5 : i32
      %add3A_608 = arith.addi %add3A_313, %add3A_607 : i32
      %dma_start3A_609 = arith.constant 0 : i32
      %dma_start3A_610 = tpu.memref_slice %arg6[%add3A_608, %dma_start3A_609] : memref<1024x4096xf32, #tpu.memory_space<hbm>> -> memref<1x4096xf32, #tpu.memory_space<hbm>>
      %dma_start3A_611 = tpu.memref_squeeze %dma_start3A_610 : memref<1x4096xf32, #tpu.memory_space<hbm>> -> memref<4096xf32, #tpu.memory_space<hbm>>
      %dma_start3A_612 = arith.constant 0 : i32
      %dma_start3A_613 = tpu.memref_slice %arg6[%add3A_608, %dma_start3A_612] : memref<1024x4096xf32, #tpu.memory_space<hbm>> -> memref<1x4096xf32, #tpu.memory_space<hbm>>
      %dma_start3A_614 = tpu.memref_squeeze %dma_start3A_613 : memref<1x4096xf32, #tpu.memory_space<hbm>> -> memref<4096xf32, #tpu.memory_space<hbm>>
      tpu.enqueue_dma source(%arg16 : memref<4096xf32, #tpu.memory_space<vmem>>) target(%dma_start3A_614 : memref<4096xf32, #tpu.memory_space<hbm>>) target_semaphore(%arg24 : memref<!tpu.dma_semaphore, #tpu.memory_space<semaphore_mem>>)
      %add3A_615 = arith.constant 6 : i32
      %add3A_616 = arith.addi %add3A_313, %add3A_615 : i32
      %dma_start3A_617 = arith.constant 0 : i32
      %dma_start3A_618 = tpu.memref_slice %arg6[%add3A_616, %dma_start3A_617] : memref<1024x4096xf32, #tpu.memory_space<hbm>> -> memref<1x4096xf32, #tpu.memory_space<hbm>>
      %dma_start3A_619 = tpu.memref_squeeze %dma_start3A_618 : memref<1x4096xf32, #tpu.memory_space<hbm>> -> memref<4096xf32, #tpu.memory_space<hbm>>
      %dma_start3A_620 = arith.constant 0 : i32
      %dma_start3A_621 = tpu.memref_slice %arg6[%add3A_616, %dma_start3A_620] : memref<1024x4096xf32, #tpu.memory_space<hbm>> -> memref<1x4096xf32, #tpu.memory_space<hbm>>
      %dma_start3A_622 = tpu.memref_squeeze %dma_start3A_621 : memref<1x4096xf32, #tpu.memory_space<hbm>> -> memref<4096xf32, #tpu.memory_space<hbm>>
      tpu.enqueue_dma source(%arg17 : memref<4096xf32, #tpu.memory_space<vmem>>) target(%dma_start3A_622 : memref<4096xf32, #tpu.memory_space<hbm>>) target_semaphore(%arg24 : memref<!tpu.dma_semaphore, #tpu.memory_space<semaphore_mem>>)
      %add3A_623 = arith.constant 7 : i32
      %add3A_624 = arith.addi %add3A_313, %add3A_623 : i32
      %dma_start3A_625 = arith.constant 0 : i32
      %dma_start3A_626 = tpu.memref_slice %arg6[%add3A_624, %dma_start3A_625] : memref<1024x4096xf32, #tpu.memory_space<hbm>> -> memref<1x4096xf32, #tpu.memory_space<hbm>>
      %dma_start3A_627 = tpu.memref_squeeze %dma_start3A_626 : memref<1x4096xf32, #tpu.memory_space<hbm>> -> memref<4096xf32, #tpu.memory_space<hbm>>
      %dma_start3A_628 = arith.constant 0 : i32
      %dma_start3A_629 = tpu.memref_slice %arg6[%add3A_624, %dma_start3A_628] : memref<1024x4096xf32, #tpu.memory_space<hbm>> -> memref<1x4096xf32, #tpu.memory_space<hbm>>
      %dma_start3A_630 = tpu.memref_squeeze %dma_start3A_629 : memref<1x4096xf32, #tpu.memory_space<hbm>> -> memref<4096xf32, #tpu.memory_space<hbm>>
      tpu.enqueue_dma source(%arg18 : memref<4096xf32, #tpu.memory_space<vmem>>) target(%dma_start3A_630 : memref<4096xf32, #tpu.memory_space<hbm>>) target_semaphore(%arg24 : memref<!tpu.dma_semaphore, #tpu.memory_space<semaphore_mem>>)
    }
    %scan3A_126 = arith.constant 4 : i32
    %add3A_127 = arith.constant 0 : i32
    %add3A_128 = arith.addi %mul3A_2, %add3A_127 : i32
    %dma_wait3A = arith.constant 0 : i32
    %dma_wait3A_129 = tpu.memref_slice %arg6[%add3A_128, %dma_wait3A] : memref<1024x4096xf32, #tpu.memory_space<hbm>> -> memref<1x4096xf32, #tpu.memory_space<hbm>>
    %dma_wait3A_130 = tpu.memref_squeeze %dma_wait3A_129 : memref<1x4096xf32, #tpu.memory_space<hbm>> -> memref<4096xf32, #tpu.memory_space<hbm>>
    %dma_wait3A_131 = arith.constant 0 : i32
    %dma_wait3A_132 = tpu.memref_slice %arg6[%add3A_128, %dma_wait3A_131] : memref<1024x4096xf32, #tpu.memory_space<hbm>> -> memref<1x4096xf32, #tpu.memory_space<hbm>>
    %dma_wait3A_133 = tpu.memref_squeeze %dma_wait3A_132 : memref<1x4096xf32, #tpu.memory_space<hbm>> -> memref<4096xf32, #tpu.memory_space<hbm>>
    tpu.wait_dma2 semaphore(%arg24 : memref<!tpu.dma_semaphore, #tpu.memory_space<semaphore_mem>>) src(%arg11 : memref<4096xf32, #tpu.memory_space<vmem>>) dst(%dma_wait3A_133 : memref<4096xf32, #tpu.memory_space<hbm>>)
    %add3A_134 = arith.constant 0 : i32
    %add3A_135 = arith.addi %mul3A_2, %add3A_134 : i32
    %dma_wait3A_136 = arith.constant 0 : i32
    %dma_wait3A_137 = arith.constant 0 : i32
    %dma_wait3A_138 = tpu.memref_slice %arg19[%dma_wait3A_136, %dma_wait3A_137] : memref<8x4096xf32, #tpu.memory_space<vmem>> -> memref<1x4096xf32, #tpu.memory_space<vmem>>
    %dma_wait3A_139 = tpu.memref_squeeze %dma_wait3A_138 : memref<1x4096xf32, #tpu.memory_space<vmem>> -> memref<4096xf32, #tpu.memory_space<vmem>>
    %dma_wait3A_140 = arith.constant 0 : i32
    %dma_wait3A_141 = tpu.memref_slice %arg2[%add3A_135, %dma_wait3A_140] : memref<1024x4096xf32, #tpu.memory_space<hbm>> -> memref<1x4096xf32, #tpu.memory_space<hbm>>
    %dma_wait3A_142 = tpu.memref_squeeze %dma_wait3A_141 : memref<1x4096xf32, #tpu.memory_space<hbm>> -> memref<4096xf32, #tpu.memory_space<hbm>>
    %dma_wait3A_143 = arith.constant 0 : i32
    %dma_wait3A_144 = tpu.memref_slice %arg19[%dma_wait3A_136, %dma_wait3A_143] : memref<8x4096xf32, #tpu.memory_space<vmem>> -> memref<1x4096xf32, #tpu.memory_space<vmem>>
    %dma_wait3A_145 = tpu.memref_squeeze %dma_wait3A_144 : memref<1x4096xf32, #tpu.memory_space<vmem>> -> memref<4096xf32, #tpu.memory_space<vmem>>
    %dma_wait3A_146 = arith.constant 0 : i32
    %dma_wait3A_147 = tpu.memref_slice %arg2[%add3A_135, %dma_wait3A_146] : memref<1024x4096xf32, #tpu.memory_space<hbm>> -> memref<1x4096xf32, #tpu.memory_space<hbm>>
    %dma_wait3A_148 = tpu.memref_squeeze %dma_wait3A_147 : memref<1x4096xf32, #tpu.memory_space<hbm>> -> memref<4096xf32, #tpu.memory_space<hbm>>
    tpu.wait_dma2 semaphore(%arg23 : memref<!tpu.dma_semaphore, #tpu.memory_space<semaphore_mem>>) src(%dma_wait3A_148 : memref<4096xf32, #tpu.memory_space<hbm>>) dst(%dma_wait3A_145 : memref<4096xf32, #tpu.memory_space<vmem>>)
    %add3A_149 = arith.constant 1 : i32
    %add3A_150 = arith.addi %mul3A_2, %add3A_149 : i32
    %dma_wait3A_151 = arith.constant 0 : i32
    %dma_wait3A_152 = tpu.memref_slice %arg6[%add3A_150, %dma_wait3A_151] : memref<1024x4096xf32, #tpu.memory_space<hbm>> -> memref<1x4096xf32, #tpu.memory_space<hbm>>
    %dma_wait3A_153 = tpu.memref_squeeze %dma_wait3A_152 : memref<1x4096xf32, #tpu.memory_space<hbm>> -> memref<4096xf32, #tpu.memory_space<hbm>>
    %dma_wait3A_154 = arith.constant 0 : i32
    %dma_wait3A_155 = tpu.memref_slice %arg6[%add3A_150, %dma_wait3A_154] : memref<1024x4096xf32, #tpu.memory_space<hbm>> -> memref<1x4096xf32, #tpu.memory_space<hbm>>
    %dma_wait3A_156 = tpu.memref_squeeze %dma_wait3A_155 : memref<1x4096xf32, #tpu.memory_space<hbm>> -> memref<4096xf32, #tpu.memory_space<hbm>>
    tpu.wait_dma2 semaphore(%arg24 : memref<!tpu.dma_semaphore, #tpu.memory_space<semaphore_mem>>) src(%arg12 : memref<4096xf32, #tpu.memory_space<vmem>>) dst(%dma_wait3A_156 : memref<4096xf32, #tpu.memory_space<hbm>>)
    %add3A_157 = arith.constant 1 : i32
    %add3A_158 = arith.addi %mul3A_2, %add3A_157 : i32
    %dma_wait3A_159 = arith.constant 1 : i32
    %dma_wait3A_160 = arith.constant 0 : i32
    %dma_wait3A_161 = tpu.memref_slice %arg19[%dma_wait3A_159, %dma_wait3A_160] : memref<8x4096xf32, #tpu.memory_space<vmem>> -> memref<1x4096xf32, #tpu.memory_space<vmem>>
    %dma_wait3A_162 = tpu.memref_squeeze %dma_wait3A_161 : memref<1x4096xf32, #tpu.memory_space<vmem>> -> memref<4096xf32, #tpu.memory_space<vmem>>
    %dma_wait3A_163 = arith.constant 0 : i32
    %dma_wait3A_164 = tpu.memref_slice %arg2[%add3A_158, %dma_wait3A_163] : memref<1024x4096xf32, #tpu.memory_space<hbm>> -> memref<1x4096xf32, #tpu.memory_space<hbm>>
    %dma_wait3A_165 = tpu.memref_squeeze %dma_wait3A_164 : memref<1x4096xf32, #tpu.memory_space<hbm>> -> memref<4096xf32, #tpu.memory_space<hbm>>
    %dma_wait3A_166 = arith.constant 0 : i32
    %dma_wait3A_167 = tpu.memref_slice %arg19[%dma_wait3A_159, %dma_wait3A_166] : memref<8x4096xf32, #tpu.memory_space<vmem>> -> memref<1x4096xf32, #tpu.memory_space<vmem>>
    %dma_wait3A_168 = tpu.memref_squeeze %dma_wait3A_167 : memref<1x4096xf32, #tpu.memory_space<vmem>> -> memref<4096xf32, #tpu.memory_space<vmem>>
    %dma_wait3A_169 = arith.constant 0 : i32
    %dma_wait3A_170 = tpu.memref_slice %arg2[%add3A_158, %dma_wait3A_169] : memref<1024x4096xf32, #tpu.memory_space<hbm>> -> memref<1x4096xf32, #tpu.memory_space<hbm>>
    %dma_wait3A_171 = tpu.memref_squeeze %dma_wait3A_170 : memref<1x4096xf32, #tpu.memory_space<hbm>> -> memref<4096xf32, #tpu.memory_space<hbm>>
    tpu.wait_dma2 semaphore(%arg23 : memref<!tpu.dma_semaphore, #tpu.memory_space<semaphore_mem>>) src(%dma_wait3A_171 : memref<4096xf32, #tpu.memory_space<hbm>>) dst(%dma_wait3A_168 : memref<4096xf32, #tpu.memory_space<vmem>>)
    %add3A_172 = arith.constant 2 : i32
    %add3A_173 = arith.addi %mul3A_2, %add3A_172 : i32
    %dma_wait3A_174 = arith.constant 0 : i32
    %dma_wait3A_175 = tpu.memref_slice %arg6[%add3A_173, %dma_wait3A_174] : memref<1024x4096xf32, #tpu.memory_space<hbm>> -> memref<1x4096xf32, #tpu.memory_space<hbm>>
    %dma_wait3A_176 = tpu.memref_squeeze %dma_wait3A_175 : memref<1x4096xf32, #tpu.memory_space<hbm>> -> memref<4096xf32, #tpu.memory_space<hbm>>
    %dma_wait3A_177 = arith.constant 0 : i32
    %dma_wait3A_178 = tpu.memref_slice %arg6[%add3A_173, %dma_wait3A_177] : memref<1024x4096xf32, #tpu.memory_space<hbm>> -> memref<1x4096xf32, #tpu.memory_space<hbm>>
    %dma_wait3A_179 = tpu.memref_squeeze %dma_wait3A_178 : memref<1x4096xf32, #tpu.memory_space<hbm>> -> memref<4096xf32, #tpu.memory_space<hbm>>
    tpu.wait_dma2 semaphore(%arg24 : memref<!tpu.dma_semaphore, #tpu.memory_space<semaphore_mem>>) src(%arg13 : memref<4096xf32, #tpu.memory_space<vmem>>) dst(%dma_wait3A_179 : memref<4096xf32, #tpu.memory_space<hbm>>)
    %add3A_180 = arith.constant 2 : i32
    %add3A_181 = arith.addi %mul3A_2, %add3A_180 : i32
    %dma_wait3A_182 = arith.constant 2 : i32
    %dma_wait3A_183 = arith.constant 0 : i32
    %dma_wait3A_184 = tpu.memref_slice %arg19[%dma_wait3A_182, %dma_wait3A_183] : memref<8x4096xf32, #tpu.memory_space<vmem>> -> memref<1x4096xf32, #tpu.memory_space<vmem>>
    %dma_wait3A_185 = tpu.memref_squeeze %dma_wait3A_184 : memref<1x4096xf32, #tpu.memory_space<vmem>> -> memref<4096xf32, #tpu.memory_space<vmem>>
    %dma_wait3A_186 = arith.constant 0 : i32
    %dma_wait3A_187 = tpu.memref_slice %arg2[%add3A_181, %dma_wait3A_186] : memref<1024x4096xf32, #tpu.memory_space<hbm>> -> memref<1x4096xf32, #tpu.memory_space<hbm>>
    %dma_wait3A_188 = tpu.memref_squeeze %dma_wait3A_187 : memref<1x4096xf32, #tpu.memory_space<hbm>> -> memref<4096xf32, #tpu.memory_space<hbm>>
    %dma_wait3A_189 = arith.constant 0 : i32
    %dma_wait3A_190 = tpu.memref_slice %arg19[%dma_wait3A_182, %dma_wait3A_189] : memref<8x4096xf32, #tpu.memory_space<vmem>> -> memref<1x4096xf32, #tpu.memory_space<vmem>>
    %dma_wait3A_191 = tpu.memref_squeeze %dma_wait3A_190 : memref<1x4096xf32, #tpu.memory_space<vmem>> -> memref<4096xf32, #tpu.memory_space<vmem>>
    %dma_wait3A_192 = arith.constant 0 : i32
    %dma_wait3A_193 = tpu.memref_slice %arg2[%add3A_181, %dma_wait3A_192] : memref<1024x4096xf32, #tpu.memory_space<hbm>> -> memref<1x4096xf32, #tpu.memory_space<hbm>>
    %dma_wait3A_194 = tpu.memref_squeeze %dma_wait3A_193 : memref<1x4096xf32, #tpu.memory_space<hbm>> -> memref<4096xf32, #tpu.memory_space<hbm>>
    tpu.wait_dma2 semaphore(%arg23 : memref<!tpu.dma_semaphore, #tpu.memory_space<semaphore_mem>>) src(%dma_wait3A_194 : memref<4096xf32, #tpu.memory_space<hbm>>) dst(%dma_wait3A_191 : memref<4096xf32, #tpu.memory_space<vmem>>)
    %add3A_195 = arith.constant 3 : i32
    %add3A_196 = arith.addi %mul3A_2, %add3A_195 : i32
    %dma_wait3A_197 = arith.constant 0 : i32
    %dma_wait3A_198 = tpu.memref_slice %arg6[%add3A_196, %dma_wait3A_197] : memref<1024x4096xf32, #tpu.memory_space<hbm>> -> memref<1x4096xf32, #tpu.memory_space<hbm>>
    %dma_wait3A_199 = tpu.memref_squeeze %dma_wait3A_198 : memref<1x4096xf32, #tpu.memory_space<hbm>> -> memref<4096xf32, #tpu.memory_space<hbm>>
    %dma_wait3A_200 = arith.constant 0 : i32
    %dma_wait3A_201 = tpu.memref_slice %arg6[%add3A_196, %dma_wait3A_200] : memref<1024x4096xf32, #tpu.memory_space<hbm>> -> memref<1x4096xf32, #tpu.memory_space<hbm>>
    %dma_wait3A_202 = tpu.memref_squeeze %dma_wait3A_201 : memref<1x4096xf32, #tpu.memory_space<hbm>> -> memref<4096xf32, #tpu.memory_space<hbm>>
    tpu.wait_dma2 semaphore(%arg24 : memref<!tpu.dma_semaphore, #tpu.memory_space<semaphore_mem>>) src(%arg14 : memref<4096xf32, #tpu.memory_space<vmem>>) dst(%dma_wait3A_202 : memref<4096xf32, #tpu.memory_space<hbm>>)
    %add3A_203 = arith.constant 3 : i32
    %add3A_204 = arith.addi %mul3A_2, %add3A_203 : i32
    %dma_wait3A_205 = arith.constant 3 : i32
    %dma_wait3A_206 = arith.constant 0 : i32
    %dma_wait3A_207 = tpu.memref_slice %arg19[%dma_wait3A_205, %dma_wait3A_206] : memref<8x4096xf32, #tpu.memory_space<vmem>> -> memref<1x4096xf32, #tpu.memory_space<vmem>>
    %dma_wait3A_208 = tpu.memref_squeeze %dma_wait3A_207 : memref<1x4096xf32, #tpu.memory_space<vmem>> -> memref<4096xf32, #tpu.memory_space<vmem>>
    %dma_wait3A_209 = arith.constant 0 : i32
    %dma_wait3A_210 = tpu.memref_slice %arg2[%add3A_204, %dma_wait3A_209] : memref<1024x4096xf32, #tpu.memory_space<hbm>> -> memref<1x4096xf32, #tpu.memory_space<hbm>>
    %dma_wait3A_211 = tpu.memref_squeeze %dma_wait3A_210 : memref<1x4096xf32, #tpu.memory_space<hbm>> -> memref<4096xf32, #tpu.memory_space<hbm>>
    %dma_wait3A_212 = arith.constant 0 : i32
    %dma_wait3A_213 = tpu.memref_slice %arg19[%dma_wait3A_205, %dma_wait3A_212] : memref<8x4096xf32, #tpu.memory_space<vmem>> -> memref<1x4096xf32, #tpu.memory_space<vmem>>
    %dma_wait3A_214 = tpu.memref_squeeze %dma_wait3A_213 : memref<1x4096xf32, #tpu.memory_space<vmem>> -> memref<4096xf32, #tpu.memory_space<vmem>>
    %dma_wait3A_215 = arith.constant 0 : i32
    %dma_wait3A_216 = tpu.memref_slice %arg2[%add3A_204, %dma_wait3A_215] : memref<1024x4096xf32, #tpu.memory_space<hbm>> -> memref<1x4096xf32, #tpu.memory_space<hbm>>
    %dma_wait3A_217 = tpu.memref_squeeze %dma_wait3A_216 : memref<1x4096xf32, #tpu.memory_space<hbm>> -> memref<4096xf32, #tpu.memory_space<hbm>>
    tpu.wait_dma2 semaphore(%arg23 : memref<!tpu.dma_semaphore, #tpu.memory_space<semaphore_mem>>) src(%dma_wait3A_217 : memref<4096xf32, #tpu.memory_space<hbm>>) dst(%dma_wait3A_214 : memref<4096xf32, #tpu.memory_space<vmem>>)
    %add3A_218 = arith.constant 4 : i32
    %add3A_219 = arith.addi %mul3A_2, %add3A_218 : i32
    %dma_wait3A_220 = arith.constant 0 : i32
    %dma_wait3A_221 = tpu.memref_slice %arg6[%add3A_219, %dma_wait3A_220] : memref<1024x4096xf32, #tpu.memory_space<hbm>> -> memref<1x4096xf32, #tpu.memory_space<hbm>>
    %dma_wait3A_222 = tpu.memref_squeeze %dma_wait3A_221 : memref<1x4096xf32, #tpu.memory_space<hbm>> -> memref<4096xf32, #tpu.memory_space<hbm>>
    %dma_wait3A_223 = arith.constant 0 : i32
    %dma_wait3A_224 = tpu.memref_slice %arg6[%add3A_219, %dma_wait3A_223] : memref<1024x4096xf32, #tpu.memory_space<hbm>> -> memref<1x4096xf32, #tpu.memory_space<hbm>>
    %dma_wait3A_225 = tpu.memref_squeeze %dma_wait3A_224 : memref<1x4096xf32, #tpu.memory_space<hbm>> -> memref<4096xf32, #tpu.memory_space<hbm>>
    tpu.wait_dma2 semaphore(%arg24 : memref<!tpu.dma_semaphore, #tpu.memory_space<semaphore_mem>>) src(%arg15 : memref<4096xf32, #tpu.memory_space<vmem>>) dst(%dma_wait3A_225 : memref<4096xf32, #tpu.memory_space<hbm>>)
    %add3A_226 = arith.constant 4 : i32
    %add3A_227 = arith.addi %mul3A_2, %add3A_226 : i32
    %dma_wait3A_228 = arith.constant 4 : i32
    %dma_wait3A_229 = arith.constant 0 : i32
    %dma_wait3A_230 = tpu.memref_slice %arg19[%dma_wait3A_228, %dma_wait3A_229] : memref<8x4096xf32, #tpu.memory_space<vmem>> -> memref<1x4096xf32, #tpu.memory_space<vmem>>
    %dma_wait3A_231 = tpu.memref_squeeze %dma_wait3A_230 : memref<1x4096xf32, #tpu.memory_space<vmem>> -> memref<4096xf32, #tpu.memory_space<vmem>>
    %dma_wait3A_232 = arith.constant 0 : i32
    %dma_wait3A_233 = tpu.memref_slice %arg2[%add3A_227, %dma_wait3A_232] : memref<1024x4096xf32, #tpu.memory_space<hbm>> -> memref<1x4096xf32, #tpu.memory_space<hbm>>
    %dma_wait3A_234 = tpu.memref_squeeze %dma_wait3A_233 : memref<1x4096xf32, #tpu.memory_space<hbm>> -> memref<4096xf32, #tpu.memory_space<hbm>>
    %dma_wait3A_235 = arith.constant 0 : i32
    %dma_wait3A_236 = tpu.memref_slice %arg19[%dma_wait3A_228, %dma_wait3A_235] : memref<8x4096xf32, #tpu.memory_space<vmem>> -> memref<1x4096xf32, #tpu.memory_space<vmem>>
    %dma_wait3A_237 = tpu.memref_squeeze %dma_wait3A_236 : memref<1x4096xf32, #tpu.memory_space<vmem>> -> memref<4096xf32, #tpu.memory_space<vmem>>
    %dma_wait3A_238 = arith.constant 0 : i32
    %dma_wait3A_239 = tpu.memref_slice %arg2[%add3A_227, %dma_wait3A_238] : memref<1024x4096xf32, #tpu.memory_space<hbm>> -> memref<1x4096xf32, #tpu.memory_space<hbm>>
    %dma_wait3A_240 = tpu.memref_squeeze %dma_wait3A_239 : memref<1x4096xf32, #tpu.memory_space<hbm>> -> memref<4096xf32, #tpu.memory_space<hbm>>
    tpu.wait_dma2 semaphore(%arg23 : memref<!tpu.dma_semaphore, #tpu.memory_space<semaphore_mem>>) src(%dma_wait3A_240 : memref<4096xf32, #tpu.memory_space<hbm>>) dst(%dma_wait3A_237 : memref<4096xf32, #tpu.memory_space<vmem>>)
    %add3A_241 = arith.constant 5 : i32
    %add3A_242 = arith.addi %mul3A_2, %add3A_241 : i32
    %dma_wait3A_243 = arith.constant 0 : i32
    %dma_wait3A_244 = tpu.memref_slice %arg6[%add3A_242, %dma_wait3A_243] : memref<1024x4096xf32, #tpu.memory_space<hbm>> -> memref<1x4096xf32, #tpu.memory_space<hbm>>
    %dma_wait3A_245 = tpu.memref_squeeze %dma_wait3A_244 : memref<1x4096xf32, #tpu.memory_space<hbm>> -> memref<4096xf32, #tpu.memory_space<hbm>>
    %dma_wait3A_246 = arith.constant 0 : i32
    %dma_wait3A_247 = tpu.memref_slice %arg6[%add3A_242, %dma_wait3A_246] : memref<1024x4096xf32, #tpu.memory_space<hbm>> -> memref<1x4096xf32, #tpu.memory_space<hbm>>
    %dma_wait3A_248 = tpu.memref_squeeze %dma_wait3A_247 : memref<1x4096xf32, #tpu.memory_space<hbm>> -> memref<4096xf32, #tpu.memory_space<hbm>>
    tpu.wait_dma2 semaphore(%arg24 : memref<!tpu.dma_semaphore, #tpu.memory_space<semaphore_mem>>) src(%arg16 : memref<4096xf32, #tpu.memory_space<vmem>>) dst(%dma_wait3A_248 : memref<4096xf32, #tpu.memory_space<hbm>>)
    %add3A_249 = arith.constant 5 : i32
    %add3A_250 = arith.addi %mul3A_2, %add3A_249 : i32
    %dma_wait3A_251 = arith.constant 5 : i32
    %dma_wait3A_252 = arith.constant 0 : i32
    %dma_wait3A_253 = tpu.memref_slice %arg19[%dma_wait3A_251, %dma_wait3A_252] : memref<8x4096xf32, #tpu.memory_space<vmem>> -> memref<1x4096xf32, #tpu.memory_space<vmem>>
    %dma_wait3A_254 = tpu.memref_squeeze %dma_wait3A_253 : memref<1x4096xf32, #tpu.memory_space<vmem>> -> memref<4096xf32, #tpu.memory_space<vmem>>
    %dma_wait3A_255 = arith.constant 0 : i32
    %dma_wait3A_256 = tpu.memref_slice %arg2[%add3A_250, %dma_wait3A_255] : memref<1024x4096xf32, #tpu.memory_space<hbm>> -> memref<1x4096xf32, #tpu.memory_space<hbm>>
    %dma_wait3A_257 = tpu.memref_squeeze %dma_wait3A_256 : memref<1x4096xf32, #tpu.memory_space<hbm>> -> memref<4096xf32, #tpu.memory_space<hbm>>
    %dma_wait3A_258 = arith.constant 0 : i32
    %dma_wait3A_259 = tpu.memref_slice %arg19[%dma_wait3A_251, %dma_wait3A_258] : memref<8x4096xf32, #tpu.memory_space<vmem>> -> memref<1x4096xf32, #tpu.memory_space<vmem>>
    %dma_wait3A_260 = tpu.memref_squeeze %dma_wait3A_259 : memref<1x4096xf32, #tpu.memory_space<vmem>> -> memref<4096xf32, #tpu.memory_space<vmem>>
    %dma_wait3A_261 = arith.constant 0 : i32
    %dma_wait3A_262 = tpu.memref_slice %arg2[%add3A_250, %dma_wait3A_261] : memref<1024x4096xf32, #tpu.memory_space<hbm>> -> memref<1x4096xf32, #tpu.memory_space<hbm>>
    %dma_wait3A_263 = tpu.memref_squeeze %dma_wait3A_262 : memref<1x4096xf32, #tpu.memory_space<hbm>> -> memref<4096xf32, #tpu.memory_space<hbm>>
    tpu.wait_dma2 semaphore(%arg23 : memref<!tpu.dma_semaphore, #tpu.memory_space<semaphore_mem>>) src(%dma_wait3A_263 : memref<4096xf32, #tpu.memory_space<hbm>>) dst(%dma_wait3A_260 : memref<4096xf32, #tpu.memory_space<vmem>>)
    %add3A_264 = arith.constant 6 : i32
    %add3A_265 = arith.addi %mul3A_2, %add3A_264 : i32
    %dma_wait3A_266 = arith.constant 0 : i32
    %dma_wait3A_267 = tpu.memref_slice %arg6[%add3A_265, %dma_wait3A_266] : memref<1024x4096xf32, #tpu.memory_space<hbm>> -> memref<1x4096xf32, #tpu.memory_space<hbm>>
    %dma_wait3A_268 = tpu.memref_squeeze %dma_wait3A_267 : memref<1x4096xf32, #tpu.memory_space<hbm>> -> memref<4096xf32, #tpu.memory_space<hbm>>
    %dma_wait3A_269 = arith.constant 0 : i32
    %dma_wait3A_270 = tpu.memref_slice %arg6[%add3A_265, %dma_wait3A_269] : memref<1024x4096xf32, #tpu.memory_space<hbm>> -> memref<1x4096xf32, #tpu.memory_space<hbm>>
    %dma_wait3A_271 = tpu.memref_squeeze %dma_wait3A_270 : memref<1x4096xf32, #tpu.memory_space<hbm>> -> memref<4096xf32, #tpu.memory_space<hbm>>
    tpu.wait_dma2 semaphore(%arg24 : memref<!tpu.dma_semaphore, #tpu.memory_space<semaphore_mem>>) src(%arg17 : memref<4096xf32, #tpu.memory_space<vmem>>) dst(%dma_wait3A_271 : memref<4096xf32, #tpu.memory_space<hbm>>)
    %add3A_272 = arith.constant 6 : i32
    %add3A_273 = arith.addi %mul3A_2, %add3A_272 : i32
    %dma_wait3A_274 = arith.constant 6 : i32
    %dma_wait3A_275 = arith.constant 0 : i32
    %dma_wait3A_276 = tpu.memref_slice %arg19[%dma_wait3A_274, %dma_wait3A_275] : memref<8x4096xf32, #tpu.memory_space<vmem>> -> memref<1x4096xf32, #tpu.memory_space<vmem>>
    %dma_wait3A_277 = tpu.memref_squeeze %dma_wait3A_276 : memref<1x4096xf32, #tpu.memory_space<vmem>> -> memref<4096xf32, #tpu.memory_space<vmem>>
    %dma_wait3A_278 = arith.constant 0 : i32
    %dma_wait3A_279 = tpu.memref_slice %arg2[%add3A_273, %dma_wait3A_278] : memref<1024x4096xf32, #tpu.memory_space<hbm>> -> memref<1x4096xf32, #tpu.memory_space<hbm>>
    %dma_wait3A_280 = tpu.memref_squeeze %dma_wait3A_279 : memref<1x4096xf32, #tpu.memory_space<hbm>> -> memref<4096xf32, #tpu.memory_space<hbm>>
    %dma_wait3A_281 = arith.constant 0 : i32
    %dma_wait3A_282 = tpu.memref_slice %arg19[%dma_wait3A_274, %dma_wait3A_281] : memref<8x4096xf32, #tpu.memory_space<vmem>> -> memref<1x4096xf32, #tpu.memory_space<vmem>>
    %dma_wait3A_283 = tpu.memref_squeeze %dma_wait3A_282 : memref<1x4096xf32, #tpu.memory_space<vmem>> -> memref<4096xf32, #tpu.memory_space<vmem>>
    %dma_wait3A_284 = arith.constant 0 : i32
    %dma_wait3A_285 = tpu.memref_slice %arg2[%add3A_273, %dma_wait3A_284] : memref<1024x4096xf32, #tpu.memory_space<hbm>> -> memref<1x4096xf32, #tpu.memory_space<hbm>>
    %dma_wait3A_286 = tpu.memref_squeeze %dma_wait3A_285 : memref<1x4096xf32, #tpu.memory_space<hbm>> -> memref<4096xf32, #tpu.memory_space<hbm>>
    tpu.wait_dma2 semaphore(%arg23 : memref<!tpu.dma_semaphore, #tpu.memory_space<semaphore_mem>>) src(%dma_wait3A_286 : memref<4096xf32, #tpu.memory_space<hbm>>) dst(%dma_wait3A_283 : memref<4096xf32, #tpu.memory_space<vmem>>)
    %add3A_287 = arith.constant 7 : i32
    %add3A_288 = arith.addi %mul3A_2, %add3A_287 : i32
    %dma_wait3A_289 = arith.constant 0 : i32
    %dma_wait3A_290 = tpu.memref_slice %arg6[%add3A_288, %dma_wait3A_289] : memref<1024x4096xf32, #tpu.memory_space<hbm>> -> memref<1x4096xf32, #tpu.memory_space<hbm>>
    %dma_wait3A_291 = tpu.memref_squeeze %dma_wait3A_290 : memref<1x4096xf32, #tpu.memory_space<hbm>> -> memref<4096xf32, #tpu.memory_space<hbm>>
    %dma_wait3A_292 = arith.constant 0 : i32
    %dma_wait3A_293 = tpu.memref_slice %arg6[%add3A_288, %dma_wait3A_292] : memref<1024x4096xf32, #tpu.memory_space<hbm>> -> memref<1x4096xf32, #tpu.memory_space<hbm>>
    %dma_wait3A_294 = tpu.memref_squeeze %dma_wait3A_293 : memref<1x4096xf32, #tpu.memory_space<hbm>> -> memref<4096xf32, #tpu.memory_space<hbm>>
    tpu.wait_dma2 semaphore(%arg24 : memref<!tpu.dma_semaphore, #tpu.memory_space<semaphore_mem>>) src(%arg18 : memref<4096xf32, #tpu.memory_space<vmem>>) dst(%dma_wait3A_294 : memref<4096xf32, #tpu.memory_space<hbm>>)
    %add3A_295 = arith.constant 7 : i32
    %add3A_296 = arith.addi %mul3A_2, %add3A_295 : i32
    %dma_wait3A_297 = arith.constant 7 : i32
    %dma_wait3A_298 = arith.constant 0 : i32
    %dma_wait3A_299 = tpu.memref_slice %arg19[%dma_wait3A_297, %dma_wait3A_298] : memref<8x4096xf32, #tpu.memory_space<vmem>> -> memref<1x4096xf32, #tpu.memory_space<vmem>>
    %dma_wait3A_300 = tpu.memref_squeeze %dma_wait3A_299 : memref<1x4096xf32, #tpu.memory_space<vmem>> -> memref<4096xf32, #tpu.memory_space<vmem>>
    %dma_wait3A_301 = arith.constant 0 : i32
    %dma_wait3A_302 = tpu.memref_slice %arg2[%add3A_296, %dma_wait3A_301] : memref<1024x4096xf32, #tpu.memory_space<hbm>> -> memref<1x4096xf32, #tpu.memory_space<hbm>>
    %dma_wait3A_303 = tpu.memref_squeeze %dma_wait3A_302 : memref<1x4096xf32, #tpu.memory_space<hbm>> -> memref<4096xf32, #tpu.memory_space<hbm>>
    %dma_wait3A_304 = arith.constant 0 : i32
    %dma_wait3A_305 = tpu.memref_slice %arg19[%dma_wait3A_297, %dma_wait3A_304] : memref<8x4096xf32, #tpu.memory_space<vmem>> -> memref<1x4096xf32, #tpu.memory_space<vmem>>
    %dma_wait3A_306 = tpu.memref_squeeze %dma_wait3A_305 : memref<1x4096xf32, #tpu.memory_space<vmem>> -> memref<4096xf32, #tpu.memory_space<vmem>>
    %dma_wait3A_307 = arith.constant 0 : i32
    %dma_wait3A_308 = tpu.memref_slice %arg2[%add3A_296, %dma_wait3A_307] : memref<1024x4096xf32, #tpu.memory_space<hbm>> -> memref<1x4096xf32, #tpu.memory_space<hbm>>
    %dma_wait3A_309 = tpu.memref_squeeze %dma_wait3A_308 : memref<1x4096xf32, #tpu.memory_space<hbm>> -> memref<4096xf32, #tpu.memory_space<hbm>>
    tpu.wait_dma2 semaphore(%arg23 : memref<!tpu.dma_semaphore, #tpu.memory_space<semaphore_mem>>) src(%dma_wait3A_309 : memref<4096xf32, #tpu.memory_space<hbm>>) dst(%dma_wait3A_306 : memref<4096xf32, #tpu.memory_space<vmem>>)
    return
  }
}

</mosaic_0001>

<sc_bundles>
// kernel: kernel.3.cloned.1.call-start
scs
__scs_entry_jumppad:
0x0: {  	(pc) =	sbr.rel $0x88, $3  }
0x1: {  	(tag) =	ssettag $0x0;
	lr =	simm.s32 $0x1  }
0x2: {  	[smem:$0x3F9C] =	sst lr;
	_ =	strace $0xD0000000  }
0x3: {  	_ = 	snop  }
0x4: {  	_ = 	snop  }
0x5: {  	_ = 	snop  }
0x6: {  	_ = 	snop  }
0x7: {  	_ = 	snop  }
__scs_overlays_trampoline_lowered:
0x8: {  	[smem:$0x3FAB] =	sst s0  }
0x9: {  	[smem:$0x3FAC] =	sst s1  }
0xa: {  	[smem:$0x3FAD] =	sst s2  }
0xb: {  	[smem:$0x3FAE] =	sst s3  }
0xc: {  	[smem:$0x3FAF] =	sst s4  }
0xd: {  	[smem:$0x3FB0] =	sst s5  }
0xe: {  	[smem:$0x3FB1] =	sst s6  }
0xf: {  	[smem:$0x3FB2] =	sst s7  }
0x10: {  	[smem:$0x3FB3] =	sst s8  }
0x11: {  	[smem:$0x3FB4] =	sst s9;
	s0 =	simm.s32 @!p0 $0x0  }
0x12: {  	s1 =	sld [smem:$0x3F9A];
	s0 =	simm.s32 @p0 $0x1  }
0x13: {  	[smem:$0x3FB5] =	sst s0;
	s0 =	simm.s32 @!p1 $0x0  }
0x14: {  	s2 =	sld [smem:$0x3F99];
	s0 =	simm.s32 @p1 $0x1  }
0x15: {  	[smem:$0x3FB6] =	sst s0;
	s0 =	simm.s32 @!p2 $0x0  }
0x16: {  	s3 =	sld [smem:$0x3FDB];
	s0 =	simm.s32 @p2 $0x1  }
0x17: {  	s4 =	simm.s32 $0x1BF5;
	[smem:$0x3FB8] =	sst s0  }
0x18: {  	s0 =	sld [smem:$0x3F9B];
	_ =	swait.ge [sflag:s4], $0x0  }
0x19: {  	s7 =	sld [smem:$0x3F9C]  }
0x1a: {  	s8 =	sadd.s32 $0xFFFFE003, lr  }
0x1b: {  	s9 =	sadd.s32 $0xFFFFFEF7, lr;
	s5 =	simm.s32 $0xFFFFFFFF;
	p2 =	slt.u32 s8, $0xFFFFF086  }
0x1c: {  	p1 =	slt.u32 s9, $0xF7A;
	s5 =	simm.s32 @!p2 $0x0  }
0x1d: {  	s5 =	simm.s32 @p1 $0x1;
	p0 =	seq.s32 s7, s2  }
0x1e: {  	s7 =	smul.u32 @!p0 $0xF7A, s2;
	p2 =	seq.s32 @!p0 s5, $0x0  }
0x1f: {  	s9 =	smul.u32 $0xF7A, s1;
	s8 =	simm.s32 @!p0 $0x1BF5;
	p2 =	por !p2, p0  }
0x20: {  	[sflag:s8] =	ssyncset.s32 @!p0 $0xFFFFF086;
	s6 =	sadd.s32 @!p0 s3, s7;
	s7 =	simm.s32 @!p0 $0x108  }
0x21: {  	s3 =	sadd.s32 s3, s9;
	s6 =	sadd.s32 @!p0 $0x88, s6;
	s7 =	simm.s32 @p2 $0x1082  }
0x22: {  	[simem:s7], [sflag:s8] =	dma.local @!p0 [hbm:s6], $0xF7A  }
0x23: {  	s9 =	sor.u32 $0xD0000000, s2;
	s6 =	simm.s32 $0x108;
	_ =	swait.ge @!p0 [sflag:s8], $0x0  }
0x24: {  	s3 =	sadd.s32 $0x88, s3;
	s6 =	simm.s32 @!p1 $0x1082;
	[sflag:s4] =	ssyncset.s32 $0xFFFFF086  }
0x25: {  	[simem:s6], [sflag:s4] =	dma.local [hbm:s3], $0xF7A  }
0x26: {  	[smem:$0x3F9C] =	sst s1;
	(tag) =	ssettag s2;
	_ =	strace s9  }
0x27: {  	s1 =	sld [smem:$0x3FAC]  }
0x28: {  	s2 =	sld [smem:$0x3FAD]  }
0x29: {  	s4 =	sld [smem:$0x3FAF]  }
0x2a: {  	p0 =	seq.s32 s5, $0x0;
	s5 =	sld [smem:$0x3FB0]  }
0x2b: {  	s6 =	sld [smem:$0x3FB1]  }
0x2c: {  	s7 =	sld [smem:$0x3FB2]  }
0x2d: {  	s3 =	simm.s32 $0x108;
	s8 =	sld [smem:$0x3FB3]  }
0x2e: {  	s3 =	simm.s32 @!p0 $0x1082;
	s9 =	sld [smem:$0x3FB4]  }
0x2f: {  	lr =	sadd.s32 s0, s3;
	s0 =	sld [smem:$0x3FAB]  }
0x30: {  	s3 =	sld [smem:$0x3FAE]  }
0x31: {  	[smem:$0x3FB7] =	sst s10  }
0x32: {  	s10 =	sld [smem:$0x3FB5];
	_ =	sdelay $0x3  }
0x33: {  	p0 =	seq.s32 s10, $0x1;
	s10 =	sld [smem:$0x3FB7];
	_ =	sdelay $0x3  }
0x34: {  	[smem:$0x3FB7] =	sst s10  }
0x35: {  	s10 =	sld [smem:$0x3FB6];
	_ =	sdelay $0x3  }
0x36: {  	p1 =	seq.s32 s10, $0x1;
	s10 =	sld [smem:$0x3FB7];
	_ =	sdelay $0x3  }
0x37: {  	[smem:$0x3FB7] =	sst s10  }
0x38: {  	s10 =	sld [smem:$0x3FB8]  }
0x39: {  	_ = 	snop;
	(pc) =	sbr.ind lr, $3  }
0x3a: {  	_ = 	snop  }
0x3b: {  	_ = 	snop  }
0x3c: {  	p2 =	seq.s32 s10, $0x1;
	s10 =	sld [smem:$0x3FB7]  }
0x3d: {  	_ =	shalt  }
0x3e: {  	_ =	shalt  }
0x3f: {  	_ =	shalt  }
0x40: {  	_ =	shalt  }
0x41: {  	_ =	shalt  }
0x42: {  	_ =	shalt  }
0x43: {  	_ =	shalt  }
0x44: {  	_ =	shalt  }
0x45: {  	_ =	shalt  }
0x46: {  	_ =	shalt  }
0x47: {  	_ =	shalt  }
0x48: {  	_ =	shalt  }
0x49: {  	_ =	shalt  }
0x4a: {  	_ =	shalt  }
0x4b: {  	_ =	shalt  }
0x4c: {  	_ =	shalt  }
0x4d: {  	_ =	shalt  }
0x4e: {  	_ =	shalt  }
0x4f: {  	_ =	shalt  }
0x50: {  	_ =	shalt  }
0x51: {  	_ =	shalt  }
0x52: {  	_ =	shalt  }
0x53: {  	_ =	shalt  }
0x54: {  	_ =	shalt  }
0x55: {  	_ =	shalt  }
0x56: {  	_ =	shalt  }
0x57: {  	_ =	shalt  }
0x58: {  	_ =	shalt  }
0x59: {  	_ =	shalt  }
0x5a: {  	_ =	shalt  }
0x5b: {  	_ =	shalt  }
0x5c: {  	_ =	shalt  }
0x5d: {  	_ =	shalt  }
0x5e: {  	_ =	shalt  }
0x5f: {  	_ =	shalt  }
0x60: {  	_ =	shalt  }
0x61: {  	_ =	shalt  }
0x62: {  	_ =	shalt  }
0x63: {  	_ =	shalt  }
0x64: {  	_ =	shalt  }
0x65: {  	_ =	shalt  }
0x66: {  	_ =	shalt  }
0x67: {  	_ =	shalt  }
0x68: {  	_ =	shalt  }
0x69: {  	_ =	shalt  }
0x6a: {  	_ =	shalt  }
0x6b: {  	_ =	shalt  }
0x6c: {  	_ =	shalt  }
0x6d: {  	_ =	shalt  }
0x6e: {  	_ =	shalt  }
0x6f: {  	_ =	shalt  }
0x70: {  	_ =	shalt  }
0x71: {  	_ =	shalt  }
0x72: {  	_ =	shalt  }
0x73: {  	_ =	shalt  }
0x74: {  	_ =	shalt  }
0x75: {  	_ =	shalt  }
0x76: {  	_ =	shalt  }
0x77: {  	_ =	shalt  }
0x78: {  	_ =	shalt  }
0x79: {  	_ =	shalt  }
0x7a: {  	_ =	shalt  }
0x7b: {  	_ =	shalt  }
0x7c: {  	_ =	shalt  }
0x7d: {  	_ =	shalt  }
0x7e: {  	_ =	shalt  }
0x7f: {  	_ =	shalt  }
0x80: {  	_ =	shalt  }
0x81: {  	_ =	shalt  }
0x82: {  	_ =	shalt  }
0x83: {  	_ =	shalt  }
0x84: {  	_ =	shalt  }
0x85: {  	_ =	shalt  }
0x86: {  	_ =	shalt  }
0x87: {  	_ =	shalt  }
.Lfunc_end0:
.L_simem_size_0:
called_computation_lowered:
.L_overlay_start_0:
0x88: {  	s2 =	sld [smem:$0x3FD9]  }
0x89: {  	s3 =	sld [smem:$0x3FFE];
	_ =	sdelay $0x1  }
0x8a: {  	s1 =	srdreg.scid  }
0x8b: {  	s0 =	sand.u32 $0x1, s1  }
0x8c: {  	s17 =	sshll.u32 s0, $0xA;
	s2 =	sadd.s32 s3, s2  }
0x8d: {  	s2 =	sadd.s32 s2, s17  }
0x8e: {  	[smem:$0x3FC3] =	sst s2  }
0x8f: {  	_ = 	snop  }
0x90: {  	s2 =	sld [smem:$0x3FC9]  }
0x91: {  	s18 =	sld [smem:$0x3FD0];
	(tm) =	ssettm $0x1  }
0x92: {  	s4 =	sld [smem:$0x3FFB];
	_ =	sdelay $0x3  }
0x93: {  	_ =	strace s4  }
0x94: {  	s4 =	sld [smem:$0x3FFC];
	_ =	sdelay $0x3  }
0x95: {  	_ =	strace s4  }
0x96: {  	s4 =	sld [smem:$0x3FFD];
	_ =	sdelay $0x3  }
0x97: {  	_ =	strace s4  }
0x98: {  	_ =	strace $0x8FFFFFFF  }
0x99: {  	s19 =	sld [smem:$0x3FDB];
	_ =	sdelay $0x1  }
0x9a: {  	s5 =	simm.s32 $_scs_section_size  }
0x9b: {  	s6 =	simm.s32 $_size__tile_overlayer_lowered;
	s7 =	simm.s32 $_tile_overlayer_lowered  }
0x9c: {  	s22 =	simm.s32 $0x1BFF;
	s21 =	sshll.u32 s7, $0x1;
	s4 =	sadd.s32 s5, s19  }
0x9d: {  	s8 =	simm.s32 $0x0;
	s20 =	sshll.u32 s6, $0x1;
	s6 =	sadd.s32 s21, s4  }
0x9e: {  	[timem:s8], [sflag:s22] =	dma.local [hbm:s6], s20  }
0x9f: {  	_ =	swait.ge [sflag:s22], s20  }
0xa0: {  	s5 =	ssub.s32 $0x0, s20;
	[sflag:s22] =	ssyncset.done $0x0  }
0xa1: {  	[sflag:s22] =	ssyncadd.s32 s5;
	_ =	sdelay $0x1  }
0xa2: {  	s23 =	simm.s32 $0x1B8B  }
0xa3: {  	_ =	swait.ge [sflag:s23], $0x1  }
0xa4: {  	[sflag:s23] =	ssyncset.done $0x0  }
0xa5: {  	s25 =	simm.s32 $0x1B8E;
	s24 =	sld [smem:$0x3FFE];
	[sflag:s23] =	ssyncadd.s32 $0xFFFFFFFF  }
0xa6: {  	s26 =	simm.s32 $execute0_lowered;
	[smem:$0x3FD2] =	sst s25  }
0xa7: {  	s6 =	sshll.u32 s26, $0x1;
	_ =	strace $0x80000046;
	[dreg:$0x1] =	wrdreg $0xFFFFFFFF  }
0xa8: {  	s28 =	simm.s32 $_size_execute0_lowered;
	s4 =	sadd.s32 s4, s6;
	[dreg:$0x0] =	wrdreg $0x0  }
0xa9: {  	s6 =	sshll.u32 s28, $0x1;
	[dreg:$0x2] =	wrdreg s4  }
0xaa: {  	[dreg:$0x3] =	wrdreg s6  }
0xab: {  	[dreg:$0x4] =	wrdreg $0xC0  }
0xac: {  	_ =	task [dreg:s8], $0x5FFFF  }
0xad: {  	[dreg:$0x1] =	wrdreg $0xFFFFFFFF  }
0xae: {  	[dreg:$0x0] =	wrdreg $0x60  }
0xaf: {  	[dreg:$0x2] =	wrdreg s2  }
0xb0: {  	[dreg:$0x3] =	wrdreg s24  }
0xb1: {  	[dreg:$0x4] =	wrdreg s18  }
0xb2: {  	[dreg:$0x5] =	wrdreg $0x9  }
0xb3: {  	_ =	task.clear_ibuf [dreg:s8], $0x6FFFF;
	_ =	strace $0x90000046  }
0xb4: {  	s29 =	simm.s32 $0x9;
	_ =	strace $0x80000048  }
0xb5: {  	_ =	swait.ge [sflag:s29], $0x1  }
0xb6: {  	[sflag:s29] =	ssyncadd.s32 $0xFFFFFFFF  }
0xb7: {  	_ =	strace $0x90000048  }
0xb8: {  	_ =	sfence  }
0xb9: {  	s30 =	sld [smem:$0x0];
	_ =	sdelay $0x2  }
0xba: {  	s31 =	sshll.u32 s1, $0xD;
	s1 =	sshrl.u32 s1, $0x2  }
0xbb: {  	s3 =	sand.u32 $0x4000, s31;
	s1 =	sadd.s32 s1, s30  }
0xbc: {  	s0 =	sor.u32 s3, s0;
	s1 =	sshll.u32 s1, $0x11  }
0xbd: {  	s0 =	sor.u32 s1, s0  }
0xbe: {  	s0 =	sadd.s32 $0x8F2B, s0  }
0xbf: {  	[sflag:s0] =	ssyncadd.remote.s32 $0x1  }
0xc0: {  	_ =	sfence.sel $0xFFFF  }
0xc1: {  	[dreg:$0x0] =	wrdreg $0xFFFFFFFF;
	(pc) =	sbr.abs _section_cstart, $3  }
0xc2: {  	[dreg:$0x1] =	wrdreg $0xFFFFFFFF  }
0xc3: {  	_ =	task.clear_ibuf [dreg:s8], $0x2FFFF;
	_ =	strace $0x9FFFFFFF  }
0xc4: {  	(tm) =	ssettm $0x7FFFFFFF  }
0xc5: {  	_ =	shalt  }
tec
execute0_lowered:
.L_overlay_start_1:
0x0: {  	(tag) =	ssettag $0x1  }
0x1: {  	s5 =	rddreg [dreg:$0x0]  }
0x2: {  	s0 =	rddreg [dreg:$0x1]  }
0x3: {  	s6 =	rddreg [dreg:$0x2];
	s3 =	simm.s32 $0x0  }
0x4: {  	[smem:$0x7FF] =	sst s3;
	s2 =	sadd.s32 $0x1000, s0  }
0x5: {  	s16 =	sadd.s32 $0x800, s0;
	_ =	strace $0x80000047;
	[dreg:$0x4] =	wrdreg s2  }
0x6: {  	s0 =	sadd.s32 $0x600, s0;
	[dreg:$0x5] =	wrdreg s16  }
0x7: {  	s19 =	sadd.s32 $0x10, s5;
	[dreg:$0x6] =	wrdreg s0  }
0x8: {  	s20 =	sadd.s32 $0x20, s5;
	[dreg:$0x8] =	wrdreg s19  }
0x9: {  	s21 =	sadd.s32 $0x30, s5;
	[dreg:$0xb] =	wrdreg s20  }
0xa: {  	s7 =	sadd.s32 $0x40, s5;
	[dreg:$0xd] =	wrdreg s21  }
0xb: {  	s22 =	sadd.s32 $0x50, s5;
	[dreg:$0xe] =	wrdreg s7  }
0xc: {  	s23 =	sadd.s32 $0x60, s5;
	[dreg:$0xf] =	wrdreg s22  }
0xd: {  	s24 =	sadd.s32 $0x10, s6;
	[dreg:$0x10] =	wrdreg s23  }
0xe: {  	s1 =	srdreg.scid;
	s25 =	sadd.s32 $0x20, s6;
	[dreg:$0x12] =	wrdreg s24  }
0xf: {  	s4 =	stileid.u32;
	s26 =	sadd.s32 $0x30, s6;
	[dreg:$0x14] =	wrdreg s25  }
0x10: {  	s1 =	sand.u32 $0x1, s1;
	s28 =	sadd.s32 $0x40, s6;
	[dreg:$0x15] =	wrdreg s26  }
0x11: {  	s4 =	sshll.u32 s4, $0xF;
	s29 =	sadd.s32 $0x50, s6;
	[dreg:$0x16] =	wrdreg s28  }
0x12: {  	s30 =	sadd.s32 $0x60, s6;
	s31 =	sadd.s32 $0x70, s6;
	[dreg:$0x17] =	wrdreg s29  }
0x13: {  	s6 =	simm.s32 $0x1000;
	s17 =	ssub.s32 $0x2, s1;
	[dreg:$0x18] =	wrdreg s30  }
0x14: {  	s1 =	sshll.u32 s1, $0xE;
	[dreg:$0x19] =	wrdreg s31;
	s25 =	simm.s32 $0x3000  }
0x15: {  	s2 =	simm.s32 $0x0;
	s18 =	sshrl.u32 s17, $0x1;
	s4 =	sor.u32 s1, s4  }
0x16: {  	s8 =	sadd.s32 s5, s4;
	s5 =	sadd.s32 $0x70, s5;
	[dreg:$0x7] =	wrdreg s4  }
0x17: {  	s0 =	ssub.s32 s17, s18;
	s1 =	sadd.s32 s4, s19;
	[dreg:$0x11] =	wrdreg s5  }
0x18: {  	s10 =	sadd.s32 s4, s20;
	s16 =	sadd.s32 s4, s21;
	[dreg:$0x9] =	wrdreg s8  }
0x19: {  	s17 =	sadd.s32 s4, s7;
	s19 =	sadd.s32 s4, s22;
	[dreg:$0xa] =	wrdreg s1  }
0x1a: {  	s22 =	sadd.s32 s4, s23;
	s0 =	smax.u32 s0, $0x1;
	[dreg:$0xc] =	wrdreg s10  }
0x1b: {  	v0 =	vimm.bf16 $1.4450e+00;
	v1 =	vimm.bf16 $1.0000e+00;
	s7 =	simm.s32 $0x2000;
	s23 =	sadd.s32 s4, s5;
	[dreg:$0x13] =	wrdreg s0  }
.LBB2_1:
0x1c: {  	[dreg:$0x1a] =	wrdreg s2;
	s0 =	simm.s32 $0xC000  }
0x1d: {  	s2 =	simm.s32 $0x80;
	s12 =	sadd.s32 $0x0, s8;
	s9 =	simm.s32 $0xC400  }
.LBB2_2:
0x1e: {  	[tilespmem:s0], [sflag:$0x1] =	stream.linear.gather [hbm4b:s12+s3], $0x80, $0x38;
	[tilespmem:$0x1D000] =	vst v63  }
0x1f: {  	s12 =	smov.u32 s2;
	s0 =	smov.u32 s9;
	p0 =	sne.s32 s2, $0xF80  }
.Ltmp0:
0x20: {  	s2 =	sadd.s32 $0x80, s2;
	(pc) =	sbr.rel @p0 .LBB2_2-.Ltmp0, $2  }
0x21: {  	_ =	sdelay $0x2  }
0x22: {  	s9 =	sadd.s32 $0x400, s9;
	s12 =	sadd.s32 s12, s8  }
0x23: {  	[tilespmem:s0], [sflag:$0x1] =	stream.linear.gather [hbm4b:s12+s3], $0x80, $0x38;
	[tilespmem:$0x1D000] =	vst v63  }
0x24: {  	s0 =	simm.s32 $0xC080  }
0x25: {  	s2 =	simm.s32 $0x80;
	s12 =	sadd.s32 $0x0, s1;
	s9 =	simm.s32 $0xC480  }
.LBB2_4:
0x26: {  	[tilespmem:s0], [sflag:$0x1] =	stream.linear.gather [hbm4b:s12+s3], $0x80, $0x38;
	[tilespmem:$0x1D000] =	vst v63  }
0x27: {  	s12 =	smov.u32 s2;
	s0 =	smov.u32 s9;
	p0 =	sne.s32 s2, $0xF80  }
.Ltmp1:
0x28: {  	s2 =	sadd.s32 $0x80, s2;
	(pc) =	sbr.rel @p0 .LBB2_4-.Ltmp1, $2  }
0x29: {  	_ =	sdelay $0x2  }
0x2a: {  	s9 =	sadd.s32 $0x400, s9;
	s12 =	sadd.s32 s12, s1  }
0x2b: {  	[tilespmem:s0], [sflag:$0x1] =	stream.linear.gather [hbm4b:s12+s3], $0x80, $0x38;
	[tilespmem:$0x1D000] =	vst v63  }
0x2c: {  	s0 =	simm.s32 $0xC100  }
0x2d: {  	s2 =	simm.s32 $0x80;
	s12 =	sadd.s32 $0x0, s10;
	s9 =	simm.s32 $0xC500  }
.LBB2_6:
0x2e: {  	[tilespmem:s0], [sflag:$0x1] =	stream.linear.gather [hbm4b:s12+s3], $0x80, $0x38;
	[tilespmem:$0x1D000] =	vst v63  }
0x2f: {  	s12 =	smov.u32 s2;
	s0 =	smov.u32 s9;
	p0 =	sne.s32 s2, $0xF80  }
.Ltmp2:
0x30: {  	s2 =	sadd.s32 $0x80, s2;
	(pc) =	sbr.rel @p0 .LBB2_6-.Ltmp2, $2  }
0x31: {  	_ =	sdelay $0x2  }
0x32: {  	s9 =	sadd.s32 $0x400, s9;
	s12 =	sadd.s32 s12, s10  }
0x33: {  	[tilespmem:s0], [sflag:$0x1] =	stream.linear.gather [hbm4b:s12+s3], $0x80, $0x38;
	[tilespmem:$0x1D000] =	vst v63  }
0x34: {  	s0 =	simm.s32 $0xC180  }
0x35: {  	s2 =	simm.s32 $0x80;
	s12 =	sadd.s32 $0x0, s16;
	s9 =	simm.s32 $0xC580  }
.LBB2_8:
0x36: {  	[tilespmem:s0], [sflag:$0x1] =	stream.linear.gather [hbm4b:s12+s3], $0x80, $0x38;
	[tilespmem:$0x1D000] =	vst v63  }
0x37: {  	s12 =	smov.u32 s2;
	s0 =	smov.u32 s9;
	p0 =	sne.s32 s2, $0xF80  }
.Ltmp3:
0x38: {  	s2 =	sadd.s32 $0x80, s2;
	(pc) =	sbr.rel @p0 .LBB2_8-.Ltmp3, $2  }
0x39: {  	_ =	sdelay $0x2  }
0x3a: {  	s9 =	sadd.s32 $0x400, s9;
	s12 =	sadd.s32 s12, s16  }
0x3b: {  	[tilespmem:s0], [sflag:$0x1] =	stream.linear.gather [hbm4b:s12+s3], $0x80, $0x38;
	[tilespmem:$0x1D000] =	vst v63  }
0x3c: {  	s0 =	simm.s32 $0xC200  }
0x3d: {  	s2 =	simm.s32 $0x80;
	s12 =	sadd.s32 $0x0, s17;
	s9 =	simm.s32 $0xC600  }
.LBB2_10:
0x3e: {  	[tilespmem:s0], [sflag:$0x1] =	stream.linear.gather [hbm4b:s12+s3], $0x80, $0x38;
	[tilespmem:$0x1D000] =	vst v63  }
0x3f: {  	s12 =	smov.u32 s2;
	s0 =	smov.u32 s9;
	p0 =	sne.s32 s2, $0xF80  }
.Ltmp4:
0x40: {  	s2 =	sadd.s32 $0x80, s2;
	(pc) =	sbr.rel @p0 .LBB2_10-.Ltmp4, $2  }
0x41: {  	_ =	sdelay $0x2  }
0x42: {  	s9 =	sadd.s32 $0x400, s9;
	s12 =	sadd.s32 s12, s17  }
0x43: {  	[tilespmem:s0], [sflag:$0x1] =	stream.linear.gather [hbm4b:s12+s3], $0x80, $0x38;
	[tilespmem:$0x1D000] =	vst v63  }
0x44: {  	s0 =	simm.s32 $0xC280  }
0x45: {  	s2 =	simm.s32 $0x80;
	s12 =	sadd.s32 $0x0, s19;
	s9 =	simm.s32 $0xC680  }
.LBB2_12:
0x46: {  	[tilespmem:s0], [sflag:$0x1] =	stream.linear.gather [hbm4b:s12+s3], $0x80, $0x38;
	[tilespmem:$0x1D000] =	vst v63  }
0x47: {  	s12 =	smov.u32 s2;
	s0 =	smov.u32 s9;
	p0 =	sne.s32 s2, $0xF80  }
.Ltmp5:
0x48: {  	s2 =	sadd.s32 $0x80, s2;
	(pc) =	sbr.rel @p0 .LBB2_12-.Ltmp5, $2  }
0x49: {  	_ =	sdelay $0x2  }
0x4a: {  	s9 =	sadd.s32 $0x400, s9;
	s12 =	sadd.s32 s12, s19  }
0x4b: {  	[tilespmem:s0], [sflag:$0x1] =	stream.linear.gather [hbm4b:s12+s3], $0x80, $0x38;
	[tilespmem:$0x1D000] =	vst v63  }
0x4c: {  	s0 =	simm.s32 $0xC300  }
0x4d: {  	s2 =	simm.s32 $0x80;
	s12 =	sadd.s32 $0x0, s22;
	s9 =	simm.s32 $0xC700  }
.LBB2_14:
0x4e: {  	[tilespmem:s0], [sflag:$0x1] =	stream.linear.gather [hbm4b:s12+s3], $0x80, $0x38;
	[tilespmem:$0x1D000] =	vst v63  }
0x4f: {  	s12 =	smov.u32 s2;
	s0 =	smov.u32 s9;
	p0 =	sne.s32 s2, $0xF80  }
.Ltmp6:
0x50: {  	s2 =	sadd.s32 $0x80, s2;
	(pc) =	sbr.rel @p0 .LBB2_14-.Ltmp6, $2  }
0x51: {  	_ =	sdelay $0x2  }
0x52: {  	s9 =	sadd.s32 $0x400, s9;
	s12 =	sadd.s32 s12, s22  }
0x53: {  	[tilespmem:s0], [sflag:$0x1] =	stream.linear.gather [hbm4b:s12+s3], $0x80, $0x38;
	[tilespmem:$0x1D000] =	vst v63  }
0x54: {  	s0 =	simm.s32 $0xC380  }
0x55: {  	s2 =	simm.s32 $0x80;
	s12 =	sadd.s32 $0x0, s23;
	s9 =	simm.s32 $0xC780  }
.LBB2_16:
0x56: {  	[tilespmem:s0], [sflag:$0x1] =	stream.linear.gather [hbm4b:s12+s3], $0x80, $0x38;
	[tilespmem:$0x1D000] =	vst v63  }
0x57: {  	s12 =	smov.u32 s2;
	s0 =	smov.u32 s9;
	p0 =	sne.s32 s2, $0xF80  }
.Ltmp7:
0x58: {  	s2 =	sadd.s32 $0x80, s2;
	(pc) =	sbr.rel @p0 .LBB2_16-.Ltmp7, $2  }
0x59: {  	_ =	sdelay $0x2  }
0x5a: {  	s9 =	sadd.s32 $0x400, s9;
	s12 =	sadd.s32 s12, s23  }
0x5b: {  	[tilespmem:s0], [sflag:$0x1] =	stream.linear.gather [hbm4b:s12+s3], $0x80, $0x38;
	[tilespmem:$0x1D000] =	vst v63  }
0x5c: {  	s5 =	simm.s32 $0x0  }
0x5d: {  	s26 =	rddreg [dreg:$0x4];
	s1 =	simm.s32 $0x14000;
	s28 =	simm.s32 $0x3  }
0x5e: {  	[tilespmem:s1], [sflag:$0x3] =	stream.linear.gather [hbm4b:s26+s5], $0x4000, $0x38;
	[tilespmem:$0x1D000] =	vst v63  }
0x5f: {  	_ =	swait.ge [sflag:s28], $0x4000  }
0x60: {  	[sflag:s28] =	ssyncset.done $0x0  }
0x61: {  	s2 =	simm.s32 $0x18000;
	s29 =	rddreg [dreg:$0x5];
	[sflag:s28] =	ssyncadd.s32 $0xFFFFC000  }
0x62: {  	[tilespmem:s2], [sflag:$0x3] =	stream.linear.gather [hbm4b:s29+s5], $0x4000, $0x38;
	[tilespmem:$0x1D000] =	vst v63  }
0x63: {  	_ =	swait.ge [sflag:s28], $0x4000  }
0x64: {  	[sflag:s28] =	ssyncset.done $0x0  }
0x65: {  	s31 =	simm.s32 $0x1C000;
	s30 =	rddreg [dreg:$0x6];
	[sflag:s28] =	ssyncadd.s32 $0xFFFFC000  }
0x66: {  	[tilespmem:s31], [sflag:$0x3] =	stream.linear.gather [hbm4b:s30+s5], $0x1000, $0x38;
	[tilespmem:$0x1D000] =	vst v63  }
0x67: {  	_ =	swait.ge [sflag:s28], $0x1000  }
0x68: {  	[sflag:s28] =	ssyncset.done $0x0  }
0x69: {  	s9 =	simm.s32 $0x0;
	[sflag:s28] =	ssyncadd.s32 $0xFFFFF000  }
.LBB2_18:
0x6a: {  	[dreg:$0x1b] =	wrdreg s9;
	s1 =	simm.s32 $0x1  }
0x6b: {  	_ =	swait.ge [sflag:s1], $0x1000  }
0x6c: {  	[sflag:s1] =	ssyncset.done $0x0  }
0x6d: {  	[sflag:s1] =	ssyncadd.s32 $0xFFFFF000  }
0x6e: {  	_ =	swait.ge [sflag:s1], $0x1000  }
0x6f: {  	[sflag:s1] =	ssyncset.done $0x0  }
0x70: {  	[sflag:s1] =	ssyncadd.s32 $0xFFFFF000  }
0x71: {  	_ =	swait.ge [sflag:s1], $0x1000  }
0x72: {  	[sflag:s1] =	ssyncset.done $0x0  }
0x73: {  	[sflag:s1] =	ssyncadd.s32 $0xFFFFF000  }
0x74: {  	_ =	swait.ge [sflag:s1], $0x1000  }
0x75: {  	[sflag:s1] =	ssyncset.done $0x0  }
0x76: {  	[sflag:s1] =	ssyncadd.s32 $0xFFFFF000  }
0x77: {  	_ =	swait.ge [sflag:s1], $0x1000  }
0x78: {  	[sflag:s1] =	ssyncset.done $0x0  }
0x79: {  	[sflag:s1] =	ssyncadd.s32 $0xFFFFF000  }
0x7a: {  	_ =	swait.ge [sflag:s1], $0x1000  }
0x7b: {  	[sflag:s1] =	ssyncset.done $0x0  }
0x7c: {  	[sflag:s1] =	ssyncadd.s32 $0xFFFFF000  }
0x7d: {  	_ =	swait.ge [sflag:s1], $0x1000  }
0x7e: {  	[sflag:s1] =	ssyncset.done $0x0  }
0x7f: {  	s2 =	simm.s32 $0x0;
	[sflag:s1] =	ssyncadd.s32 $0xFFFFF000  }
0x80: {  	s0 =	sand.u32 $0x40, s2;
	s4 =	sand.u32 $0x7C00, s2;
	_ =	swait.ge [sflag:s1], $0x1000  }
0x81: {  	s9 =	sadd.s32 $0xC000, s4;
	s14 =	sor.u32 $0x30, s0;
	[sflag:s1] =	ssyncset.done $0x0  }
0x82: {  	s15 =	sor.u32 s14, s9;
	[sflag:s1] =	ssyncadd.s32 $0xFFFFF000  }
0x83: {  	v2 =	vld [tilespmem:s15+$0x0]  }
0x84: {  	s18 =	sor.u32 s0, s9;
	v3 =	vld [tilespmem:s15+$0x80]  }
0x85: {  	s20 =	sor.u32 $0x10, s0;
	v4 =	vld [tilespmem:s18+$0x0]  }
0x86: {  	s24 =	sor.u32 s20, s9;
	v5 =	vld [tilespmem:s18+$0x80]  }
0x87: {  	s0 =	sor.u32 $0x20, s0;
	v6 =	vld [tilespmem:s24+$0x0]  }
0x88: {  	s26 =	sand.u32 $0xF80, s2;
	s9 =	sor.u32 s0, s9;
	v7 =	vld [tilespmem:s24+$0x80]  }
0x89: {  	s21 =	sor.u32 s26, s14;
	v8 =	vld [tilespmem:s9+$0x0];
	v2 =	vpack.i.f32.bf16 v3, v2  }
0x8a: {  	v3 =	vld [tilespmem:s9+$0x80];
	[tilespmem:s21+$0x0] =	vst v2  }
0x8b: {  	v2 =	vpack.i.f32.bf16 v5, v4;
	v4 =	vld [tilespmem:s15+$0x100]  }
0x8c: {  	[tilespmem:s2+$0x0] =	vst v2;
	v2 =	vld [tilespmem:s15+$0x180]  }
0x8d: {  	p0 =	por $0x0, $0x0;
	s28 =	sor.u32 s26, s20;
	s14 =	simm.s32 $0x1;
	v6 =	vpack.i.f32.bf16 v7, v6;
	v5 =	vld [tilespmem:s18+$0x100]  }
0x8e: {  	s14 =	simm.s32 @!p0 $0x0;
	[tilespmem:s28+$0x0] =	vst v6;
	v7 =	vld [tilespmem:s18+$0x180]  }
0x8f: {  	s26 =	sor.u32 s26, s0;
	s5 =	sshll.u32 s14, $0x6;
	v6 =	vld [tilespmem:s24+$0x100];
	v3 =	vpack.i.f32.bf16 v3, v8  }
0x90: {  	s0 =	sadd.s32 $0x0, s5;
	v8 =	vld [tilespmem:s24+$0x180];
	[tilespmem:s26+$0x0] =	vst v3  }
0x91: {  	s14 =	sadd.s32 $0x30, s0;
	v3 =	vld [tilespmem:s9+$0x100];
	v2 =	vpack.i.f32.bf16 v2, v4  }
0x92: {  	s8 =	sor.u32 $0x200, s14;
	v4 =	vld [tilespmem:s9+$0x180];
	[tilespmem:s21+$0x1000] =	vst v2  }
0x93: {  	s10 =	simm.s32 $0x1000;
	s11 =	sor.u32 $0x280, s14;
	v2 =	vpack.i.f32.bf16 v7, v5;
	v5 =	vld [tilespmem:s8+$0xC000]  }
0x94: {  	s12 =	sor.u32 $0x200, s0;
	[tilespmem:s10+$0x0] =	vst v2;
	v2 =	vld [tilespmem:s11+$0xC000]  }
0x95: {  	s13 =	sadd.s32 $0x10, s0;
	s20 =	sor.u32 $0x280, s0;
	v7 =	vld [tilespmem:s12+$0xC000];
	v6 =	vpack.i.f32.bf16 v8, v6  }
0x96: {  	s24 =	sor.u32 $0x200, s13;
	v8 =	vld [tilespmem:s20+$0xC000];
	[tilespmem:s28+$0x1000] =	vst v6  }
0x97: {  	s1 =	sadd.s32 $0x20, s0;
	s2 =	sor.u32 $0x280, s13;
	v6 =	vld [tilespmem:s24+$0xC000];
	v3 =	vpack.i.f32.bf16 v4, v3  }
0x98: {  	s4 =	sor.u32 $0x200, s1;
	v4 =	vld [tilespmem:s2+$0xC000];
	[tilespmem:s26+$0x1000] =	vst v3  }
0x99: {  	s5 =	sor.u32 $0x280, s1;
	v3 =	vld [tilespmem:s4+$0xC000];
	v2 =	vpack.i.f32.bf16 v2, v5  }
0x9a: {  	s8 =	sor.u32 $0x300, s14;
	v5 =	vld [tilespmem:s5+$0xC000];
	[tilespmem:s21+$0x2000] =	vst v2  }
0x9b: {  	s10 =	simm.s32 $0x2000;
	s14 =	sor.u32 $0x380, s14;
	v2 =	vpack.i.f32.bf16 v8, v7;
	v7 =	vld [tilespmem:s8+$0xC000]  }
0x9c: {  	s11 =	sor.u32 $0x300, s0;
	[tilespmem:s10+$0x0] =	vst v2;
	v2 =	vld [tilespmem:s14+$0xC000]  }
0x9d: {  	s15 =	simm.s32 $0x200;
	s9 =	simm.s32 $0x40;
	s0 =	sor.u32 $0x380, s0;
	v8 =	vld [tilespmem:s11+$0xC000];
	v4 =	vpack.i.f32.bf16 v4, v6  }
0x9e: {  	s12 =	sor.u32 $0x300, s13;
	s24 =	sand.u32 $0x40, s9;
	s14 =	sand.u32 $0x7C00, s15;
	v6 =	vld [tilespmem:s0+$0xC000];
	[tilespmem:s28+$0x2000] =	vst v4  }
0x9f: {  	s13 =	sor.u32 $0x380, s13;
	s2 =	sor.u32 $0x30, s24;
	s14 =	sadd.s32 $0xC000, s14;
	v4 =	vld [tilespmem:s12+$0xC000]  }
0xa0: {  	s4 =	sor.u32 s2, s14;
	v3 =	vpack.i.f32.bf16 v5, v3;
	v5 =	vld [tilespmem:s13+$0xC000]  }
0xa1: {  	s5 =	sor.u32 s24, s14;
	v11 =	vld [tilespmem:s4+$0x80]  }
0xa2: {  	v12 =	vld [tilespmem:s5+$0x0]  }
0xa3: {  	s8 =	sor.u32 $0x10, s24;
	v13 =	vld [tilespmem:s5+$0x80]  }
0xa4: {  	s29 =	sor.u32 s8, s14;
	[tilespmem:s26+$0x2000] =	vst v3;
	v3 =	vld [tilespmem:s4+$0x0]  }
0xa5: {  	v14 =	vld [tilespmem:s29+$0x0]  }
0xa6: {  	s20 =	sor.u32 $0x300, s1;
	v15 =	vld [tilespmem:s29+$0x80]  }
0xa7: {  	s1 =	sor.u32 $0x380, s1;
	v9 =	vld [tilespmem:s20+$0xC000];
	s20 =	sor.u32 $0x20, s24  }
0xa8: {  	s10 =	sand.u32 $0xF80, s9;
	v10 =	vld [tilespmem:s1+$0xC000];
	s30 =	sor.u32 s20, s14  }
0xa9: {  	s18 =	sor.u32 s10, s2;
	v52 =	vld [tilespmem:s30+$0x0];
	v3 =	vpack.i.f32.bf16 v11, v3  }
0xaa: {  	[tilespmem:s18+$0x0] =	vst v3;
	v3 =	vld [tilespmem:s30+$0x80]  }
0xab: {  	v12 =	vpack.i.f32.bf16 v13, v12;
	v53 =	vld [tilespmem:s4+$0x100]  }
0xac: {  	[tilespmem:s9+$0x0] =	vst v12;
	v54 =	vld [tilespmem:s4+$0x180]  }
0xad: {  	p0 =	por !p0, !p0;
	s15 =	sor.u32 s10, s8;
	s24 =	simm.s32 $0x1;
	v14 =	vpack.i.f32.bf16 v15, v14;
	v55 =	vld [tilespmem:s5+$0x100]  }
0xae: {  	s24 =	simm.s32 @!p0 $0x0;
	[tilespmem:s15+$0x0] =	vst v14;
	v56 =	vld [tilespmem:s5+$0x180]  }
0xaf: {  	s14 =	sor.u32 s10, s20;
	s11 =	sshll.u32 s24, $0x6;
	v57 =	vld [tilespmem:s29+$0x100];
	v3 =	vpack.i.f32.bf16 v3, v52  }
0xb0: {  	s0 =	sadd.s32 $0x200, s11;
	[tilespmem:s14+$0x0] =	vst v3;
	v3 =	vld [tilespmem:s29+$0x180]  }
0xb1: {  	s12 =	sadd.s32 $0x30, s0;
	v12 =	vpack.i.f32.bf16 v54, v53;
	v58 =	vld [tilespmem:s30+$0x100]  }
0xb2: {  	s29 =	sor.u32 $0x200, s12;
	[tilespmem:s18+$0x1000] =	vst v12;
	v59 =	vld [tilespmem:s30+$0x180]  }
0xb3: {  	s20 =	simm.s32 $0x1040;
	v14 =	vpack.i.f32.bf16 v56, v55;
	v60 =	vld [tilespmem:s29+$0xC000];
	s29 =	sor.u32 $0x280, s12  }
0xb4: {  	[tilespmem:s20+$0x0] =	vst v14;
	s30 =	sor.u32 $0x200, s0;
	v61 =	vld [tilespmem:s29+$0xC000]  }
0xb5: {  	s31 =	sor.u32 $0x280, s0;
	v62 =	vld [tilespmem:s30+$0xC000];
	s29 =	sadd.s32 $0x10, s0;
	v3 =	vpack.i.f32.bf16 v3, v57  }
0xb6: {  	s30 =	sor.u32 $0x200, s29;
	[tilespmem:s15+$0x1000] =	vst v3;
	v3 =	vld [tilespmem:s31+$0xC000]  }
0xb7: {  	s8 =	sadd.s32 $0x20, s0;
	s31 =	sor.u32 $0x280, s29;
	v12 =	vpack.i.f32.bf16 v59, v58;
	v63 =	vld [tilespmem:s30+$0xC000]  }
0xb8: {  	v2 =	vpack.i.f32.bf16 v2, v7;
	s30 =	sor.u32 $0x200, s8;
	[tilespmem:s14+$0x1000] =	vst v12;
	v7 =	vld [tilespmem:s31+$0xC000]  }
0xb9: {  	[tilespmem:s21+$0x3000] =	vst v2;
	s31 =	sor.u32 $0x280, s8;
	v2 =	vpack.i.f32.bf16 v61, v60;
	v12 =	vld [tilespmem:s30+$0xC000]  }
0xba: {  	v6 =	vpack.i.f32.bf16 v6, v8;
	s21 =	simm.s32 $0x3000;
	v8 =	vld [tilespmem:s31+$0xC000];
	s30 =	sor.u32 $0x300, s12;
	[tilespmem:s18+$0x2000] =	vst v2  }
0xbb: {  	[tilespmem:s21+$0x0] =	vst v6;
	s24 =	simm.s32 $0x2040;
	v2 =	vld [tilespmem:s30+$0xC000];
	s30 =	sor.u32 $0x380, s12;
	v3 =	vpack.i.f32.bf16 v3, v62  }
0xbc: {  	v4 =	vpack.i.f32.bf16 v5, v4;
	s31 =	sor.u32 $0x300, s0;
	v5 =	vld [tilespmem:s30+$0xC000];
	[tilespmem:s24+$0x0] =	vst v3  }
0xbd: {  	[tilespmem:s28+$0x3000] =	vst v4;
	s28 =	simm.s32 $0x4;
	s30 =	sor.u32 $0x380, s0;
	v4 =	vpack.i.f32.bf16 v7, v63;
	v3 =	vld [tilespmem:s31+$0xC000]  }
0xbe: {  	s13 =	sor.u32 $0x300, s29;
	s0 =	sor.u32 $0x380, s29;
	s29 =	simm.s32 $0x80;
	v7 =	vpack.i.f32.bf16 v10, v9;
	[tilespmem:s15+$0x2000] =	vst v4;
	v6 =	vld [tilespmem:s30+$0xC000]  }
0xbf: {  	s31 =	sor.u32 $0x300, s8;
	[tilespmem:s26+$0x3000] =	vst v7;
	s30 =	sor.u32 $0x380, s8;
	v7 =	vpack.i.f32.bf16 v8, v12;
	s26 =	simm.s32 $0x400;
	v4 =	vld [tilespmem:s13+$0xC000]  }
.LBB2_19:
0xc0: {  	s2 =	sand.u32 $0x40, s29;
	s8 =	sand.u32 $0x7C00, s26;
	v8 =	vld [tilespmem:s0+$0xC000];
	[tilespmem:s14+$0x2000] =	vst v7  }
0xc1: {  	s0 =	sadd.s32 $0xC000, s8;
	s8 =	sor.u32 $0x10, s2;
	s4 =	sor.u32 $0x30, s2;
	v7 =	vld [tilespmem:s31+$0xC000];
	v2 =	vpack.i.f32.bf16 v5, v2  }
0xc2: {  	s31 =	sor.u32 s2, s0;
	s2 =	sor.u32 $0x20, s2;
	s1 =	sor.u32 s4, s0;
	v5 =	vld [tilespmem:s30+$0xC000];
	[tilespmem:s18+$0x3000] =	vst v2  }
0xc3: {  	s21 =	sadd.s32 $0x40, s21;
	s12 =	sor.u32 s8, s0;
	s30 =	sor.u32 s2, s0;
	v2 =	vld [tilespmem:s1+$0x0];
	v3 =	vpack.i.f32.bf16 v6, v3  }
0xc4: {  	s28 =	sadd.s32 $0x4, s28;
	v6 =	vld [tilespmem:s1+$0x80];
	[tilespmem:s21+$0x0] =	vst v3  }
0xc5: {  	p1 =	slt.u32 s28, $0xFC;
	v3 =	vld [tilespmem:s31+$0x0];
	v4 =	vpack.i.f32.bf16 v8, v4  }
0xc6: {  	v8 =	vld [tilespmem:s31+$0x80];
	[tilespmem:s15+$0x3000] =	vst v4  }
0xc7: {  	v4 =	vld [tilespmem:s12+$0x0];
	v5 =	vpack.i.f32.bf16 v5, v7  }
0xc8: {  	s0 =	sand.u32 $0xF80, s29;
	v7 =	vld [tilespmem:s12+$0x80];
	[tilespmem:s14+$0x3000] =	vst v5  }
0xc9: {  	s18 =	sor.u32 s0, s4;
	s15 =	sor.u32 s0, s8;
	s14 =	sor.u32 s0, s2;
	v5 =	vld [tilespmem:s30+$0x0];
	v2 =	vpack.i.f32.bf16 v6, v2  }
0xca: {  	v6 =	vld [tilespmem:s30+$0x80];
	[tilespmem:s18+$0x0] =	vst v2  }
0xcb: {  	s9 =	sadd.s32 $0x40, s9;
	v2 =	vpack.i.f32.bf16 v8, v3;
	v3 =	vld [tilespmem:s1+$0x100]  }
0xcc: {  	[tilespmem:s9+$0x0] =	vst v2;
	v2 =	vld [tilespmem:s1+$0x180]  }
0xcd: {  	p0 =	por !p0, !p0;
	s0 =	simm.s32 $0x1;
	v8 =	vld [tilespmem:s31+$0x100];
	v4 =	vpack.i.f32.bf16 v7, v4  }
0xce: {  	s0 =	simm.s32 @!p0 $0x0;
	v7 =	vld [tilespmem:s31+$0x180];
	[tilespmem:s15+$0x0] =	vst v4  }
0xcf: {  	s0 =	sshll.u32 s0, $0x6;
	v4 =	vld [tilespmem:s12+$0x100];
	v5 =	vpack.i.f32.bf16 v6, v5  }
0xd0: {  	s20 =	sadd.s32 $0x40, s20;
	s1 =	sadd.s32 s0, s26;
	v6 =	vld [tilespmem:s12+$0x180];
	[tilespmem:s14+$0x0] =	vst v5  }
0xd1: {  	s0 =	sadd.s32 $0x10, s1;
	s2 =	sadd.s32 $0x20, s1;
	s4 =	sadd.s32 $0x30, s1;
	v5 =	vld [tilespmem:s30+$0x100];
	v2 =	vpack.i.f32.bf16 v2, v3  }
0xd2: {  	s8 =	sor.u32 $0x200, s0;
	s12 =	sor.u32 $0x280, s0;
	v3 =	vld [tilespmem:s30+$0x180];
	[tilespmem:s18+$0x1000] =	vst v2;
	s30 =	sor.u32 $0x200, s4  }
0xd3: {  	s5 =	sor.u32 $0x200, s2;
	s10 =	sor.u32 $0x280, s2;
	v2 =	vpack.i.f32.bf16 v7, v8;
	v7 =	vld [tilespmem:s30+$0xC000];
	s30 =	sor.u32 $0x280, s4  }
0xd4: {  	s11 =	sor.u32 $0x280, s1;
	s31 =	sor.u32 $0x200, s1;
	s13 =	sor.u32 $0x300, s0;
	[tilespmem:s20+$0x0] =	vst v2;
	v2 =	vld [tilespmem:s30+$0xC000]  }
0xd5: {  	s0 =	sor.u32 $0x380, s0;
	s30 =	sor.u32 $0x380, s2;
	v8 =	vld [tilespmem:s31+$0xC000];
	v4 =	vpack.i.f32.bf16 v6, v4;
	s31 =	sor.u32 $0x300, s2  }
0xd6: {  	s2 =	sor.u32 $0x300, s1;
	s1 =	sor.u32 $0x380, s1;
	v6 =	vld [tilespmem:s11+$0xC000];
	[tilespmem:s15+$0x1000] =	vst v4  }
0xd7: {  	v4 =	vld [tilespmem:s8+$0xC000];
	v3 =	vpack.i.f32.bf16 v3, v5  }
0xd8: {  	v9 =	vld [tilespmem:s12+$0xC000];
	[tilespmem:s14+$0x1000] =	vst v3  }
0xd9: {  	v10 =	vld [tilespmem:s5+$0xC000];
	v2 =	vpack.i.f32.bf16 v2, v7  }
0xda: {  	s5 =	sor.u32 $0x300, s4;
	v7 =	vld [tilespmem:s10+$0xC000];
	[tilespmem:s18+$0x2000] =	vst v2  }
.Ltmp8:
0xdb: {  	s24 =	sadd.s32 $0x40, s24;
	s4 =	sor.u32 $0x380, s4;
	v3 =	vpack.i.f32.bf16 v6, v8;
	v2 =	vld [tilespmem:s5+$0xC000];
	(pc) =	sbr.rel @p1 .LBB2_19-.Ltmp8, $4  }
0xdc: {  	[tilespmem:s24+$0x0] =	vst v3;
	v5 =	vld [tilespmem:s4+$0xC000]  }
0xdd: {  	v3 =	vld [tilespmem:s2+$0xC000];
	v4 =	vpack.i.f32.bf16 v9, v4  }
0xde: {  	v6 =	vld [tilespmem:s1+$0xC000];
	[tilespmem:s15+$0x2000] =	vst v4  }
0xdf: {  	s29 =	sadd.s32 $0x40, s29;
	s26 =	sadd.s32 $0x200, s26;
	v4 =	vld [tilespmem:s13+$0xC000];
	v7 =	vpack.i.f32.bf16 v7, v10  }
0xe0: {  	v8 =	vld [tilespmem:s0+$0xC000];
	[tilespmem:s14+$0x2000] =	vst v7  }
0xe1: {  	v7 =	vld [tilespmem:s31+$0xC000];
	s5 =	rddreg [dreg:$0x1b]  }
0xe2: {  	v9 =	vld [tilespmem:s30+$0xC000];
	v2 =	vpack.i.f32.bf16 v5, v2;
	s9 =	sadd.s32 $0x1, s5  }
0xe3: {  	s1 =	sadd.s32 $0x40, s21;
	[tilespmem:s18+$0x3000] =	vst v2;
	p0 =	slt.s32 s9, $0x3;
	s0 =	smov.u32 s9;
	v2 =	vpack.i.f32.bf16 v6, v3  }
0xe4: {  	s0 =	simm.s32 @!p0 $0x3;
	[tilespmem:s1+$0x0] =	vst v2  }
0xe5: {  	s0 =	sshll.u32 s0, $0xC;
	s4 =	rddreg [dreg:$0x7]  }
0xe6: {  	s31 =	rddreg [dreg:$0x0];
	v2 =	vpack.i.f32.bf16 v8, v4;
	s18 =	sor.u32 s4, s0  }
0xe7: {  	s20 =	simm.s32 $0xC400;
	[tilespmem:s15+$0x3000] =	vst v2;
	v2 =	vpack.i.f32.bf16 v9, v7;
	s0 =	sadd.s32 s31, s18  }
0xe8: {  	s15 =	simm.s32 $0xC000;
	[tilespmem:s14+$0x3000] =	vst v2;
	s14 =	simm.s32 $0x80;
	s21 =	sadd.s32 $0x0, s0  }
.LBB2_21:
0xe9: {  	[tilespmem:s15], [sflag:$0x1] =	stream.linear.gather [hbm4b:s21+s3], $0x80, $0x38;
	[tilespmem:$0x1D000] =	vst v63  }
0xea: {  	s1 =	smov.u32 s14;
	s15 =	smov.u32 s20;
	p0 =	sne.s32 s14, $0xF80  }
.Ltmp9:
0xeb: {  	s14 =	sadd.s32 $0x80, s14;
	(pc) =	sbr.rel @p0 .LBB2_21-.Ltmp9, $2  }
0xec: {  	_ =	sdelay $0x2  }
0xed: {  	s20 =	sadd.s32 $0x400, s20;
	s21 =	sadd.s32 s1, s0  }
0xee: {  	[tilespmem:s15], [sflag:$0x1] =	stream.linear.gather [hbm4b:s21+s3], $0x80, $0x38;
	[tilespmem:$0x1D000] =	vst v63  }
0xef: {  	s0 =	rddreg [dreg:$0x8]  }
0xf0: {  	s14 =	simm.s32 $0xC080;
	s0 =	sadd.s32 s18, s0  }
0xf1: {  	s15 =	simm.s32 $0x80;
	s20 =	simm.s32 $0xC480;
	s21 =	sadd.s32 $0x0, s0  }
.LBB2_23:
0xf2: {  	[tilespmem:s14], [sflag:$0x1] =	stream.linear.gather [hbm4b:s21+s3], $0x80, $0x38;
	[tilespmem:$0x1D000] =	vst v63  }
0xf3: {  	s1 =	smov.u32 s15;
	s14 =	smov.u32 s20;
	p0 =	sne.s32 s15, $0xF80  }
.Ltmp10:
0xf4: {  	s15 =	sadd.s32 $0x80, s15;
	(pc) =	sbr.rel @p0 .LBB2_23-.Ltmp10, $2  }
0xf5: {  	_ =	sdelay $0x2  }
0xf6: {  	s20 =	sadd.s32 $0x400, s20;
	s21 =	sadd.s32 s1, s0  }
0xf7: {  	[tilespmem:s14], [sflag:$0x1] =	stream.linear.gather [hbm4b:s21+s3], $0x80, $0x38;
	[tilespmem:$0x1D000] =	vst v63  }
0xf8: {  	s0 =	rddreg [dreg:$0xb]  }
0xf9: {  	s14 =	simm.s32 $0xC100;
	s0 =	sadd.s32 s18, s0  }
0xfa: {  	s15 =	simm.s32 $0x80;
	s20 =	simm.s32 $0xC500;
	s21 =	sadd.s32 $0x0, s0  }
.LBB2_25:
0xfb: {  	[tilespmem:s14], [sflag:$0x1] =	stream.linear.gather [hbm4b:s21+s3], $0x80, $0x38;
	[tilespmem:$0x1D000] =	vst v63  }
0xfc: {  	s1 =	smov.u32 s15;
	s14 =	smov.u32 s20;
	p0 =	sne.s32 s15, $0xF80  }
.Ltmp11:
0xfd: {  	s15 =	sadd.s32 $0x80, s15;
	(pc) =	sbr.rel @p0 .LBB2_25-.Ltmp11, $2  }
0xfe: {  	_ =	sdelay $0x2  }
0xff: {  	s20 =	sadd.s32 $0x400, s20;
	s21 =	sadd.s32 s1, s0  }
0x100: {  	[tilespmem:s14], [sflag:$0x1] =	stream.linear.gather [hbm4b:s21+s3], $0x80, $0x38;
	[tilespmem:$0x1D000] =	vst v63  }
0x101: {  	s0 =	rddreg [dreg:$0xd]  }
0x102: {  	s14 =	simm.s32 $0xC180;
	s0 =	sadd.s32 s18, s0  }
0x103: {  	s15 =	simm.s32 $0x80;
	s20 =	simm.s32 $0xC580;
	s21 =	sadd.s32 $0x0, s0  }
.LBB2_27:
0x104: {  	[tilespmem:s14], [sflag:$0x1] =	stream.linear.gather [hbm4b:s21+s3], $0x80, $0x38;
	[tilespmem:$0x1D000] =	vst v63  }
0x105: {  	s1 =	smov.u32 s15;
	s14 =	smov.u32 s20;
	p0 =	sne.s32 s15, $0xF80  }
.Ltmp12:
0x106: {  	s15 =	sadd.s32 $0x80, s15;
	(pc) =	sbr.rel @p0 .LBB2_27-.Ltmp12, $2  }
0x107: {  	_ =	sdelay $0x2  }
0x108: {  	s20 =	sadd.s32 $0x400, s20;
	s21 =	sadd.s32 s1, s0  }
0x109: {  	[tilespmem:s14], [sflag:$0x1] =	stream.linear.gather [hbm4b:s21+s3], $0x80, $0x38;
	[tilespmem:$0x1D000] =	vst v63  }
0x10a: {  	s0 =	rddreg [dreg:$0xe]  }
0x10b: {  	s14 =	simm.s32 $0xC200;
	s0 =	sadd.s32 s18, s0  }
0x10c: {  	s15 =	simm.s32 $0x80;
	s20 =	simm.s32 $0xC600;
	s21 =	sadd.s32 $0x0, s0  }
.LBB2_29:
0x10d: {  	[tilespmem:s14], [sflag:$0x1] =	stream.linear.gather [hbm4b:s21+s3], $0x80, $0x38;
	[tilespmem:$0x1D000] =	vst v63  }
0x10e: {  	s1 =	smov.u32 s15;
	s14 =	smov.u32 s20;
	p0 =	sne.s32 s15, $0xF80  }
.Ltmp13:
0x10f: {  	s15 =	sadd.s32 $0x80, s15;
	(pc) =	sbr.rel @p0 .LBB2_29-.Ltmp13, $2  }
0x110: {  	_ =	sdelay $0x2  }
0x111: {  	s20 =	sadd.s32 $0x400, s20;
	s21 =	sadd.s32 s1, s0  }
0x112: {  	[tilespmem:s14], [sflag:$0x1] =	stream.linear.gather [hbm4b:s21+s3], $0x80, $0x38;
	[tilespmem:$0x1D000] =	vst v63  }
0x113: {  	s0 =	rddreg [dreg:$0xf]  }
0x114: {  	s14 =	simm.s32 $0xC280;
	s0 =	sadd.s32 s18, s0  }
0x115: {  	s15 =	simm.s32 $0x80;
	s20 =	simm.s32 $0xC680;
	s21 =	sadd.s32 $0x0, s0  }
.LBB2_31:
0x116: {  	[tilespmem:s14], [sflag:$0x1] =	stream.linear.gather [hbm4b:s21+s3], $0x80, $0x38;
	[tilespmem:$0x1D000] =	vst v63  }
0x117: {  	s1 =	smov.u32 s15;
	s14 =	smov.u32 s20;
	p0 =	sne.s32 s15, $0xF80  }
.Ltmp14:
0x118: {  	s15 =	sadd.s32 $0x80, s15;
	(pc) =	sbr.rel @p0 .LBB2_31-.Ltmp14, $2  }
0x119: {  	_ =	sdelay $0x2  }
0x11a: {  	s20 =	sadd.s32 $0x400, s20;
	s21 =	sadd.s32 s1, s0  }
0x11b: {  	[tilespmem:s14], [sflag:$0x1] =	stream.linear.gather [hbm4b:s21+s3], $0x80, $0x38;
	[tilespmem:$0x1D000] =	vst v63  }
0x11c: {  	s0 =	rddreg [dreg:$0x10]  }
0x11d: {  	s14 =	simm.s32 $0xC300;
	s0 =	sadd.s32 s18, s0  }
0x11e: {  	s15 =	simm.s32 $0x80;
	s20 =	simm.s32 $0xC700;
	s21 =	sadd.s32 $0x0, s0  }
.LBB2_33:
0x11f: {  	[tilespmem:s14], [sflag:$0x1] =	stream.linear.gather [hbm4b:s21+s3], $0x80, $0x38;
	[tilespmem:$0x1D000] =	vst v63  }
0x120: {  	s1 =	smov.u32 s15;
	s14 =	smov.u32 s20;
	p0 =	sne.s32 s15, $0xF80  }
.Ltmp15:
0x121: {  	s15 =	sadd.s32 $0x80, s15;
	(pc) =	sbr.rel @p0 .LBB2_33-.Ltmp15, $2  }
0x122: {  	_ =	sdelay $0x2  }
0x123: {  	s20 =	sadd.s32 $0x400, s20;
	s21 =	sadd.s32 s1, s0  }
0x124: {  	[tilespmem:s14], [sflag:$0x1] =	stream.linear.gather [hbm4b:s21+s3], $0x80, $0x38;
	[tilespmem:$0x1D000] =	vst v63  }
0x125: {  	s0 =	rddreg [dreg:$0x11]  }
0x126: {  	s14 =	simm.s32 $0xC380;
	s0 =	sadd.s32 s18, s0  }
0x127: {  	s15 =	simm.s32 $0x80;
	s18 =	simm.s32 $0xC780;
	s20 =	sadd.s32 $0x0, s0  }
.LBB2_35:
0x128: {  	[tilespmem:s14], [sflag:$0x1] =	stream.linear.gather [hbm4b:s20+s3], $0x80, $0x38;
	[tilespmem:$0x1D000] =	vst v63  }
0x129: {  	s1 =	smov.u32 s15;
	s14 =	smov.u32 s18;
	p0 =	sne.s32 s15, $0xF80  }
.Ltmp16:
0x12a: {  	s15 =	sadd.s32 $0x80, s15;
	(pc) =	sbr.rel @p0 .LBB2_35-.Ltmp16, $2  }
0x12b: {  	_ =	sdelay $0x2  }
0x12c: {  	s18 =	sadd.s32 $0x400, s18;
	s20 =	sadd.s32 s1, s0  }
0x12d: {  	[tilespmem:s14], [sflag:$0x1] =	stream.linear.gather [hbm4b:s20+s3], $0x80, $0x38;
	[tilespmem:$0x1D000] =	vst v63  }
0x12e: {  	p0 =	seq.s32 s5, $0x0  }
0x12f: {  	s0 =	simm.s32 @!p0 $0x2  }
0x130: {  	_ =	swait.ge @!p0 [sflag:s0], $0x1000  }
0x131: {  	[sflag:s0] =	ssyncset.done @!p0 $0x0  }
0x132: {  	[sflag:s0] =	ssyncadd.s32 @!p0 $0xFFFFF000  }
0x133: {  	_ =	swait.ge @!p0 [sflag:s0], $0x1000  }
0x134: {  	[sflag:s0] =	ssyncset.done @!p0 $0x0  }
0x135: {  	[sflag:s0] =	ssyncadd.s32 @!p0 $0xFFFFF000  }
0x136: {  	_ =	swait.ge @!p0 [sflag:s0], $0x1000  }
0x137: {  	[sflag:s0] =	ssyncset.done @!p0 $0x0  }
0x138: {  	[sflag:s0] =	ssyncadd.s32 @!p0 $0xFFFFF000  }
0x139: {  	_ =	swait.ge @!p0 [sflag:s0], $0x1000  }
0x13a: {  	[sflag:s0] =	ssyncset.done @!p0 $0x0  }
0x13b: {  	[sflag:s0] =	ssyncadd.s32 @!p0 $0xFFFFF000  }
0x13c: {  	_ =	swait.ge @!p0 [sflag:s0], $0x1000  }
0x13d: {  	[sflag:s0] =	ssyncset.done @!p0 $0x0  }
0x13e: {  	[sflag:s0] =	ssyncadd.s32 @!p0 $0xFFFFF000  }
0x13f: {  	_ =	swait.ge @!p0 [sflag:s0], $0x1000  }
0x140: {  	[sflag:s0] =	ssyncset.done @!p0 $0x0  }
0x141: {  	[sflag:s0] =	ssyncadd.s32 @!p0 $0xFFFFF000  }
0x142: {  	_ =	swait.ge @!p0 [sflag:s0], $0x1000  }
0x143: {  	[sflag:s0] =	ssyncset.done @!p0 $0x0  }
0x144: {  	s15 =	simm.s32 $0x0;
	[sflag:s0] =	ssyncadd.s32 @!p0 $0xFFFFF000  }
0x145: {  	s1 =	sand.u32 $0x60, s15;
	_ =	swait.ge @!p0 [sflag:s0], $0x1000  }
0x146: {  	s2 =	sand.u32 $0x3E00, s15;
	s26 =	sor.u32 $0x10, s1;
	[sflag:s0] =	ssyncset.done @!p0 $0x0  }
0x147: {  	s28 =	sor.u32 s2, s26;
	[sflag:s0] =	ssyncadd.s32 @!p0 $0xFFFFF000  }
0x148: {  	s18 =	sor.u32 s1, s2;
	v2 =	vld [tilespmem:s28+$0x14000]  }
0x149: {  	v5 =	vld [tilespmem:s18+$0x14000]  }
0x14a: {  	v12 =	vld [tilespmem:s18+$0x14080]  }
0x14b: {  	s29 =	sand.u32 $0x3, s15;
	v3 =	vld [tilespmem:s28+$0x14080]  }
0x14c: {  	s1 =	sshll.u32 s29, $0x5;
	v13 =	vld [tilespmem:s18+$0x18000]  }
0x14d: {  	s30 =	sadd.s32 $0x0, s1;
	v4 =	vld [tilespmem:s18+$0x14100]  }
0x14e: {  	s1 =	sadd.s32 $0x10, s30;
	v14 =	vld [tilespmem:s18+$0x18080]  }
0x14f: {  	s1 =	sor.u32 $0x180, s1;
	v6 =	vld [tilespmem:s28+$0x18000]  }
0x150: {  	v9 =	vld [tilespmem:s1+$0x14000]  }
0x151: {  	v20 =	vld [tilespmem:s28+$0x18080];
	v10 =	vunpack.i.l.s16.s32 v2  }
0x152: {  	v25 =	vld [tilespmem:s28+$0x18100];
	v7 =	vunpack.i.u.s16.s32 v2  }
0x153: {  	v30 =	vld [tilespmem:s1+$0x18000];
	v15 =	vunpack.i.l.s16.s32 v3  }
0x154: {  	s20 =	sor.u32 $0x180, s30;
	v2 =	vld [tilespmem:s28+$0x14100];
	v16 =	vunpack.i.l.s16.s32 v5  }
0x155: {  	v39 =	vld [tilespmem:s20+$0x14000];
	v18 =	vunpack.i.u.s16.s32 v3  }
0x156: {  	v17 =	vld.idx.msk [tilespmem:v10+s25+$0x0], $0xffff  }
0x157: {  	v29 =	vunpack.i.u.s16.s32 v5;
	v19 =	vld.idx.msk [tilespmem:v7+s25+$0x0], $0xffff  }
0x158: {  	v22 =	vld.idx.msk [tilespmem:v15+s25+$0x0], $0xffff  }
0x159: {  	v21 =	vunpack.i.l.s16.s32 v2;
	v23 =	vld.idx.msk [tilespmem:v16+s3+$0x0], $0xffff  }
0x15a: {  	v24 =	vunpack.i.u.s16.s32 v2;
	v2 =	vld.idx.msk [tilespmem:v18+s25+$0x0], $0xffff  }
0x15b: {  	v3 =	vunpack.i.l.s16.s32 v9;
	v11 =	vunpack.i.u.bf16.f32 v6;
	v6 =	vunpack.i.l.bf16.f32 v6;
	v27 =	vld.idx.msk [tilespmem:v16+s6+$0x0], $0xffff  }
0x15c: {  	v8 =	vpack.i.f32.bf16 v6, v6;
	v6 =	vpack.i.f32.bf16 v11, v11;
	v11 =	vunpack.i.u.s16.s32 v9;
	v59 =	vld.idx.msk [tilespmem:v29+s3+$0x0], $0xffff  }
0x15d: {  	v9 =	vunpack.i.l.bf16.f32 v20;
	v34 =	vld.idx.msk [tilespmem:v29+s6+$0x0], $0xffff;
	v17 =	vmul.bf16 v17, v8;
	v19 =	vmul.bf16 v19, v6  }
0x15e: {  	v32 =	vunpack.i.l.s16.s32 v12;
	v9 =	vpack.i.f32.bf16 v9, v9;
	v26 =	vld.idx.msk [tilespmem:v21+s25+$0x0], $0xffff  }
0x15f: {  	v35 =	vld.idx.msk [tilespmem:v29+s7+$0x0], $0xffff;
	v5 =	vadd.bf16 v19, v17;
	v17 =	vunpack.i.u.bf16.f32 v20;
	v19 =	vmul.bf16 v22, v9  }
0x160: {  	v28 =	vld.idx.msk [tilespmem:v24+s25+$0x0], $0xffff;
	v17 =	vpack.i.f32.bf16 v17, v17  }
0x161: {  	v29 =	vld.idx.msk [tilespmem:v29+s25+$0x0], $0xffff;
	v5 =	vadd.bf16 v19, v5;
	v2 =	vmul.bf16 v2, v17;
	v19 =	vunpack.i.l.bf16.f32 v25  }
0x162: {  	v20 =	vld.idx.msk [tilespmem:v3+s25+$0x0], $0xffff;
	v19 =	vpack.i.f32.bf16 v19, v19  }
0x163: {  	v61 =	vld.idx.msk [tilespmem:v32+s3+$0x0], $0xffff;
	v2 =	vadd.bf16 v2, v5;
	v5 =	vunpack.i.u.bf16.f32 v25;
	v58 =	vmul.bf16 v26, v19  }
0x164: {  	v12 =	vunpack.i.u.s16.s32 v12;
	v31 =	vld.idx.msk [tilespmem:v11+s25+$0x0], $0xffff;
	v33 =	vpack.i.f32.bf16 v5, v5  }
0x165: {  	v63 =	vld.idx.msk [tilespmem:v32+s6+$0x0], $0xffff;
	v25 =	vadd.bf16 v58, v2;
	v28 =	vmul.bf16 v28, v33;
	v2 =	vunpack.i.l.bf16.f32 v30  }
0x166: {  	s31 =	sand.u32 $0xF80, s15;
	v36 =	vld.idx.msk [tilespmem:v32+s7+$0x0], $0xffff;
	v5 =	vpack.i.f32.bf16 v2, v2  }
0x167: {  	s14 =	sor.u32 s31, s26;
	v60 =	vunpack.i.u.bf16.f32 v30;
	v48 =	vld.idx.msk [tilespmem:v32+s25+$0x0], $0xffff;
	v25 =	vadd.bf16 v28, v25;
	v20 =	vmul.bf16 v20, v5  }
0x168: {  	v2 =	vld [tilespmem:s14+$0x1C000];
	v28 =	vpack.i.f32.bf16 v60, v60  }
0x169: {  	v49 =	vld.idx.msk [tilespmem:v12+s3+$0x0], $0xffff;
	v62 =	vmul.bf16 v31, v28;
	v20 =	vadd.bf16 v20, v25  }
0x16a: {  	v37 =	vld.idx.msk [tilespmem:v12+s6+$0x0], $0xffff  }
0x16b: {  	v38 =	vld.idx.msk [tilespmem:v12+s7+$0x0], $0xffff;
	v20 =	vadd.bf16 v62, v20  }
0x16c: {  	v12 =	vld.idx.msk [tilespmem:v12+s25+$0x0], $0xffff  }
0x16d: {  	v50 =	vld.idx.msk [tilespmem:v18+s3+$0x0], $0xffff;
	v20 =	vsub.bf16 v2, v20  }
0x16e: {  	v45 =	vld.idx.msk [tilespmem:v18+s6+$0x0], $0xffff  }
0x16f: {  	v18 =	vld.idx.msk [tilespmem:v18+s7+$0x0], $0xffff;
	v20 =	vmul.bf16 v0, v20  }
0x170: {  	v52 =	vld.idx.msk [tilespmem:v15+s3+$0x0], $0xffff  }
0x171: {  	v54 =	vld.idx.msk [tilespmem:v15+s6+$0x0], $0xffff;
	(erf) = vpow2.bf16 v20  }
0x172: {  	v41 =	vunpack.i.l.bf16.f32 v13;
	v13 =	vunpack.i.u.bf16.f32 v13;
	v15 =	vld.idx.msk [tilespmem:v15+s7+$0x0], $0xffff  }
0x173: {  	v44 =	vunpack.i.l.bf16.f32 v14;
	v14 =	vunpack.i.u.bf16.f32 v14;
	v41 =	vpack.i.f32.bf16 v41, v41;
	v56 =	vld.idx.msk [tilespmem:v10+s3+$0x0], $0xffff  }
0x174: {  	v13 =	vpack.i.f32.bf16 v13, v13;
	v23 =	vmul.bf16 v23, v41;
	v27 =	vmul.bf16 v27, v41;
	v22 =	vld.idx.msk [tilespmem:v16+s7+$0x0], $0xffff  }
0x175: {  	v44 =	vpack.i.f32.bf16 v44, v44;
	v34 =	vmul.bf16 v34, v13;
	v35 =	vmul.bf16 v35, v13;
	v16 =	vld.idx.msk [tilespmem:v16+s25+$0x0], $0xffff  }
0x176: {  	v14 =	vpack.i.f32.bf16 v14, v14;
	v40 =	vld.idx.msk [tilespmem:v24+s6+$0x0], $0xffff;
	v51 =	vmul.bf16 v61, v44;
	v55 =	vmul.bf16 v36, v44  }
0x177: {  	v46 =	vld.idx.msk [tilespmem:v11+s3+$0x0], $0xffff;
	v57 =	vmul.bf16 v49, v14;
	v12 =	vmul.bf16 v12, v14  }
0x178: {  	v42 =	vld.idx.msk [tilespmem:v21+s3+$0x0], $0xffff;
	v26 =	vmul.bf16 v59, v13;
	v13 =	vmul.bf16 v29, v13  }
0x179: {  	v47 =	vunpack.i.l.s16.s32 v39;
	v43 =	vld.idx.msk [tilespmem:v21+s6+$0x0], $0xffff;
	v59 =	vmul.bf16 v37, v14;
	v29 =	vmul.bf16 v52, v9  }
0x17a: {  	v21 =	vld.idx.msk [tilespmem:v21+s7+$0x0], $0xffff;
	v27 =	vadd.bf16 v34, v27;
	v22 =	vmul.bf16 v22, v41;
	v16 =	vmul.bf16 v16, v41  }
0x17b: {  	v23 =	vadd.bf16 v26, v23;
	v34 =	vmul.bf16 v40, v33;
	v30 =	vmul.bf16 v54, v9;
	v20 =	vld.idx.msk [tilespmem:v24+s3+$0x0], $0xffff;
	v53 =	vpop (erf)  }
0x17c: {  	v61 =	vld.idx.msk [tilespmem:v7+s6+$0x0], $0xffff;
	v9 =	vmul.bf16 v15, v9;
	v22 =	vadd.bf16 v35, v22;
	v26 =	vadd.bf16 v1, v53  }
0x17d: {  	v58 =	vld.idx.msk [tilespmem:v10+s6+$0x0], $0xffff;
	v13 =	vadd.bf16 v13, v16;
	v16 =	vmul.bf16 v63, v44;
	v63 =	vmul.bf16 v42, v19  }
0x17e: {  	v10 =	vld.idx.msk [tilespmem:v10+s7+$0x0], $0xffff;
	v23 =	vadd.bf16 v51, v23;
	v60 =	vmul.bf16 v38, v14;
	(erf) = vrcp.bf16 v26  }
0x17f: {  	v15 =	vld [tilespmem:s18+$0x18100];
	v16 =	vadd.bf16 v16, v27;
	v25 =	vmul.bf16 v48, v44;
	v44 =	vmul.bf16 v43, v19  }
0x180: {  	v22 =	vadd.bf16 v55, v22;
	v19 =	vmul.bf16 v21, v19;
	v14 =	vmul.bf16 v20, v33;
	v20 =	vld.idx.msk [tilespmem:v7+s3+$0x0], $0xffff  }
0x181: {  	v21 =	vmul.bf16 v50, v17;
	v48 =	vmul.bf16 v45, v17;
	v13 =	vadd.bf16 v25, v13;
	v7 =	vld.idx.msk [tilespmem:v7+s7+$0x0], $0xffff  }
0x182: {  	v49 =	vld.idx.msk [tilespmem:v3+s3+$0x0], $0xffff;
	v31 =	vunpack.i.u.s16.s32 v4;
	v17 =	vmul.bf16 v18, v17;
	v50 =	vmul.bf16 v61, v6  }
0x183: {  	v18 =	vld.idx.msk [tilespmem:v11+s6+$0x0], $0xffff;
	v62 =	vunpack.i.l.s16.s32 v4;
	v12 =	vadd.bf16 v12, v13;
	v13 =	vmul.bf16 v58, v8  }
0x184: {  	v51 =	vld.idx.msk [tilespmem:v3+s6+$0x0], $0xffff;
	v27 =	vmul.bf16 v56, v8;
	v23 =	vadd.bf16 v57, v23;
	v16 =	vadd.bf16 v59, v16  }
0x185: {  	v11 =	vld.idx.msk [tilespmem:v11+s7+$0x0], $0xffff;
	v22 =	vadd.bf16 v60, v22;
	v8 =	vmul.bf16 v10, v8;
	v13 =	vadd.bf16 v50, v13  }
0x186: {  	v3 =	vld.idx.msk [tilespmem:v3+s7+$0x0], $0xffff;
	v57 =	vunpack.i.u.bf16.f32 v15;
	v20 =	vmul.bf16 v20, v6;
	v6 =	vmul.bf16 v7, v6  }
0x187: {  	v15 =	vunpack.i.l.bf16.f32 v15;
	v4 =	vunpack.i.u.s16.s32 v39;
	v24 =	vld.idx.msk [tilespmem:v24+s7+$0x0], $0xffff;
	v13 =	vadd.bf16 v30, v13  }
0x188: {  	v20 =	vadd.bf16 v20, v27;
	v54 =	vadd.bf16 v6, v8;
	v8 =	vmul.bf16 v18, v28;
	v18 =	vld.idx.msk [tilespmem:v62+s6+$0x0], $0xffff;
	v10 =	vpop (erf)  }
0x189: {  	v15 =	vpack.i.f32.bf16 v15, v15;
	v52 =	vunpack.i.u.bf16.f32 v10;
	v53 =	vunpack.i.l.bf16.f32 v10;
	v10 =	vld.idx.msk [tilespmem:v62+s3+$0x0], $0xffff  }
0x18a: {  	v13 =	vadd.bf16 v48, v13;
	v6 =	vmul.bf16 v11, v28;
	v11 =	vld.idx.msk [tilespmem:v62+s7+$0x0], $0xffff;
	v20 =	vadd.bf16 v29, v20  }
0x18b: {  	v56 =	vmul.bf16 v51, v5;
	v61 =	vmul.bf16 v3, v5;
	v60 =	vld.idx.msk [tilespmem:v31+s7+$0x0], $0xffff;
	v9 =	vadd.bf16 v9, v54  }
0x18c: {  	v55 =	vld.idx.msk [tilespmem:v62+s25+$0x0], $0xffff;
	v13 =	vadd.bf16 v44, v13;
	v24 =	vmul.bf16 v24, v33;
	v20 =	vadd.bf16 v21, v20  }
0x18d: {  	v58 =	vld.idx.msk [tilespmem:v31+s3+$0x0], $0xffff;
	v7 =	vmul.bf16 v46, v28;
	v21 =	vmul.bf16 v49, v5;
	v9 =	vadd.bf16 v17, v9  }
0x18e: {  	v59 =	vld.idx.msk [tilespmem:v31+s6+$0x0], $0xffff;
	v17 =	vpack.i.f32.bf16 v57, v57;
	v20 =	vadd.bf16 v63, v20;
	v10 =	vmul.bf16 v10, v15  }
0x18f: {  	v31 =	vld.idx.msk [tilespmem:v31+s25+$0x0], $0xffff;
	v18 =	vmul.bf16 v18, v15;
	v5 =	vmul.bf16 v11, v15;
	v9 =	vadd.bf16 v19, v9  }
0x190: {  	v63 =	vmul.bf16 v60, v17;
	v14 =	vadd.bf16 v14, v20;
	v3 =	vadd.bf16 v10, v23;
	v23 =	vld [tilespmem:s20+$0x18000]  }
0x191: {  	v11 =	vld.idx.msk [tilespmem:v47+s6+$0x0], $0xffff;
	v10 =	vadd.bf16 v34, v13;
	v13 =	vadd.bf16 v18, v16;
	v18 =	vmul.bf16 v55, v15  }
0x192: {  	v22 =	vadd.bf16 v5, v22;
	v9 =	vadd.bf16 v24, v9;
	v62 =	vmul.bf16 v58, v17;
	v15 =	vld.idx.msk [tilespmem:v47+s3+$0x0], $0xffff  }
0x193: {  	v5 =	vld.idx.msk [tilespmem:v47+s7+$0x0], $0xffff;
	v16 =	vadd.bf16 v21, v14;
	v14 =	vmul.bf16 v59, v17;
	v20 =	vadd.bf16 v18, v12  }
0x194: {  	v21 =	vmul.bf16 v31, v17;
	v19 =	vadd.bf16 v56, v10;
	v18 =	vadd.bf16 v62, v3;
	v3 =	vld.idx.msk [tilespmem:v47+s25+$0x0], $0xffff  }
0x195: {  	s21 =	simm.s32 $0x20;
	[tilespmem:s14+$0xB000] =	vst v52;
	v12 =	vadd.bf16 v61, v9;
	v13 =	vadd.bf16 v14, v13;
	v10 =	vld.idx.msk [tilespmem:v4+s3+$0x0], $0xffff;
	v14 =	vunpack.i.l.bf16.f32 v23  }
0x196: {  	s24 =	simm.s32 $0x0;
	s18 =	simm.s32 $0x0;
	[tilespmem:s14+$0xA000] =	vst v53;
	s20 =	simm.s32 $0x0;
	v9 =	vadd.bf16 v63, v22;
	v22 =	vunpack.i.u.bf16.f32 v23;
	v17 =	vpack.i.f32.bf16 v14, v14;
	v14 =	vld.idx.msk [tilespmem:v4+s6+$0x0], $0xffff  }
.LBB2_37:
0x197: {  	s0 =	sand.u32 $0x60, s21;
	v20 =	vadd.bf16 v21, v20;
	v15 =	vmul.bf16 v15, v17;
	v21 =	vpack.i.f32.bf16 v22, v22;
	v22 =	vld.idx.msk [tilespmem:v4+s7+$0x0], $0xffff;
	s15 =	sadd.s32 $0x80, s15  }
0x198: {  	s20 =	sadd.s32 $0x2, s20;
	v11 =	vmul.bf16 v11, v17;
	v7 =	vadd.bf16 v7, v16;
	v8 =	vadd.bf16 v8, v19;
	s1 =	sand.u32 $0x3E00, s15;
	s30 =	sor.u32 $0x10, s0;
	v4 =	vld.idx.msk [tilespmem:v4+s25+$0x0], $0xffff  }
0x199: {  	v6 =	vadd.bf16 v6, v12;
	p0 =	slt.u32 s20, $0xFE;
	v5 =	vmul.bf16 v5, v17;
	s26 =	sor.u32 s0, s1;
	s31 =	sor.u32 s1, s30;
	v15 =	vadd.bf16 v15, v18;
	v16 =	vld [tilespmem:s18+$0x1C000]  }
0x19a: {  	s29 =	sshra.s32 s15, $0x2;
	v11 =	vadd.bf16 v11, v13;
	v3 =	vmul.bf16 v3, v17;
	v7 =	vsub.bf16 v2, v7;
	v12 =	vld [tilespmem:s31+$0x14000]  }
0x19b: {  	v8 =	vsub.bf16 v2, v8;
	v5 =	vadd.bf16 v5, v9;
	v9 =	vmul.bf16 v10, v21;
	v13 =	vld [tilespmem:s26+$0x14000]  }
0x19c: {  	v2 =	vsub.bf16 v2, v6;
	v3 =	vadd.bf16 v3, v20;
	v14 =	vmul.bf16 v14, v21;
	v10 =	vld [tilespmem:s26+$0x14080]  }
0x19d: {  	s24 =	sadd.s32 $0x1, s24;
	v6 =	vadd.bf16 v9, v15;
	v9 =	vmul.bf16 v22, v21;
	v15 =	vmul.bf16 v0, v7;
	v17 =	vld [tilespmem:s31+$0x14080]  }
0x19e: {  	s0 =	sand.u32 $0x3, s24;
	v23 =	vmul.bf16 v0, v8;
	v11 =	vadd.bf16 v14, v11;
	v14 =	vmul.bf16 v4, v21;
	v18 =	vld [tilespmem:s26+$0x18000]  }
0x19f: {  	s0 =	sshll.u32 s0, $0x5;
	v5 =	vadd.bf16 v9, v5;
	v9 =	vsub.bf16 v16, v6;
	v8 =	vld [tilespmem:s26+$0x14100];
	v7 =	vunpack.i.l.s16.s32 v12  }
0x1a0: {  	s0 =	sadd.s32 s0, s15;
	v6 =	vunpack.i.u.s16.s32 v12;
	v24 =	vunpack.i.u.s16.s32 v13;
	v25 =	vunpack.i.l.s16.s32 v13;
	v13 =	vld [tilespmem:s26+$0x18080]  }
0x1a1: {  	s28 =	sor.u32 $0x180, s0;
	s0 =	sadd.s32 $0x10, s0;
	v3 =	vadd.bf16 v14, v3;
	v4 =	vunpack.i.u.s16.s32 v10;
	v22 =	vunpack.i.l.s16.s32 v10;
	v10 =	vld [tilespmem:s31+$0x14100]  }
0x1a2: {  	s0 =	sor.u32 $0x180, s0;
	v11 =	vsub.bf16 v16, v11;
	v26 =	vsub.bf16 v16, v5;
	v14 =	vld [tilespmem:s31+$0x18000];
	v12 =	vunpack.i.l.s16.s32 v17  }
0x1a3: {  	v28 =	vsub.bf16 v16, v3;
	v5 =	vunpack.i.u.bf16.f32 v18;
	v18 =	vunpack.i.l.bf16.f32 v18;
	v27 =	vld [tilespmem:s0+$0x14000]  }
0x1a4: {  	v16 =	vunpack.i.u.s16.s32 v17;
	v29 =	vpack.i.f32.bf16 v18, v18;
	v30 =	vpack.i.f32.bf16 v5, v5;
	v18 =	vld.idx.msk [tilespmem:v7+s25+$0x0], $0xffff  }
0x1a5: {  	v3 =	vunpack.i.u.s16.s32 v8;
	v5 =	vunpack.i.l.s16.s32 v8;
	v17 =	vunpack.i.l.bf16.f32 v13;
	v31 =	vld.idx.msk [tilespmem:v6+s25+$0x0], $0xffff  }
0x1a6: {  	v8 =	vunpack.i.u.bf16.f32 v13;
	v21 =	vpack.i.f32.bf16 v17, v17;
	v32 =	vld [tilespmem:s31+$0x18080];
	v19 =	vunpack.i.l.s16.s32 v10  }
0x1a7: {  	v2 =	vmul.bf16 v0, v2;
	v34 =	vmul.bf16 v0, v9;
	v17 =	vpack.i.f32.bf16 v8, v8;
	v33 =	vld.idx.msk [tilespmem:v12+s25+$0x0], $0xffff  }
0x1a8: {  	v36 =	vmul.bf16 v0, v11;
	v26 =	vmul.bf16 v0, v26;
	v20 =	vunpack.i.u.s16.s32 v10;
	v35 =	vld.idx.msk [tilespmem:v25+s3+$0x0], $0xffff  }
0x1a9: {  	v28 =	vmul.bf16 v0, v28;
	v8 =	vunpack.i.u.bf16.f32 v14;
	v9 =	vunpack.i.l.bf16.f32 v14;
	v10 =	vld.idx.msk [tilespmem:v16+s25+$0x0], $0xffff  }
0x1aa: {  	v11 =	vpack.i.f32.bf16 v9, v9;
	v8 =	vpack.i.f32.bf16 v8, v8;
	v9 =	vunpack.i.l.s16.s32 v27;
	v37 =	vld [tilespmem:s31+$0x18100]  }
0x1ab: {  	v18 =	vmul.bf16 v18, v11;
	v31 =	vmul.bf16 v31, v8;
	v13 =	vunpack.i.l.bf16.f32 v32;
	v38 =	vld.idx.msk [tilespmem:v19+s25+$0x0], $0xffff  }
0x1ac: {  	v39 =	vld.idx.msk [tilespmem:v25+s6+$0x0], $0xffff;
	v14 =	vpack.i.f32.bf16 v13, v13;
	v13 =	vunpack.i.u.s16.s32 v27;
	(erf) = vpow2.bf16 v15  }
0x1ad: {  	v15 =	vadd.bf16 v31, v18;
	v18 =	vunpack.i.u.bf16.f32 v32;
	v27 =	vmul.bf16 v33, v14;
	v31 =	vld.idx.msk [tilespmem:v20+s25+$0x0], $0xffff  }
0x1ae: {  	v32 =	vmul.bf16 v35, v29;
	v18 =	vpack.i.f32.bf16 v18, v18;
	v33 =	vld [tilespmem:s0+$0x18000];
	(erf) = vpow2.bf16 v23  }
0x1af: {  	v10 =	vmul.bf16 v10, v18;
	v15 =	vadd.bf16 v27, v15;
	v23 =	vunpack.i.l.bf16.f32 v37;
	v27 =	vld.idx.msk [tilespmem:v9+s25+$0x0], $0xffff  }
0x1b0: {  	v35 =	vld.idx.msk [tilespmem:v25+s7+$0x0], $0xffff;
	v23 =	vpack.i.f32.bf16 v23, v23;
	(erf) = vpow2.bf16 v2  }
0x1b1: {  	v2 =	vadd.bf16 v10, v15;
	v10 =	vunpack.i.u.bf16.f32 v37;
	v15 =	vmul.bf16 v38, v23;
	v37 =	vld.idx.msk [tilespmem:v13+s25+$0x0], $0xffff  }
0x1b2: {  	v38 =	vmul.bf16 v39, v29;
	v25 =	vld.idx.msk [tilespmem:v25+s25+$0x0], $0xffff;
	v39 =	vpack.i.f32.bf16 v10, v10;
	(erf) = vpow2.bf16 v34  }
0x1b3: {  	v34 =	vld.idx.msk [tilespmem:v24+s3+$0x0], $0xffff;
	v2 =	vadd.bf16 v15, v2;
	v15 =	vmul.bf16 v31, v39;
	v10 =	vunpack.i.l.bf16.f32 v33  }
0x1b4: {  	s0 =	sand.u32 $0xF80, s21;
	v31 =	vld.idx.msk [tilespmem:v24+s6+$0x0], $0xffff;
	v10 =	vpack.i.f32.bf16 v10, v10;
	(erf) = vpow2.bf16 v36  }
0x1b5: {  	s30 =	sor.u32 s0, s30;
	v36 =	vld.idx.msk [tilespmem:v24+s7+$0x0], $0xffff;
	v40 =	vadd.bf16 v15, v2;
	v2 =	vunpack.i.u.bf16.f32 v33;
	v27 =	vmul.bf16 v27, v10  }
0x1b6: {  	v33 =	vmul.bf16 v35, v29;
	v15 =	vpack.i.f32.bf16 v2, v2;
	v2 =	vld [tilespmem:s30+$0x1C000];
	(erf) = vpow2.bf16 v26;
	v26 =	vpop (erf)  }
0x1b7: {  	v24 =	vld.idx.msk [tilespmem:v24+s25+$0x0], $0xffff;
	v27 =	vadd.bf16 v27, v40;
	v35 =	vmul.bf16 v37, v15;
	v40 =	vadd.bf16 v1, v26  }
0x1b8: {  	v25 =	vmul.bf16 v25, v29;
	v29 =	vld.idx.msk [tilespmem:v22+s3+$0x0], $0xffff;
	(erf) = vpow2.bf16 v28;
	v28 =	vpop (erf)  }
0x1b9: {  	v34 =	vmul.bf16 v34, v30;
	v37 =	vld.idx.msk [tilespmem:v22+s6+$0x0], $0xffff;
	v27 =	vadd.bf16 v35, v27;
	v28 =	vadd.bf16 v1, v28  }
0x1ba: {  	v31 =	vmul.bf16 v31, v30;
	v35 =	vld.idx.msk [tilespmem:v22+s7+$0x0], $0xffff;
	(erf) = vrcp.bf16 v40;
	v26 =	vpop (erf)  }
0x1bb: {  	v32 =	vadd.bf16 v34, v32;
	v34 =	vmul.bf16 v36, v30;
	v22 =	vld.idx.msk [tilespmem:v22+s25+$0x0], $0xffff;
	v27 =	vsub.bf16 v2, v27  }
0x1bc: {  	v31 =	vadd.bf16 v31, v38;
	v26 =	vadd.bf16 v1, v26;
	v36 =	vld.idx.msk [tilespmem:v4+s3+$0x0], $0xffff;
	v38 =	vpop (erf);
	(erf) = vrcp.bf16 v28  }
0x1bd: {  	v28 =	vadd.bf16 v34, v33;
	v24 =	vmul.bf16 v24, v30;
	v30 =	vld.idx.msk [tilespmem:v4+s6+$0x0], $0xffff;
	v27 =	vmul.bf16 v0, v27  }
0x1be: {  	v29 =	vmul.bf16 v29, v21;
	v34 =	vadd.bf16 v1, v38;
	v33 =	vld.idx.msk [tilespmem:v4+s7+$0x0], $0xffff;
	v38 =	vpop (erf)  }
0x1bf: {  	v24 =	vadd.bf16 v24, v25;
	v25 =	vmul.bf16 v37, v21;
	v4 =	vld.idx.msk [tilespmem:v4+s25+$0x0], $0xffff;
	(erf) = vpow2.bf16 v27  }
0x1c0: {  	v27 =	vadd.bf16 v29, v32;
	v29 =	vmul.bf16 v35, v21;
	v35 =	vadd.bf16 v1, v38;
	v32 =	vld [tilespmem:s28+$0x14000];
	v37 =	vpop (erf)  }
0x1c1: {  	v25 =	vadd.bf16 v25, v31;
	v21 =	vmul.bf16 v22, v21;
	v31 =	vld.idx.msk [tilespmem:v20+s3+$0x0], $0xffff;
	v37 =	vadd.bf16 v1, v37  }
0x1c2: {  	v22 =	vadd.bf16 v29, v28;
	v28 =	vmul.bf16 v36, v17;
	v29 =	vld.idx.msk [tilespmem:v20+s6+$0x0], $0xffff;
	v36 =	vpop (erf);
	(erf) = vrcp.bf16 v26  }
0x1c3: {  	v24 =	vadd.bf16 v21, v24;
	v21 =	vmul.bf16 v30, v17;
	v26 =	vld.idx.msk [tilespmem:v20+s7+$0x0], $0xffff;
	v30 =	vadd.bf16 v1, v36  }
0x1c4: {  	v20 =	vadd.bf16 v28, v27;
	v27 =	vmul.bf16 v33, v17;
	v28 =	vld.idx.msk [tilespmem:v19+s3+$0x0], $0xffff;
	(erf) = vrcp.bf16 v34;
	v33 =	vpop (erf)  }
0x1c5: {  	v21 =	vadd.bf16 v21, v25;
	v25 =	vmul.bf16 v4, v17;
	v17 =	vunpack.i.l.s16.s32 v32;
	v34 =	vld.idx.msk [tilespmem:v19+s6+$0x0], $0xffff  }
0x1c6: {  	v22 =	vadd.bf16 v27, v22;
	v4 =	vunpack.i.u.s16.s32 v32;
	v27 =	vld.idx.msk [tilespmem:v19+s7+$0x0], $0xffff;
	(erf) = vrcp.bf16 v35;
	v32 =	vpop (erf)  }
0x1c7: {  	v19 =	vadd.bf16 v25, v24;
	v25 =	vmul.bf16 v31, v39;
	v31 =	vunpack.i.u.bf16.f32 v33;
	v35 =	vld.idx.msk [tilespmem:v16+s3+$0x0], $0xffff  }
0x1c8: {  	v24 =	vmul.bf16 v29, v39;
	v29 =	vunpack.i.l.bf16.f32 v33;
	v36 =	vld.idx.msk [tilespmem:v16+s6+$0x0], $0xffff;
	[tilespmem:s14+$0x5000] =	vst v31;
	(erf) = vrcp.bf16 v37  }
0x1c9: {  	v31 =	vld.idx.msk [tilespmem:v16+s7+$0x0], $0xffff;
	v16 =	vmul.bf16 v26, v39;
	v26 =	vpop (erf);
	[tilespmem:s14+$0x4000] =	vst v29;
	v29 =	vunpack.i.u.bf16.f32 v32;
	v32 =	vunpack.i.l.bf16.f32 v32  }
0x1ca: {  	v28 =	vmul.bf16 v28, v23;
	v33 =	vld.idx.msk [tilespmem:v12+s3+$0x0], $0xffff;
	v37 =	vadd.bf16 v1, v26;
	[tilespmem:s14+$0x6000] =	vst v32;
	(erf) = vrcp.bf16 v30  }
0x1cb: {  	v32 =	vmul.bf16 v34, v23;
	v30 =	vld.idx.msk [tilespmem:v12+s6+$0x0], $0xffff;
	[tilespmem:s14+$0x7000] =	vst v29  }
0x1cc: {  	v23 =	vmul.bf16 v27, v23;
	v12 =	vld.idx.msk [tilespmem:v12+s7+$0x0], $0xffff;
	(erf) = vrcp.bf16 v37;
	v26 =	vpop (erf)  }
0x1cd: {  	v29 =	vmul.bf16 v35, v18;
	v27 =	vld.idx.msk [tilespmem:v7+s3+$0x0], $0xffff;
	v34 =	vunpack.i.u.bf16.f32 v26;
	v37 =	vunpack.i.l.bf16.f32 v26  }
0x1ce: {  	v36 =	vmul.bf16 v36, v18;
	v35 =	vld.idx.msk [tilespmem:v7+s6+$0x0], $0xffff;
	[tilespmem:s14+$0x8000] =	vst v37;
	v26 =	vpop (erf)  }
0x1cf: {  	v18 =	vmul.bf16 v31, v18;
	v7 =	vld.idx.msk [tilespmem:v7+s7+$0x0], $0xffff;
	v31 =	vunpack.i.u.bf16.f32 v26;
	v37 =	vunpack.i.l.bf16.f32 v26;
	[tilespmem:s14+$0x9000] =	vst v34;
	s14 =	smov.u32 s30  }
0x1d0: {  	v33 =	vmul.bf16 v33, v14;
	v34 =	vld.idx.msk [tilespmem:v6+s3+$0x0], $0xffff;
	[tilespmem:s18+$0x4000] =	vst v37;
	v26 =	vpop (erf)  }
0x1d1: {  	v30 =	vmul.bf16 v30, v14;
	v37 =	vld.idx.msk [tilespmem:v6+s6+$0x0], $0xffff;
	[tilespmem:s18+$0x5000] =	vst v31;
	v31 =	vunpack.i.u.bf16.f32 v26;
	v26 =	vunpack.i.l.bf16.f32 v26  }
0x1d2: {  	v12 =	vmul.bf16 v12, v14;
	v6 =	vld.idx.msk [tilespmem:v6+s7+$0x0], $0xffff;
	[tilespmem:s18+$0x6000] =	vst v26;
	v14 =	vpop (erf)  }
0x1d3: {  	v26 =	vmul.bf16 v27, v11;
	v27 =	vld.idx.msk [tilespmem:v13+s3+$0x0], $0xffff;
	[tilespmem:s18+$0x7000] =	vst v31;
	v31 =	vunpack.i.u.bf16.f32 v14;
	v39 =	vunpack.i.l.bf16.f32 v14  }
0x1d4: {  	v35 =	vmul.bf16 v35, v11;
	v38 =	vld.idx.msk [tilespmem:v13+s6+$0x0], $0xffff;
	[tilespmem:s18+$0x8000] =	vst v39;
	v14 =	vpop (erf)  }
0x1d5: {  	v11 =	vmul.bf16 v7, v11;
	v13 =	vld.idx.msk [tilespmem:v13+s7+$0x0], $0xffff;
	[tilespmem:s18+$0x9000] =	vst v31;
	v7 =	vunpack.i.u.bf16.f32 v14;
	v14 =	vunpack.i.l.bf16.f32 v14  }
0x1d6: {  	v31 =	vmul.bf16 v34, v8;
	v34 =	vld.idx.msk [tilespmem:v9+s3+$0x0], $0xffff;
	v39 =	vpop (erf);
	[tilespmem:s18+$0xA000] =	vst v14  }
0x1d7: {  	v14 =	vmul.bf16 v37, v8;
	v37 =	vld.idx.msk [tilespmem:v9+s6+$0x0], $0xffff;
	v40 =	vunpack.i.u.bf16.f32 v39;
	v39 =	vunpack.i.l.bf16.f32 v39;
	[tilespmem:s18+$0xB000] =	vst v7;
	s18 =	smov.u32 s29  }
0x1d8: {  	v26 =	vadd.bf16 v31, v26;
	v6 =	vmul.bf16 v6, v8;
	v9 =	vld.idx.msk [tilespmem:v9+s7+$0x0], $0xffff;
	[tilespmem:s14+$0xB000] =	vst v40  }
0x1d9: {  	v14 =	vadd.bf16 v14, v35;
	v7 =	vmul.bf16 v27, v15;
	v31 =	vld [tilespmem:s26+$0x18100];
	[tilespmem:s14+$0xA000] =	vst v39  }
0x1da: {  	v11 =	vadd.bf16 v6, v11;
	v26 =	vadd.bf16 v33, v26;
	v8 =	vmul.bf16 v38, v15;
	v27 =	vld.idx.msk [tilespmem:v5+s3+$0x0], $0xffff  }
0x1db: {  	v14 =	vadd.bf16 v30, v14;
	v6 =	vmul.bf16 v13, v15;
	v33 =	vld.idx.msk [tilespmem:v5+s6+$0x0], $0xffff  }
0x1dc: {  	v11 =	vadd.bf16 v12, v11;
	v12 =	vadd.bf16 v29, v26;
	v26 =	vmul.bf16 v34, v10;
	v13 =	vld.idx.msk [tilespmem:v5+s7+$0x0], $0xffff  }
0x1dd: {  	v14 =	vadd.bf16 v36, v14;
	v29 =	vmul.bf16 v37, v10;
	v5 =	vld.idx.msk [tilespmem:v5+s25+$0x0], $0xffff  }
0x1de: {  	v11 =	vadd.bf16 v18, v11;
	v15 =	vunpack.i.u.bf16.f32 v31;
	v30 =	vunpack.i.l.bf16.f32 v31;
	v31 =	vld.idx.msk [tilespmem:v3+s3+$0x0], $0xffff  }
0x1df: {  	v12 =	vadd.bf16 v28, v12;
	v18 =	vpack.i.f32.bf16 v30, v30;
	v30 =	vpack.i.f32.bf16 v15, v15;
	v34 =	vld.idx.msk [tilespmem:v3+s6+$0x0], $0xffff  }
0x1e0: {  	v14 =	vadd.bf16 v32, v14;
	v11 =	vadd.bf16 v23, v11;
	v15 =	vmul.bf16 v27, v18;
	v27 =	vld.idx.msk [tilespmem:v3+s7+$0x0], $0xffff  }
0x1e1: {  	v9 =	vmul.bf16 v9, v10;
	v23 =	vmul.bf16 v33, v18;
	v28 =	vld.idx.msk [tilespmem:v3+s25+$0x0], $0xffff;
	v3 =	vadd.bf16 v25, v12  }
0x1e2: {  	v12 =	vmul.bf16 v13, v18;
	v13 =	vadd.bf16 v24, v14;
	v10 =	vadd.bf16 v15, v20;
	v25 =	vld [tilespmem:s28+$0x18000]  }
0x1e3: {  	v14 =	vadd.bf16 v23, v21;
	v5 =	vmul.bf16 v5, v18;
	v21 =	vadd.bf16 v16, v11;
	v15 =	vld.idx.msk [tilespmem:v17+s3+$0x0], $0xffff  }
.Ltmp17:
0x1e4: {  	v22 =	vadd.bf16 v12, v22;
	v12 =	vmul.bf16 v31, v30;
	v16 =	vadd.bf16 v26, v3;
	v11 =	vld.idx.msk [tilespmem:v17+s6+$0x0], $0xffff;
	(pc) =	sbr.rel @p0 .LBB2_37-.Ltmp17, $4  }
0x1e5: {  	v20 =	vadd.bf16 v5, v19;
	v23 =	vmul.bf16 v34, v30;
	v19 =	vadd.bf16 v29, v13;
	v5 =	vld.idx.msk [tilespmem:v17+s7+$0x0], $0xffff  }
0x1e6: {  	v18 =	vadd.bf16 v12, v10;
	v24 =	vmul.bf16 v27, v30;
	v12 =	vadd.bf16 v9, v21;
	v3 =	vld.idx.msk [tilespmem:v17+s25+$0x0], $0xffff  }
0x1e7: {  	v13 =	vadd.bf16 v23, v14;
	v21 =	vmul.bf16 v28, v30;
	v14 =	vunpack.i.l.bf16.f32 v25;
	v10 =	vld.idx.msk [tilespmem:v4+s3+$0x0], $0xffff  }
0x1e8: {  	s21 =	sadd.s32 $0x20, s21;
	v9 =	vadd.bf16 v24, v22;
	v22 =	vunpack.i.u.bf16.f32 v25;
	v17 =	vpack.i.f32.bf16 v14, v14;
	v14 =	vld.idx.msk [tilespmem:v4+s6+$0x0], $0xffff  }
0x1e9: {  	_ =	sdelay $0x1  }
0x1ea: {  	v15 =	vmul.bf16 v15, v17;
	v7 =	vadd.bf16 v7, v16  }
0x1eb: {  	v50 =	vadd.bf16 v21, v20;
	v11 =	vmul.bf16 v11, v17;
	v8 =	vadd.bf16 v8, v19  }
0x1ec: {  	v51 =	vpack.i.f32.bf16 v22, v22;
	v52 =	vld.idx.msk [tilespmem:v4+s7+$0x0], $0xffff;
	v6 =	vadd.bf16 v6, v12;
	v15 =	vadd.bf16 v15, v18  }
0x1ed: {  	v53 =	vld [tilespmem:s18+$0x1C000];
	v5 =	vmul.bf16 v5, v17;
	v7 =	vsub.bf16 v2, v7;
	v11 =	vadd.bf16 v11, v13  }
0x1ee: {  	v54 =	vld.idx.msk [tilespmem:v4+s25+$0x0], $0xffff;
	v8 =	vsub.bf16 v2, v8;
	v3 =	vmul.bf16 v3, v17;
	v10 =	vmul.bf16 v10, v51  }
0x1ef: {  	v2 =	vsub.bf16 v2, v6;
	v5 =	vadd.bf16 v5, v9;
	v7 =	vmul.bf16 v0, v7  }
0x1f0: {  	v55 =	vmul.bf16 v14, v51;
	v8 =	vmul.bf16 v0, v8;
	v56 =	vadd.bf16 v10, v15  }
0x1f1: {  	v3 =	vadd.bf16 v3, v50;
	v57 =	vmul.bf16 v52, v51;
	(erf) = vpow2.bf16 v7  }
0x1f2: {  	v2 =	vmul.bf16 v0, v2;
	v58 =	vadd.bf16 v55, v11;
	v6 =	vsub.bf16 v53, v56  }
0x1f3: {  	v4 =	vmul.bf16 v54, v51;
	v5 =	vadd.bf16 v57, v5;
	(erf) = vpow2.bf16 v8  }
0x1f4: {  	v59 =	vsub.bf16 v53, v58;
	v6 =	vmul.bf16 v0, v6  }
0x1f5: {  	(erf) = vpow2.bf16 v2;
	v2 =	vadd.bf16 v4, v3;
	v3 =	vsub.bf16 v53, v5  }
0x1f6: {  	v60 =	vmul.bf16 v0, v59  }
0x1f7: {  	(erf) = vpow2.bf16 v6;
	v3 =	vmul.bf16 v0, v3;
	_ =	sdelay $0x1  }
0x1f8: {  	v2 =	vsub.bf16 v53, v2;
	(erf) = vpow2.bf16 v60;
	_ =	sdelay $0x1  }
0x1f9: {  	v2 =	vmul.bf16 v0, v2;
	(erf) = vpow2.bf16 v3;
	v3 =	vpop (erf)  }
0x1fa: {  	v3 =	vadd.bf16 v1, v3;
	_ =	sdelay $0x1  }
0x1fb: {  	(erf) = vpow2.bf16 v2  }
0x1fc: {  	v2 =	vpop (erf)  }
0x1fd: {  	v2 =	vadd.bf16 v1, v2;
	(erf) = vrcp.bf16 v3;
	v3 =	vpop (erf)  }
0x1fe: {  	v3 =	vadd.bf16 v1, v3  }
0x1ff: {  	(erf) = vrcp.bf16 v2;
	_ =	sdelay $0x1  }
0x200: {  	v2 =	vpop (erf)  }
0x201: {  	v2 =	vadd.bf16 v1, v2;
	(erf) = vrcp.bf16 v3;
	v3 =	vpop (erf)  }
0x202: {  	v3 =	vadd.bf16 v1, v3;
	_ =	sdelay $0x1  }
0x203: {  	(erf) = vrcp.bf16 v2  }
0x204: {  	v2 =	vpop (erf)  }
0x205: {  	v2 =	vadd.bf16 v1, v2;
	(erf) = vrcp.bf16 v3;
	v3 =	vpop (erf)  }
0x206: {  	v61 =	vpop (erf)  }
0x207: {  	(erf) = vrcp.bf16 v2;
	v2 =	vunpack.i.u.bf16.f32 v61;
	v62 =	vpop (erf)  }
0x208: {  	[tilespmem:s14+$0x5000] =	vst v2;
	v2 =	vunpack.i.l.bf16.f32 v62  }
0x209: {  	v3 =	vadd.bf16 v1, v3;
	_ =	sdelay $0x1  }
0x20a: {  	(erf) = vrcp.bf16 v3;
	v3 =	vunpack.i.u.bf16.f32 v62;
	[tilespmem:s14+$0x6000] =	vst v2;
	v2 =	vpop (erf)  }
0x20b: {  	[tilespmem:s14+$0x7000] =	vst v3;
	v3 =	vunpack.i.l.bf16.f32 v2;
	_ =	sdelay $0x2  }
0x20c: {  	v2 =	vunpack.i.u.bf16.f32 v2;
	[tilespmem:s14+$0x8000] =	vst v3;
	v3 =	vpop (erf)  }
0x20d: {  	[tilespmem:s14+$0x9000] =	vst v2;
	v63 =	vunpack.i.l.bf16.f32 v3;
	v2 =	vunpack.i.u.bf16.f32 v3;
	v3 =	vpop (erf)  }
0x20e: {  	[tilespmem:s18+$0x5000] =	vst v2;
	v2 =	vunpack.i.l.bf16.f32 v3;
	_ =	sdelay $0x2  }
0x20f: {  	v3 =	vunpack.i.u.bf16.f32 v3;
	[tilespmem:s18+$0x6000] =	vst v2;
	v2 =	vpop (erf)  }
0x210: {  	v4 =	vunpack.i.l.bf16.f32 v61;
	[tilespmem:s18+$0x7000] =	vst v3;
	v3 =	vunpack.i.l.bf16.f32 v2  }
0x211: {  	[tilespmem:s14+$0x4000] =	vst v4  }
0x212: {  	[tilespmem:s18+$0x4000] =	vst v63  }
0x213: {  	v2 =	vunpack.i.u.bf16.f32 v2;
	[tilespmem:s18+$0x8000] =	vst v3;
	v3 =	vpop (erf)  }
0x214: {  	s0 =	sshll.u32 s5, $0xC;
	[tilespmem:s18+$0x9000] =	vst v2;
	v2 =	vunpack.i.l.bf16.f32 v3  }
0x215: {  	s1 =	rddreg [dreg:$0x2];
	s2 =	simm.s32 $0x80;
	s0 =	sadd.s32 s4, s0;
	v3 =	vunpack.i.u.bf16.f32 v3;
	[tilespmem:s18+$0xA000] =	vst v2  }
0x216: {  	s10 =	simm.s32 $0x400;
	s8 =	simm.s32 $0x4000;
	s1 =	sadd.s32 s1, s0;
	[tilespmem:s18+$0xB000] =	vst v3  }
0x217: {  	[hbm4b:s1+s2] =	stream.strided.scatter [tilespmem:s8], [sflag:$0x2], $0x1000, s10, s2, $0x38;
	[tilespmem:$0x1D000] =	vst v63  }
0x218: {  	s11 =	rddreg [dreg:$0x12]  }
0x219: {  	s12 =	simm.s32 $0x5000;
	s13 =	rddreg [dreg:$0x14];
	s1 =	sadd.s32 s0, s11  }
0x21a: {  	[hbm4b:s1+s2] =	stream.strided.scatter [tilespmem:s12], [sflag:$0x2], $0x1000, s10, s2, $0x38;
	[tilespmem:$0x1D000] =	vst v63  }
0x21b: {  	s14 =	simm.s32 $0x6000;
	s15 =	rddreg [dreg:$0x15];
	s1 =	sadd.s32 s0, s13  }
0x21c: {  	[hbm4b:s1+s2] =	stream.strided.scatter [tilespmem:s14], [sflag:$0x2], $0x1000, s10, s2, $0x38;
	[tilespmem:$0x1D000] =	vst v63  }
0x21d: {  	s18 =	simm.s32 $0x7000;
	s20 =	rddreg [dreg:$0x16];
	s1 =	sadd.s32 s0, s15  }
0x21e: {  	[hbm4b:s1+s2] =	stream.strided.scatter [tilespmem:s18], [sflag:$0x2], $0x1000, s10, s2, $0x38;
	[tilespmem:$0x1D000] =	vst v63  }
0x21f: {  	s21 =	simm.s32 $0x8000;
	s24 =	rddreg [dreg:$0x17];
	s1 =	sadd.s32 s0, s20  }
0x220: {  	[hbm4b:s1+s2] =	stream.strided.scatter [tilespmem:s21], [sflag:$0x2], $0x1000, s10, s2, $0x38;
	[tilespmem:$0x1D000] =	vst v63  }
0x221: {  	s26 =	simm.s32 $0x9000;
	p0 =	sne.s32 s9, $0x4;
	s1 =	sadd.s32 s0, s24  }
0x222: {  	[hbm4b:s1+s2] =	stream.strided.scatter [tilespmem:s26], [sflag:$0x2], $0x1000, s10, s2, $0x38;
	[tilespmem:$0x1D000] =	vst v63  }
.Ltmp18:
0x223: {  	s28 =	rddreg [dreg:$0x18];
	(pc) =	sbr.rel @p0 .LBB2_18-.Ltmp18, $4  }
0x224: {  	s29 =	simm.s32 $0xA000;
	s30 =	rddreg [dreg:$0x19];
	s1 =	sadd.s32 s0, s28  }
0x225: {  	[hbm4b:s1+s2] =	stream.strided.scatter [tilespmem:s29], [sflag:$0x2], $0x1000, s10, s2, $0x38;
	[tilespmem:$0x1D000] =	vst v63  }
0x226: {  	s31 =	simm.s32 $0xB000;
	s0 =	sadd.s32 s0, s30  }
0x227: {  	[hbm4b:s0+s2] =	stream.strided.scatter [tilespmem:s31], [sflag:$0x2], $0x1000, s10, s2, $0x38;
	[tilespmem:$0x1D000] =	vst v63  }
0x228: {  	s0 =	simm.s32 $0x2  }
0x229: {  	_ =	swait.ge [sflag:s0], $0x1000  }
0x22a: {  	[sflag:s0] =	ssyncset.done $0x0  }
0x22b: {  	s1 =	simm.s32 $0x1;
	[sflag:s0] =	ssyncadd.s32 $0xFFFFF000  }
0x22c: {  	_ =	swait.ge [sflag:s1], $0x1000  }
0x22d: {  	[sflag:s1] =	ssyncset.done $0x0  }
0x22e: {  	[sflag:s1] =	ssyncadd.s32 $0xFFFFF000  }
0x22f: {  	_ =	swait.ge [sflag:s0], $0x1000  }
0x230: {  	[sflag:s0] =	ssyncset.done $0x0  }
0x231: {  	[sflag:s0] =	ssyncadd.s32 $0xFFFFF000  }
0x232: {  	_ =	swait.ge [sflag:s1], $0x1000  }
0x233: {  	[sflag:s1] =	ssyncset.done $0x0  }
0x234: {  	[sflag:s1] =	ssyncadd.s32 $0xFFFFF000  }
0x235: {  	_ =	swait.ge [sflag:s0], $0x1000  }
0x236: {  	[sflag:s0] =	ssyncset.done $0x0  }
0x237: {  	[sflag:s0] =	ssyncadd.s32 $0xFFFFF000  }
0x238: {  	_ =	swait.ge [sflag:s1], $0x1000  }
0x239: {  	[sflag:s1] =	ssyncset.done $0x0  }
0x23a: {  	[sflag:s1] =	ssyncadd.s32 $0xFFFFF000  }
0x23b: {  	_ =	swait.ge [sflag:s0], $0x1000  }
0x23c: {  	[sflag:s0] =	ssyncset.done $0x0  }
0x23d: {  	[sflag:s0] =	ssyncadd.s32 $0xFFFFF000  }
0x23e: {  	_ =	swait.ge [sflag:s1], $0x1000  }
0x23f: {  	[sflag:s1] =	ssyncset.done $0x0  }
0x240: {  	[sflag:s1] =	ssyncadd.s32 $0xFFFFF000  }
0x241: {  	_ =	swait.ge [sflag:s0], $0x1000  }
0x242: {  	[sflag:s0] =	ssyncset.done $0x0  }
0x243: {  	[sflag:s0] =	ssyncadd.s32 $0xFFFFF000  }
0x244: {  	_ =	swait.ge [sflag:s1], $0x1000  }
0x245: {  	[sflag:s1] =	ssyncset.done $0x0  }
0x246: {  	[sflag:s1] =	ssyncadd.s32 $0xFFFFF000  }
0x247: {  	_ =	swait.ge [sflag:s0], $0x1000  }
0x248: {  	[sflag:s0] =	ssyncset.done $0x0  }
0x249: {  	[sflag:s0] =	ssyncadd.s32 $0xFFFFF000  }
0x24a: {  	_ =	swait.ge [sflag:s1], $0x1000  }
0x24b: {  	[sflag:s1] =	ssyncset.done $0x0  }
0x24c: {  	[sflag:s1] =	ssyncadd.s32 $0xFFFFF000  }
0x24d: {  	_ =	swait.ge [sflag:s0], $0x1000  }
0x24e: {  	[sflag:s0] =	ssyncset.done $0x0  }
0x24f: {  	[sflag:s0] =	ssyncadd.s32 $0xFFFFF000  }
0x250: {  	_ =	swait.ge [sflag:s1], $0x1000  }
0x251: {  	[sflag:s1] =	ssyncset.done $0x0  }
0x252: {  	[sflag:s1] =	ssyncadd.s32 $0xFFFFF000  }
0x253: {  	_ =	swait.ge [sflag:s0], $0x1000  }
0x254: {  	[sflag:s0] =	ssyncset.done $0x0  }
0x255: {  	[sflag:s0] =	ssyncadd.s32 $0xFFFFF000  }
0x256: {  	_ =	swait.ge [sflag:s1], $0x1000  }
0x257: {  	s2 =	rddreg [dreg:$0x1a]  }
0x258: {  	s31 =	rddreg [dreg:$0x13];
	s2 =	sadd.s32 $0x1, s2  }
0x259: {  	p0 =	sne.s32 s2, s31  }
.Ltmp19:
0x25a: {  	_ = 	snop;
	(pc) =	sbr.rel @p0 .LBB2_1-.Ltmp19, $4  }
0x25b: {  	_ = 	snop  }
0x25c: {  	s8 =	rddreg [dreg:$0x9]  }
0x25d: {  	[sflag:s1] =	ssyncset.done $0x0;
	s10 =	rddreg [dreg:$0xc]  }
0x25e: {  	[sflag:s1] =	ssyncadd.s32 $0xFFFFF000;
	s1 =	rddreg [dreg:$0xa]  }
0x25f: {  	_ =	sfence.sel $0x180000  }
0x260: {  	[bflag:$0x0] =	sbarrier.arrive $0xFFFF  }
0x261: {  	_ =	strace $0x90000047  }
0x262: {  	s0 =	stileid.u32;
	[bflag:$0x2] =	sbarrier.arrive $0xFFFF  }
0x263: {  	p0 =	sne.s32 s0, $0x0;
	s0 =	rddreg [dreg:$0x3]  }
0x264: {  	s0 =	sadd.s32 @!p0 $0x100000, s0  }
0x265: {  	[sflag:s0] =	ssyncadd.tile.s32 @!p0 $0x1;
	_ =	shalt  }
.Lfunc_end2:
_tile_overlayer_lowered:
.L_overlay_start_2:
0x266: {  	(tag) =	ssettag $0x2  }
0x267: {  	s0 =	rddreg [dreg:$0x0];
	s2 =	stileid.u32  }
0x268: {  	s1 =	rddreg [dreg:$0x1];
	p0 =	sne.s32 s2, $0x0  }
0x269: {  	s3 =	rddreg [dreg:$0x2];
	[bflag:$0x3] =	sbarrier.arrive $0xFFFF;
	s2 =	simm.s32 @!p0 $0x1C03  }
0x26a: {  	[timem:s3], [sflag:s2] =	dma.local @!p0 [hbm:s0], s1  }
0x26b: {  	s0 =	simm.s32 @!p0 $0x3  }
0x26c: {  	_ =	swait.ge @!p0 [sflag:s0], s1  }
0x26d: {  	s1 =	ssub.s32 @!p0 $0x0, s1;
	[sflag:s0] =	ssyncset.done @!p0 $0x0  }
0x26e: {  	[sflag:s0] =	ssyncadd.s32 @!p0 s1  }
0x26f: {  	[bflag:$0x3] =	sbarrier.arrive $0xFFFF  }
0x270: {  	_ =	shalt  }

</sc_bundles>
